<compile_context>
chip_gen: v7x
topology: tpu7x:2x2x1
jax: 0.10.2.dev20260603
libtpu: 0.0.44.dev20260713+nightly
codegen_flags: <defaults>
</compile_context>

<pallas_src>
import functools

import jax
import jax.numpy as jnp
from jax import lax
from jax.experimental import pallas as pl
from jax.experimental.pallas import tpu as pltpu
from jax.experimental.pallas import tpu_sc as plsc

_NC = 2
_NS = 16
_NW = _NC * _NS
_CHUNK = 128


def _round_up(a: int, b: int) -> int:
    return (a + b - 1) // b * b


@functools.lru_cache(maxsize=None)
def _make_aggregate(n, d, k, npad, kp):
    mesh = plsc.VectorSubcoreMesh(core_axis_name="c", subcore_axis_name="s")
    zrows = npad // _NS
    nzc = zrows // _CHUNK
    zrem = zrows - nzc * _CHUNK
    npass = k // kp

    @functools.partial(
        pl.kernel,
        out_type=jax.ShapeDtypeStruct((_NC, npad, d), jnp.float32),
        mesh=mesh,
        scratch_types=[
            pltpu.VMEM((kp, _CHUNK), jnp.int32),
            pltpu.VMEM((kp, _CHUNK), jnp.int32),
            pltpu.VMEM((2, _CHUNK, d), jnp.float32),
            pltpu.VMEM_SHARED((npad, d), jnp.float32),
            pltpu.SemaphoreType.DMA,
            pltpu.SemaphoreType.DMA,
            pltpu.SemaphoreType.DMA,
            pltpu.SemaphoreType.DMA,
        ],
    )
    def aggregate(h_hbm, src_hbm, dst_hbm, out_hbm,
                  src_v, dst_v, rows_v, acc_sh, sem0, sem1, ssem0, ssem1):
        cid = lax.axis_index("c")
        sid = lax.axis_index("s")
        wid = sid * _NC + cid

        z16 = jnp.zeros((16,), jnp.float32)

        def zrow(r, _):
            def zcol(c, _):
                rows_v[0, r, pl.ds(c * 16, 16)] = z16
                return 0
            return lax.fori_loop(0, d // 16, zcol, 0)

        lax.fori_loop(0, _CHUNK, zrow, 0)
        zbase = sid * zrows
        for z in range(nzc):
            pltpu.sync_copy(rows_v.at[0],
                            acc_sh.at[pl.ds(zbase + z * _CHUNK, _CHUNK)])
        if zrem:
            pltpu.sync_copy(rows_v.at[0, pl.ds(0, zrem)],
                            acc_sh.at[pl.ds(zbase + nzc * _CHUNK, zrem)])
        plsc.subcore_barrier()

        for ps in range(npass):
            pltpu.sync_copy(src_hbm.at[wid, pl.ds(ps * kp, kp)], src_v)
            pltpu.sync_copy(dst_hbm.at[wid, pl.ds(ps * kp, kp)], dst_v)

            pltpu.async_copy(h_hbm.at[src_v.at[0]], rows_v.at[0], sem0)
            pltpu.async_copy(h_hbm.at[src_v.at[1]], rows_v.at[1], sem1)

            hh = _CHUNK // 2

            def scatter(j, buf):
                pltpu.async_copy(rows_v.at[buf, pl.ds(0, hh)],
                                 acc_sh.at[dst_v.at[j, pl.ds(0, hh)]],
                                 ssem0, add=True)
                pltpu.async_copy(rows_v.at[buf, pl.ds(hh, hh)],
                                 acc_sh.at[dst_v.at[j, pl.ds(hh, hh)]],
                                 ssem1, add=True)
                pltpu.make_async_copy(rows_v.at[buf, pl.ds(0, hh)],
                                      acc_sh.at[dst_v.at[j, pl.ds(0, hh)]],
                                      ssem0).wait()
                pltpu.make_async_copy(rows_v.at[buf, pl.ds(hh, hh)],
                                      acc_sh.at[dst_v.at[j, pl.ds(hh, hh)]],
                                      ssem1).wait()

            def pair(p, _):
                a = p * 2
                pltpu.make_async_copy(h_hbm.at[src_v.at[a]], rows_v.at[0],
                                      sem0).wait()
                scatter(a, 0)

                @pl.when(a + 2 < kp)
                def _():
                    pltpu.async_copy(h_hbm.at[src_v.at[a + 2]], rows_v.at[0],
                                     sem0)

                pltpu.make_async_copy(h_hbm.at[src_v.at[a + 1]], rows_v.at[1],
                                      sem1).wait()
                scatter(a + 1, 1)

                @pl.when(a + 3 < kp)
                def _():
                    pltpu.async_copy(h_hbm.at[src_v.at[a + 3]], rows_v.at[1],
                                     sem1)

                return 0

            lax.fori_loop(0, kp // 2, pair, 0)

        plsc.subcore_barrier()
        pltpu.sync_copy(acc_sh.at[pl.ds(zbase, zrows)],
                        out_hbm.at[cid, pl.ds(zbase, zrows)])

    return aggregate


@functools.lru_cache(maxsize=None)
def _make_mlp(n, d, h, relu_out, br, npad):
    def body(x_ref, p_ref, w1_ref, b1_ref, w2_ref, b2_ref, o_ref):
        t = x_ref[...] + p_ref[0] + p_ref[1]
        a = jnp.dot(t, w1_ref[...], preferred_element_type=jnp.float32)
        a = jnp.maximum(a + b1_ref[...], 0.0)
        o = jnp.dot(a, w2_ref[...], preferred_element_type=jnp.float32)
        o = o + b2_ref[...]
        if relu_out:
            o = jnp.maximum(o, 0.0)
        o_ref[...] = o

    return pl.pallas_call(
        body,
        grid=(n // br,),
        in_specs=[
            pl.BlockSpec((br, d), lambda i: (i, 0)),
            pl.BlockSpec((2, br, d), lambda i: (0, i, 0)),
            pl.BlockSpec((d, h), lambda i: (0, 0)),
            pl.BlockSpec((1, h), lambda i: (0, 0)),
            pl.BlockSpec((h, h), lambda i: (0, 0)),
            pl.BlockSpec((1, h), lambda i: (0, 0)),
        ],
        out_specs=pl.BlockSpec((br, h), lambda i: (i, 0)),
        out_shape=jax.ShapeDtypeStruct((n, h), jnp.float32),
    )


def kernel(x, edge_index, W1, b1, W2, b2):
    n, d = x.shape
    h = W1.shape[1]
    e = edge_index.shape[1]

    epw = _round_up(-(-e // _NW), 2 * _CHUNK)
    e_pad = epw * _NW
    k = epw // _CHUNK
    kp = next(c for c in (40, 32, 24, 16, 8, k) if c % 8 == 0 and k % c == 0)
    npad = _round_up(n + 1, _CHUNK)
    src = edge_index[0]
    dst = edge_index[1]
    pad = e_pad - e
    if pad:
        pidx = jnp.arange(pad, dtype=jnp.int32)
        src = jnp.concatenate([src, pidx % n])
        dst = jnp.concatenate([dst, n + pidx % (npad - n)])
    srcr = src.reshape(_NW, k, _CHUNK)
    dstr = dst.reshape(_NW, k, _CHUNK)

    aggregate = _make_aggregate(n, d, k, npad, kp)
    br = n
    mlp_relu = _make_mlp(n, d, h, True, br, npad)
    mlp_lin = _make_mlp(n, d, h, False, br, npad)
    b1r = b1.reshape(1, h)
    b2r = b2.reshape(1, h)

    p1 = aggregate(x, srcr, dstr)
    h1 = mlp_relu(x, p1, W1, b1r, W2, b2r)
    p2 = aggregate(h1, srcr, dstr)
    out = mlp_lin(h1, p2, W1, b1r, W2, b2r)
    return out

# --- scband reference (transcript-rebuilt; emitter-appended) ---
"""Pipeline reference for scband-gin-20529943675473 (READ-ONLY COPY).

The authoritative reference and input builder live on the scoring server;
editing this copy changes nothing except your own understanding.
"""

import jax, jax.numpy as jnp
import numpy as np

N = 10000
E = 320000
D = 128
H = 128


def setup_inputs(seed: int = 0) -> dict:
    key = jax.random.key(seed)
    ks = jax.random.split(key, 6)
    x = jax.random.normal(ks[0], (N, D), dtype=jnp.float32)
    edge_index = jax.random.randint(ks[1], (2, E), 0, N, dtype=jnp.int32)
    W1 = jax.random.normal(ks[2], (D, H), dtype=jnp.float32) * (1.0 / np.sqrt(D))
    b1 = jnp.zeros((H,), dtype=jnp.float32)
    W2 = jax.random.normal(ks[3], (H, H), dtype=jnp.float32) * (1.0 / np.sqrt(H))
    b2 = jnp.zeros((H,), dtype=jnp.float32)
    return {"x": x, "edge_index": edge_index, "W1": W1, "b1": b1, "W2": W2, "b2": b2}


def reference(x, edge_index, W1, b1, W2, b2):
    # Shared MLP (conv1 and conv2 share the same nn.Sequential instance in the torch code)
    def mlp(h):
        h = jnp.maximum(h @ W1 + b1, 0.0)
        return h @ W2 + b2

    src = edge_index[0]
    dst = edge_index[1]

    def gin_conv(h):
        # GINConv with default eps=0: mlp((1+eps)*h + sum_{j->i} h_j)
        msgs = jnp.take(h, src, axis=0)
        aggr = jax.ops.segment_sum(msgs, dst, num_segments=N)
        return mlp(h + aggr)

    h = jnp.maximum(gin_conv(x), 0.0)
    out = gin_conv(h)
    return out

if __name__ == "__main__":
    import jax
    _d = setup_inputs()
    print(jax.jit(kernel)(*tuple(_d.values())))

</pallas_src>

<mosaic_0001>
#map = affine_map<(d0, d1) -> (0, 0)>
#map1 = affine_map<(d0, d1) -> (0, 0, 0)>
module attributes {stable_mosaic.version = 14 : i64} {
  func.func @aggregate(%arg0: i32, %arg1: i32, %arg2: memref<10000x128xf32, #tpu.memory_space<hbm>>, %arg3: memref<32x80x128xi32, #tpu.memory_space<hbm>>, %arg4: memref<32x80x128xi32, #tpu.memory_space<hbm>>, %arg5: memref<2x10112x128xf32, #tpu.memory_space<hbm>>, %arg6: memref<40x128xi32, #tpu.memory_space<vmem>>, %arg7: memref<40x128xi32, #tpu.memory_space<vmem>>, %arg8: memref<2x128x128xf32, #tpu.memory_space<vmem>>, %arg9: memref<10112x128xf32, #tpu.memory_space<vmem_shared>>, %arg10: memref<!tpu.dma_semaphore, #tpu.memory_space<semaphore_mem>>, %arg11: memref<!tpu.dma_semaphore, #tpu.memory_space<semaphore_mem>>, %arg12: memref<!tpu.dma_semaphore, #tpu.memory_space<semaphore_mem>>, %arg13: memref<!tpu.dma_semaphore, #tpu.memory_space<semaphore_mem>>) attributes {dimension_semantics = [#tpu.dimension_semantics<core_parallel>, #tpu.dimension_semantics<subcore_parallel>], iteration_bounds = array<i64: 2, 16>, scalar_prefetch = 0 : i64, scratch_operands = 8 : i64, tpu.core_type = #tpu.core_type<sc_vector_subcore>, window_params = [{transform_indices = #map}, {transform_indices = #map1}, {transform_indices = #map1}, {transform_indices = #map1}]} {
    %mul3A = arith.constant 2 : i32
    %mul3A_0 = arith.muli %arg1, %mul3A : i32
    %add3A = arith.addi %mul3A_0, %arg0 : i32
    %broadcast_in_dim3A = arith.constant 0.000000e+00 : f32
    %broadcast_in_dim3A_1 = vector.broadcast %broadcast_in_dim3A : f32 to vector<16xf32>
    %scan3A = arith.constant 0 : i32
    %scan3A_2 = arith.constant 0 : i32
    %scan3A_3 = arith.constant 128 : i32
    %scan3A_4 = arith.addi %scan3A_2, %scan3A_3 : i32
    %scan3A_5 = arith.constant 1 : i32
    %scan3A_6 = scf.for %scan3A_86 = %scan3A_2 to %scan3A_4 step %scan3A_5 iter_args(%scan3A_87 = %scan3A) -> (i32)  : i32 {
      %scan3A_88 = arith.constant 0 : i32
      %scan3A_89 = arith.constant 0 : i32
      %scan3A_90 = arith.constant 8 : i32
      %scan3A_91 = arith.addi %scan3A_89, %scan3A_90 : i32
      %scan3A_92 = arith.constant 1 : i32
      %scan3A_93 = scf.for %scan3A_95 = %scan3A_89 to %scan3A_91 step %scan3A_92 iter_args(%scan3A_96 = %scan3A_88) -> (i32)  : i32 {
        %mul3A_97 = arith.constant 16 : i32
        %mul3A_98 = arith.muli %scan3A_95, %mul3A_97 : i32
        %swap3A = arith.constant 0 : i32
        %swap3A_99 = arith.index_cast %swap3A : i32 to index
        %swap3A_100 = arith.index_cast %scan3A_86 : i32 to index
        %swap3A_101 = arith.index_cast %mul3A_98 : i32 to index
        %swap3A_102 = tpu.vector_load %arg8[%swap3A_99, %swap3A_100, %swap3A_101] {strides = array<i32>} : memref<2x128x128xf32, #tpu.memory_space<vmem>>, vector<1x1x16xf32>,
        %swap3A_103 = vector.shape_cast %swap3A_102 : vector<1x1x16xf32> to vector<16xf32>
        %swap3A_104 = vector.shape_cast %broadcast_in_dim3A_1 : vector<16xf32> to vector<1x1x16xf32>
        tpu.vector_store %arg8[%swap3A_99, %swap3A_100, %swap3A_101], %swap3A_104 {strides = array<i32>} : memref<2x128x128xf32, #tpu.memory_space<vmem>>, vector<1x1x16xf32>,
        %scan3A_105 = arith.constant 0 : i32
        scf.yield %scan3A_105 : i32
      }
      %scan3A_94 = arith.constant 8 : i32
      scf.yield %scan3A_93 : i32
    }
    %scan3A_7 = arith.constant 128 : i32
    %mul3A_8 = arith.constant 632 : i32
    %mul3A_9 = arith.muli %arg1, %mul3A_8 : i32
    %add3A_10 = arith.constant 0 : i32
    %add3A_11 = arith.addi %mul3A_9, %add3A_10 : i32
    %run_scoped3A = arith.constant 0 : i32
    "tpu.region"() ({
      %run_scoped3A_86 = tpu.sem_alloc : memref<!tpu.dma_semaphore, #tpu.memory_space<semaphore_mem>>
      %dma_start3A_87 = arith.constant 0 : i32
      %dma_start3A_88 = arith.constant 0 : i32
      %dma_start3A_89 = tpu.memref_slice %arg8[%run_scoped3A, %dma_start3A_87, %dma_start3A_88] : memref<2x128x128xf32, #tpu.memory_space<vmem>> -> memref<1x128x128xf32, #tpu.memory_space<vmem>>
      %dma_start3A_90 = tpu.memref_squeeze %dma_start3A_89 : memref<1x128x128xf32, #tpu.memory_space<vmem>> -> memref<128x128xf32, #tpu.memory_space<vmem>>
      %dma_start3A_91 = arith.constant 0 : i32
      %dma_start3A_92 = tpu.memref_slice %arg9[%add3A_11, %dma_start3A_91] : memref<10112x128xf32, #tpu.memory_space<vmem_shared>> -> memref<128x128xf32, #tpu.memory_space<vmem_shared>>
      %dma_start3A_93 = arith.constant 0 : i32
      %dma_start3A_94 = tpu.memref_slice %arg9[%add3A_11, %dma_start3A_93] : memref<10112x128xf32, #tpu.memory_space<vmem_shared>> -> memref<128x128xf32, #tpu.memory_space<vmem_shared>>
      %dma_start3A_95 = arith.constant 0 : i32
      %dma_start3A_96 = arith.constant 0 : i32
      %dma_start3A_97 = tpu.memref_slice %arg8[%run_scoped3A, %dma_start3A_95, %dma_start3A_96] : memref<2x128x128xf32, #tpu.memory_space<vmem>> -> memref<1x128x128xf32, #tpu.memory_space<vmem>>
      %dma_start3A_98 = tpu.memref_squeeze %dma_start3A_97 : memref<1x128x128xf32, #tpu.memory_space<vmem>> -> memref<128x128xf32, #tpu.memory_space<vmem>>
      tpu.enqueue_dma source(%dma_start3A_98 : memref<128x128xf32, #tpu.memory_space<vmem>>) target(%dma_start3A_94 : memref<128x128xf32, #tpu.memory_space<vmem_shared>>) target_semaphore(%run_scoped3A_86 : memref<!tpu.dma_semaphore, #tpu.memory_space<semaphore_mem>>)
      %dma_wait3A = arith.constant 0 : i32
      %dma_wait3A_99 = arith.constant 0 : i32
      %dma_wait3A_100 = tpu.memref_slice %arg8[%run_scoped3A, %dma_wait3A, %dma_wait3A_99] : memref<2x128x128xf32, #tpu.memory_space<vmem>> -> memref<1x128x128xf32, #tpu.memory_space<vmem>>
      %dma_wait3A_101 = tpu.memref_squeeze %dma_wait3A_100 : memref<1x128x128xf32, #tpu.memory_space<vmem>> -> memref<128x128xf32, #tpu.memory_space<vmem>>
      %dma_wait3A_102 = arith.constant 0 : i32
      %dma_wait3A_103 = tpu.memref_slice %arg9[%add3A_11, %dma_wait3A_102] : memref<10112x128xf32, #tpu.memory_space<vmem_shared>> -> memref<128x128xf32, #tpu.memory_space<vmem_shared>>
      %dma_wait3A_104 = arith.constant 0 : i32
      %dma_wait3A_105 = tpu.memref_slice %arg9[%add3A_11, %dma_wait3A_104] : memref<10112x128xf32, #tpu.memory_space<vmem_shared>> -> memref<128x128xf32, #tpu.memory_space<vmem_shared>>
      %dma_wait3A_106 = arith.constant 0 : i32
      %dma_wait3A_107 = arith.constant 0 : i32
      %dma_wait3A_108 = tpu.memref_slice %arg8[%run_scoped3A, %dma_wait3A_106, %dma_wait3A_107] : memref<2x128x128xf32, #tpu.memory_space<vmem>> -> memref<1x128x128xf32, #tpu.memory_space<vmem>>
      %dma_wait3A_109 = tpu.memref_squeeze %dma_wait3A_108 : memref<1x128x128xf32, #tpu.memory_space<vmem>> -> memref<128x128xf32, #tpu.memory_space<vmem>>
      tpu.wait_dma2 semaphore(%run_scoped3A_86 : memref<!tpu.dma_semaphore, #tpu.memory_space<semaphore_mem>>) src(%dma_wait3A_109 : memref<128x128xf32, #tpu.memory_space<vmem>>) dst(%dma_wait3A_105 : memref<128x128xf32, #tpu.memory_space<vmem_shared>>)
      tpu.yield
    }) : () -> ()
    %add3A_12 = arith.constant 128 : i32
    %add3A_13 = arith.addi %mul3A_9, %add3A_12 : i32
    %run_scoped3A_14 = arith.constant 0 : i32
    "tpu.region"() ({
      %run_scoped3A_86 = tpu.sem_alloc : memref<!tpu.dma_semaphore, #tpu.memory_space<semaphore_mem>>
      %dma_start3A_87 = arith.constant 0 : i32
      %dma_start3A_88 = arith.constant 0 : i32
      %dma_start3A_89 = tpu.memref_slice %arg8[%run_scoped3A_14, %dma_start3A_87, %dma_start3A_88] : memref<2x128x128xf32, #tpu.memory_space<vmem>> -> memref<1x128x128xf32, #tpu.memory_space<vmem>>
      %dma_start3A_90 = tpu.memref_squeeze %dma_start3A_89 : memref<1x128x128xf32, #tpu.memory_space<vmem>> -> memref<128x128xf32, #tpu.memory_space<vmem>>
      %dma_start3A_91 = arith.constant 0 : i32
      %dma_start3A_92 = tpu.memref_slice %arg9[%add3A_13, %dma_start3A_91] : memref<10112x128xf32, #tpu.memory_space<vmem_shared>> -> memref<128x128xf32, #tpu.memory_space<vmem_shared>>
      %dma_start3A_93 = arith.constant 0 : i32
      %dma_start3A_94 = tpu.memref_slice %arg9[%add3A_13, %dma_start3A_93] : memref<10112x128xf32, #tpu.memory_space<vmem_shared>> -> memref<128x128xf32, #tpu.memory_space<vmem_shared>>
      %dma_start3A_95 = arith.constant 0 : i32
      %dma_start3A_96 = arith.constant 0 : i32
      %dma_start3A_97 = tpu.memref_slice %arg8[%run_scoped3A_14, %dma_start3A_95, %dma_start3A_96] : memref<2x128x128xf32, #tpu.memory_space<vmem>> -> memref<1x128x128xf32, #tpu.memory_space<vmem>>
      %dma_start3A_98 = tpu.memref_squeeze %dma_start3A_97 : memref<1x128x128xf32, #tpu.memory_space<vmem>> -> memref<128x128xf32, #tpu.memory_space<vmem>>
      tpu.enqueue_dma source(%dma_start3A_98 : memref<128x128xf32, #tpu.memory_space<vmem>>) target(%dma_start3A_94 : memref<128x128xf32, #tpu.memory_space<vmem_shared>>) target_semaphore(%run_scoped3A_86 : memref<!tpu.dma_semaphore, #tpu.memory_space<semaphore_mem>>)
      %dma_wait3A = arith.constant 0 : i32
      %dma_wait3A_99 = arith.constant 0 : i32
      %dma_wait3A_100 = tpu.memref_slice %arg8[%run_scoped3A_14, %dma_wait3A, %dma_wait3A_99] : memref<2x128x128xf32, #tpu.memory_space<vmem>> -> memref<1x128x128xf32, #tpu.memory_space<vmem>>
      %dma_wait3A_101 = tpu.memref_squeeze %dma_wait3A_100 : memref<1x128x128xf32, #tpu.memory_space<vmem>> -> memref<128x128xf32, #tpu.memory_space<vmem>>
      %dma_wait3A_102 = arith.constant 0 : i32
      %dma_wait3A_103 = tpu.memref_slice %arg9[%add3A_13, %dma_wait3A_102] : memref<10112x128xf32, #tpu.memory_space<vmem_shared>> -> memref<128x128xf32, #tpu.memory_space<vmem_shared>>
      %dma_wait3A_104 = arith.constant 0 : i32
      %dma_wait3A_105 = tpu.memref_slice %arg9[%add3A_13, %dma_wait3A_104] : memref<10112x128xf32, #tpu.memory_space<vmem_shared>> -> memref<128x128xf32, #tpu.memory_space<vmem_shared>>
      %dma_wait3A_106 = arith.constant 0 : i32
      %dma_wait3A_107 = arith.constant 0 : i32
      %dma_wait3A_108 = tpu.memref_slice %arg8[%run_scoped3A_14, %dma_wait3A_106, %dma_wait3A_107] : memref<2x128x128xf32, #tpu.memory_space<vmem>> -> memref<1x128x128xf32, #tpu.memory_space<vmem>>
      %dma_wait3A_109 = tpu.memref_squeeze %dma_wait3A_108 : memref<1x128x128xf32, #tpu.memory_space<vmem>> -> memref<128x128xf32, #tpu.memory_space<vmem>>
      tpu.wait_dma2 semaphore(%run_scoped3A_86 : memref<!tpu.dma_semaphore, #tpu.memory_space<semaphore_mem>>) src(%dma_wait3A_109 : memref<128x128xf32, #tpu.memory_space<vmem>>) dst(%dma_wait3A_105 : memref<128x128xf32, #tpu.memory_space<vmem_shared>>)
      tpu.yield
    }) : () -> ()
    %add3A_15 = arith.constant 256 : i32
    %add3A_16 = arith.addi %mul3A_9, %add3A_15 : i32
    %run_scoped3A_17 = arith.constant 0 : i32
    "tpu.region"() ({
      %run_scoped3A_86 = tpu.sem_alloc : memref<!tpu.dma_semaphore, #tpu.memory_space<semaphore_mem>>
      %dma_start3A_87 = arith.constant 0 : i32
      %dma_start3A_88 = arith.constant 0 : i32
      %dma_start3A_89 = tpu.memref_slice %arg8[%run_scoped3A_17, %dma_start3A_87, %dma_start3A_88] : memref<2x128x128xf32, #tpu.memory_space<vmem>> -> memref<1x128x128xf32, #tpu.memory_space<vmem>>
      %dma_start3A_90 = tpu.memref_squeeze %dma_start3A_89 : memref<1x128x128xf32, #tpu.memory_space<vmem>> -> memref<128x128xf32, #tpu.memory_space<vmem>>
      %dma_start3A_91 = arith.constant 0 : i32
      %dma_start3A_92 = tpu.memref_slice %arg9[%add3A_16, %dma_start3A_91] : memref<10112x128xf32, #tpu.memory_space<vmem_shared>> -> memref<128x128xf32, #tpu.memory_space<vmem_shared>>
      %dma_start3A_93 = arith.constant 0 : i32
      %dma_start3A_94 = tpu.memref_slice %arg9[%add3A_16, %dma_start3A_93] : memref<10112x128xf32, #tpu.memory_space<vmem_shared>> -> memref<128x128xf32, #tpu.memory_space<vmem_shared>>
      %dma_start3A_95 = arith.constant 0 : i32
      %dma_start3A_96 = arith.constant 0 : i32
      %dma_start3A_97 = tpu.memref_slice %arg8[%run_scoped3A_17, %dma_start3A_95, %dma_start3A_96] : memref<2x128x128xf32, #tpu.memory_space<vmem>> -> memref<1x128x128xf32, #tpu.memory_space<vmem>>
      %dma_start3A_98 = tpu.memref_squeeze %dma_start3A_97 : memref<1x128x128xf32, #tpu.memory_space<vmem>> -> memref<128x128xf32, #tpu.memory_space<vmem>>
      tpu.enqueue_dma source(%dma_start3A_98 : memref<128x128xf32, #tpu.memory_space<vmem>>) target(%dma_start3A_94 : memref<128x128xf32, #tpu.memory_space<vmem_shared>>) target_semaphore(%run_scoped3A_86 : memref<!tpu.dma_semaphore, #tpu.memory_space<semaphore_mem>>)
      %dma_wait3A = arith.constant 0 : i32
      %dma_wait3A_99 = arith.constant 0 : i32
      %dma_wait3A_100 = tpu.memref_slice %arg8[%run_scoped3A_17, %dma_wait3A, %dma_wait3A_99] : memref<2x128x128xf32, #tpu.memory_space<vmem>> -> memref<1x128x128xf32, #tpu.memory_space<vmem>>
      %dma_wait3A_101 = tpu.memref_squeeze %dma_wait3A_100 : memref<1x128x128xf32, #tpu.memory_space<vmem>> -> memref<128x128xf32, #tpu.memory_space<vmem>>
      %dma_wait3A_102 = arith.constant 0 : i32
      %dma_wait3A_103 = tpu.memref_slice %arg9[%add3A_16, %dma_wait3A_102] : memref<10112x128xf32, #tpu.memory_space<vmem_shared>> -> memref<128x128xf32, #tpu.memory_space<vmem_shared>>
      %dma_wait3A_104 = arith.constant 0 : i32
      %dma_wait3A_105 = tpu.memref_slice %arg9[%add3A_16, %dma_wait3A_104] : memref<10112x128xf32, #tpu.memory_space<vmem_shared>> -> memref<128x128xf32, #tpu.memory_space<vmem_shared>>
      %dma_wait3A_106 = arith.constant 0 : i32
      %dma_wait3A_107 = arith.constant 0 : i32
      %dma_wait3A_108 = tpu.memref_slice %arg8[%run_scoped3A_17, %dma_wait3A_106, %dma_wait3A_107] : memref<2x128x128xf32, #tpu.memory_space<vmem>> -> memref<1x128x128xf32, #tpu.memory_space<vmem>>
      %dma_wait3A_109 = tpu.memref_squeeze %dma_wait3A_108 : memref<1x128x128xf32, #tpu.memory_space<vmem>> -> memref<128x128xf32, #tpu.memory_space<vmem>>
      tpu.wait_dma2 semaphore(%run_scoped3A_86 : memref<!tpu.dma_semaphore, #tpu.memory_space<semaphore_mem>>) src(%dma_wait3A_109 : memref<128x128xf32, #tpu.memory_space<vmem>>) dst(%dma_wait3A_105 : memref<128x128xf32, #tpu.memory_space<vmem_shared>>)
      tpu.yield
    }) : () -> ()
    %add3A_18 = arith.constant 384 : i32
    %add3A_19 = arith.addi %mul3A_9, %add3A_18 : i32
    %run_scoped3A_20 = arith.constant 0 : i32
    "tpu.region"() ({
      %run_scoped3A_86 = tpu.sem_alloc : memref<!tpu.dma_semaphore, #tpu.memory_space<semaphore_mem>>
      %dma_start3A_87 = arith.constant 0 : i32
      %dma_start3A_88 = arith.constant 0 : i32
      %dma_start3A_89 = tpu.memref_slice %arg8[%run_scoped3A_20, %dma_start3A_87, %dma_start3A_88] : memref<2x128x128xf32, #tpu.memory_space<vmem>> -> memref<1x128x128xf32, #tpu.memory_space<vmem>>
      %dma_start3A_90 = tpu.memref_squeeze %dma_start3A_89 : memref<1x128x128xf32, #tpu.memory_space<vmem>> -> memref<128x128xf32, #tpu.memory_space<vmem>>
      %dma_start3A_91 = arith.constant 0 : i32
      %dma_start3A_92 = tpu.memref_slice %arg9[%add3A_19, %dma_start3A_91] : memref<10112x128xf32, #tpu.memory_space<vmem_shared>> -> memref<128x128xf32, #tpu.memory_space<vmem_shared>>
      %dma_start3A_93 = arith.constant 0 : i32
      %dma_start3A_94 = tpu.memref_slice %arg9[%add3A_19, %dma_start3A_93] : memref<10112x128xf32, #tpu.memory_space<vmem_shared>> -> memref<128x128xf32, #tpu.memory_space<vmem_shared>>
      %dma_start3A_95 = arith.constant 0 : i32
      %dma_start3A_96 = arith.constant 0 : i32
      %dma_start3A_97 = tpu.memref_slice %arg8[%run_scoped3A_20, %dma_start3A_95, %dma_start3A_96] : memref<2x128x128xf32, #tpu.memory_space<vmem>> -> memref<1x128x128xf32, #tpu.memory_space<vmem>>
      %dma_start3A_98 = tpu.memref_squeeze %dma_start3A_97 : memref<1x128x128xf32, #tpu.memory_space<vmem>> -> memref<128x128xf32, #tpu.memory_space<vmem>>
      tpu.enqueue_dma source(%dma_start3A_98 : memref<128x128xf32, #tpu.memory_space<vmem>>) target(%dma_start3A_94 : memref<128x128xf32, #tpu.memory_space<vmem_shared>>) target_semaphore(%run_scoped3A_86 : memref<!tpu.dma_semaphore, #tpu.memory_space<semaphore_mem>>)
      %dma_wait3A = arith.constant 0 : i32
      %dma_wait3A_99 = arith.constant 0 : i32
      %dma_wait3A_100 = tpu.memref_slice %arg8[%run_scoped3A_20, %dma_wait3A, %dma_wait3A_99] : memref<2x128x128xf32, #tpu.memory_space<vmem>> -> memref<1x128x128xf32, #tpu.memory_space<vmem>>
      %dma_wait3A_101 = tpu.memref_squeeze %dma_wait3A_100 : memref<1x128x128xf32, #tpu.memory_space<vmem>> -> memref<128x128xf32, #tpu.memory_space<vmem>>
      %dma_wait3A_102 = arith.constant 0 : i32
      %dma_wait3A_103 = tpu.memref_slice %arg9[%add3A_19, %dma_wait3A_102] : memref<10112x128xf32, #tpu.memory_space<vmem_shared>> -> memref<128x128xf32, #tpu.memory_space<vmem_shared>>
      %dma_wait3A_104 = arith.constant 0 : i32
      %dma_wait3A_105 = tpu.memref_slice %arg9[%add3A_19, %dma_wait3A_104] : memref<10112x128xf32, #tpu.memory_space<vmem_shared>> -> memref<128x128xf32, #tpu.memory_space<vmem_shared>>
      %dma_wait3A_106 = arith.constant 0 : i32
      %dma_wait3A_107 = arith.constant 0 : i32
      %dma_wait3A_108 = tpu.memref_slice %arg8[%run_scoped3A_20, %dma_wait3A_106, %dma_wait3A_107] : memref<2x128x128xf32, #tpu.memory_space<vmem>> -> memref<1x128x128xf32, #tpu.memory_space<vmem>>
      %dma_wait3A_109 = tpu.memref_squeeze %dma_wait3A_108 : memref<1x128x128xf32, #tpu.memory_space<vmem>> -> memref<128x128xf32, #tpu.memory_space<vmem>>
      tpu.wait_dma2 semaphore(%run_scoped3A_86 : memref<!tpu.dma_semaphore, #tpu.memory_space<semaphore_mem>>) src(%dma_wait3A_109 : memref<128x128xf32, #tpu.memory_space<vmem>>) dst(%dma_wait3A_105 : memref<128x128xf32, #tpu.memory_space<vmem_shared>>)
      tpu.yield
    }) : () -> ()
    %add3A_21 = arith.constant 512 : i32
    %add3A_22 = arith.addi %mul3A_9, %add3A_21 : i32
    %run_scoped3A_23 = arith.constant 0 : i32
    "tpu.region"() ({
      %run_scoped3A_86 = tpu.sem_alloc : memref<!tpu.dma_semaphore, #tpu.memory_space<semaphore_mem>>
      %dma_start3A_87 = arith.constant 0 : i32
      %dma_start3A_88 = arith.constant 0 : i32
      %dma_start3A_89 = tpu.memref_slice %arg8[%run_scoped3A_23, %dma_start3A_87, %dma_start3A_88] : memref<2x128x128xf32, #tpu.memory_space<vmem>> -> memref<1x120x128xf32, #tpu.memory_space<vmem>>
      %dma_start3A_90 = tpu.memref_squeeze %dma_start3A_89 : memref<1x120x128xf32, #tpu.memory_space<vmem>> -> memref<120x128xf32, #tpu.memory_space<vmem>>
      %dma_start3A_91 = arith.constant 0 : i32
      %dma_start3A_92 = tpu.memref_slice %arg9[%add3A_22, %dma_start3A_91] : memref<10112x128xf32, #tpu.memory_space<vmem_shared>> -> memref<120x128xf32, #tpu.memory_space<vmem_shared>>
      %dma_start3A_93 = arith.constant 0 : i32
      %dma_start3A_94 = tpu.memref_slice %arg9[%add3A_22, %dma_start3A_93] : memref<10112x128xf32, #tpu.memory_space<vmem_shared>> -> memref<120x128xf32, #tpu.memory_space<vmem_shared>>
      %dma_start3A_95 = arith.constant 0 : i32
      %dma_start3A_96 = arith.constant 0 : i32
      %dma_start3A_97 = tpu.memref_slice %arg8[%run_scoped3A_23, %dma_start3A_95, %dma_start3A_96] : memref<2x128x128xf32, #tpu.memory_space<vmem>> -> memref<1x120x128xf32, #tpu.memory_space<vmem>>
      %dma_start3A_98 = tpu.memref_squeeze %dma_start3A_97 : memref<1x120x128xf32, #tpu.memory_space<vmem>> -> memref<120x128xf32, #tpu.memory_space<vmem>>
      tpu.enqueue_dma source(%dma_start3A_98 : memref<120x128xf32, #tpu.memory_space<vmem>>) target(%dma_start3A_94 : memref<120x128xf32, #tpu.memory_space<vmem_shared>>) target_semaphore(%run_scoped3A_86 : memref<!tpu.dma_semaphore, #tpu.memory_space<semaphore_mem>>)
      %dma_wait3A = arith.constant 0 : i32
      %dma_wait3A_99 = arith.constant 0 : i32
      %dma_wait3A_100 = tpu.memref_slice %arg8[%run_scoped3A_23, %dma_wait3A, %dma_wait3A_99] : memref<2x128x128xf32, #tpu.memory_space<vmem>> -> memref<1x120x128xf32, #tpu.memory_space<vmem>>
      %dma_wait3A_101 = tpu.memref_squeeze %dma_wait3A_100 : memref<1x120x128xf32, #tpu.memory_space<vmem>> -> memref<120x128xf32, #tpu.memory_space<vmem>>
      %dma_wait3A_102 = arith.constant 0 : i32
      %dma_wait3A_103 = tpu.memref_slice %arg9[%add3A_22, %dma_wait3A_102] : memref<10112x128xf32, #tpu.memory_space<vmem_shared>> -> memref<120x128xf32, #tpu.memory_space<vmem_shared>>
      %dma_wait3A_104 = arith.constant 0 : i32
      %dma_wait3A_105 = tpu.memref_slice %arg9[%add3A_22, %dma_wait3A_104] : memref<10112x128xf32, #tpu.memory_space<vmem_shared>> -> memref<120x128xf32, #tpu.memory_space<vmem_shared>>
      %dma_wait3A_106 = arith.constant 0 : i32
      %dma_wait3A_107 = arith.constant 0 : i32
      %dma_wait3A_108 = tpu.memref_slice %arg8[%run_scoped3A_23, %dma_wait3A_106, %dma_wait3A_107] : memref<2x128x128xf32, #tpu.memory_space<vmem>> -> memref<1x120x128xf32, #tpu.memory_space<vmem>>
      %dma_wait3A_109 = tpu.memref_squeeze %dma_wait3A_108 : memref<1x120x128xf32, #tpu.memory_space<vmem>> -> memref<120x128xf32, #tpu.memory_space<vmem>>
      tpu.wait_dma2 semaphore(%run_scoped3A_86 : memref<!tpu.dma_semaphore, #tpu.memory_space<semaphore_mem>>) src(%dma_wait3A_109 : memref<120x128xf32, #tpu.memory_space<vmem>>) dst(%dma_wait3A_105 : memref<120x128xf32, #tpu.memory_space<vmem_shared>>)
      tpu.yield
    }) : () -> ()
    %barrier3A = arith.constant 0 : index
    tpu.barrier barrier_id(%barrier3A)
    "tpu.region"() ({
      %run_scoped3A_86 = tpu.sem_alloc : memref<!tpu.dma_semaphore, #tpu.memory_space<semaphore_mem>>
      %dma_start3A_87 = arith.constant 0 : i32
      %dma_start3A_88 = arith.constant 0 : i32
      %dma_start3A_89 = tpu.memref_slice %arg3[%add3A, %dma_start3A_87, %dma_start3A_88] : memref<32x80x128xi32, #tpu.memory_space<hbm>> -> memref<1x40x128xi32, #tpu.memory_space<hbm>>
      %dma_start3A_90 = tpu.memref_squeeze %dma_start3A_89 : memref<1x40x128xi32, #tpu.memory_space<hbm>> -> memref<40x128xi32, #tpu.memory_space<hbm>>
      %dma_start3A_91 = arith.constant 0 : i32
      %dma_start3A_92 = arith.constant 0 : i32
      %dma_start3A_93 = tpu.memref_slice %arg3[%add3A, %dma_start3A_91, %dma_start3A_92] : memref<32x80x128xi32, #tpu.memory_space<hbm>> -> memref<1x40x128xi32, #tpu.memory_space<hbm>>
      %dma_start3A_94 = tpu.memref_squeeze %dma_start3A_93 : memref<1x40x128xi32, #tpu.memory_space<hbm>> -> memref<40x128xi32, #tpu.memory_space<hbm>>
      tpu.enqueue_dma source(%dma_start3A_94 : memref<40x128xi32, #tpu.memory_space<hbm>>) target(%arg6 : memref<40x128xi32, #tpu.memory_space<vmem>>) target_semaphore(%run_scoped3A_86 : memref<!tpu.dma_semaphore, #tpu.memory_space<semaphore_mem>>)
      %dma_wait3A = arith.constant 0 : i32
      %dma_wait3A_95 = arith.constant 0 : i32
      %dma_wait3A_96 = tpu.memref_slice %arg3[%add3A, %dma_wait3A, %dma_wait3A_95] : memref<32x80x128xi32, #tpu.memory_space<hbm>> -> memref<1x40x128xi32, #tpu.memory_space<hbm>>
      %dma_wait3A_97 = tpu.memref_squeeze %dma_wait3A_96 : memref<1x40x128xi32, #tpu.memory_space<hbm>> -> memref<40x128xi32, #tpu.memory_space<hbm>>
      %dma_wait3A_98 = arith.constant 0 : i32
      %dma_wait3A_99 = arith.constant 0 : i32
      %dma_wait3A_100 = tpu.memref_slice %arg3[%add3A, %dma_wait3A_98, %dma_wait3A_99] : memref<32x80x128xi32, #tpu.memory_space<hbm>> -> memref<1x40x128xi32, #tpu.memory_space<hbm>>
      %dma_wait3A_101 = tpu.memref_squeeze %dma_wait3A_100 : memref<1x40x128xi32, #tpu.memory_space<hbm>> -> memref<40x128xi32, #tpu.memory_space<hbm>>
      tpu.wait_dma2 semaphore(%run_scoped3A_86 : memref<!tpu.dma_semaphore, #tpu.memory_space<semaphore_mem>>) src(%dma_wait3A_101 : memref<40x128xi32, #tpu.memory_space<hbm>>) dst(%arg6 : memref<40x128xi32, #tpu.memory_space<vmem>>)
      tpu.yield
    }) : () -> ()
    "tpu.region"() ({
      %run_scoped3A_86 = tpu.sem_alloc : memref<!tpu.dma_semaphore, #tpu.memory_space<semaphore_mem>>
      %dma_start3A_87 = arith.constant 0 : i32
      %dma_start3A_88 = arith.constant 0 : i32
      %dma_start3A_89 = tpu.memref_slice %arg4[%add3A, %dma_start3A_87, %dma_start3A_88] : memref<32x80x128xi32, #tpu.memory_space<hbm>> -> memref<1x40x128xi32, #tpu.memory_space<hbm>>
      %dma_start3A_90 = tpu.memref_squeeze %dma_start3A_89 : memref<1x40x128xi32, #tpu.memory_space<hbm>> -> memref<40x128xi32, #tpu.memory_space<hbm>>
      %dma_start3A_91 = arith.constant 0 : i32
      %dma_start3A_92 = arith.constant 0 : i32
      %dma_start3A_93 = tpu.memref_slice %arg4[%add3A, %dma_start3A_91, %dma_start3A_92] : memref<32x80x128xi32, #tpu.memory_space<hbm>> -> memref<1x40x128xi32, #tpu.memory_space<hbm>>
      %dma_start3A_94 = tpu.memref_squeeze %dma_start3A_93 : memref<1x40x128xi32, #tpu.memory_space<hbm>> -> memref<40x128xi32, #tpu.memory_space<hbm>>
      tpu.enqueue_dma source(%dma_start3A_94 : memref<40x128xi32, #tpu.memory_space<hbm>>) target(%arg7 : memref<40x128xi32, #tpu.memory_space<vmem>>) target_semaphore(%run_scoped3A_86 : memref<!tpu.dma_semaphore, #tpu.memory_space<semaphore_mem>>)
      %dma_wait3A = arith.constant 0 : i32
      %dma_wait3A_95 = arith.constant 0 : i32
      %dma_wait3A_96 = tpu.memref_slice %arg4[%add3A, %dma_wait3A, %dma_wait3A_95] : memref<32x80x128xi32, #tpu.memory_space<hbm>> -> memref<1x40x128xi32, #tpu.memory_space<hbm>>
      %dma_wait3A_97 = tpu.memref_squeeze %dma_wait3A_96 : memref<1x40x128xi32, #tpu.memory_space<hbm>> -> memref<40x128xi32, #tpu.memory_space<hbm>>
      %dma_wait3A_98 = arith.constant 0 : i32
      %dma_wait3A_99 = arith.constant 0 : i32
      %dma_wait3A_100 = tpu.memref_slice %arg4[%add3A, %dma_wait3A_98, %dma_wait3A_99] : memref<32x80x128xi32, #tpu.memory_space<hbm>> -> memref<1x40x128xi32, #tpu.memory_space<hbm>>
      %dma_wait3A_101 = tpu.memref_squeeze %dma_wait3A_100 : memref<1x40x128xi32, #tpu.memory_space<hbm>> -> memref<40x128xi32, #tpu.memory_space<hbm>>
      tpu.wait_dma2 semaphore(%run_scoped3A_86 : memref<!tpu.dma_semaphore, #tpu.memory_space<semaphore_mem>>) src(%dma_wait3A_101 : memref<40x128xi32, #tpu.memory_space<hbm>>) dst(%arg7 : memref<40x128xi32, #tpu.memory_space<vmem>>)
      tpu.yield
    }) : () -> ()
    %dma_start3A = arith.constant 0 : i32
    %dma_start3A_24 = arith.constant 0 : i32
    %dma_start3A_25 = arith.constant 0 : i32
    %dma_start3A_26 = arith.constant 0 : i32
    %dma_start3A_27 = tpu.memref_slice %arg8[%dma_start3A_24, %dma_start3A_25, %dma_start3A_26] : memref<2x128x128xf32, #tpu.memory_space<vmem>> -> memref<1x128x128xf32, #tpu.memory_space<vmem>>
    %dma_start3A_28 = tpu.memref_squeeze %dma_start3A_27 : memref<1x128x128xf32, #tpu.memory_space<vmem>> -> memref<128x128xf32, #tpu.memory_space<vmem>>
    %dma_start3A_29 = arith.constant 0 : i32
    %dma_start3A_30 = tpu.memref_slice %arg6[%dma_start3A, %dma_start3A_29] : memref<40x128xi32, #tpu.memory_space<vmem>> -> memref<1x128xi32, #tpu.memory_space<vmem>>
    %dma_start3A_31 = tpu.memref_squeeze %dma_start3A_30 : memref<1x128xi32, #tpu.memory_space<vmem>> -> memref<128xi32, #tpu.memory_space<vmem>>
    %dma_start3A_32 = arith.constant 0 : i32
    %dma_start3A_33 = arith.constant 0 : i32
    %dma_start3A_34 = tpu.memref_slice %arg2[%dma_start3A_32, %dma_start3A_33] : memref<10000x128xf32, #tpu.memory_space<hbm>> -> memref<10000x128xf32, #tpu.memory_space<hbm>>
    tpu.enqueue_indirect_dma source(%dma_start3A_34 : memref<10000x128xf32, #tpu.memory_space<hbm>>) target(%dma_start3A_28 : memref<128x128xf32, #tpu.memory_space<vmem>>) offsets(%dma_start3A_31 : memref<128xi32, #tpu.memory_space<vmem>>) semaphore(%arg10 : memref<!tpu.dma_semaphore, #tpu.memory_space<semaphore_mem>>)
    %dma_start3A_35 = arith.constant 1 : i32
    %dma_start3A_36 = arith.constant 1 : i32
    %dma_start3A_37 = arith.constant 0 : i32
    %dma_start3A_38 = arith.constant 0 : i32
    %dma_start3A_39 = tpu.memref_slice %arg8[%dma_start3A_36, %dma_start3A_37, %dma_start3A_38] : memref<2x128x128xf32, #tpu.memory_space<vmem>> -> memref<1x128x128xf32, #tpu.memory_space<vmem>>
    %dma_start3A_40 = tpu.memref_squeeze %dma_start3A_39 : memref<1x128x128xf32, #tpu.memory_space<vmem>> -> memref<128x128xf32, #tpu.memory_space<vmem>>
    %dma_start3A_41 = arith.constant 0 : i32
    %dma_start3A_42 = tpu.memref_slice %arg6[%dma_start3A_35, %dma_start3A_41] : memref<40x128xi32, #tpu.memory_space<vmem>> -> memref<1x128xi32, #tpu.memory_space<vmem>>
    %dma_start3A_43 = tpu.memref_squeeze %dma_start3A_42 : memref<1x128xi32, #tpu.memory_space<vmem>> -> memref<128xi32, #tpu.memory_space<vmem>>
    %dma_start3A_44 = arith.constant 0 : i32
    %dma_start3A_45 = arith.constant 0 : i32
    %dma_start3A_46 = tpu.memref_slice %arg2[%dma_start3A_44, %dma_start3A_45] : memref<10000x128xf32, #tpu.memory_space<hbm>> -> memref<10000x128xf32, #tpu.memory_space<hbm>>
    tpu.enqueue_indirect_dma source(%dma_start3A_46 : memref<10000x128xf32, #tpu.memory_space<hbm>>) target(%dma_start3A_40 : memref<128x128xf32, #tpu.memory_space<vmem>>) offsets(%dma_start3A_43 : memref<128xi32, #tpu.memory_space<vmem>>) semaphore(%arg11 : memref<!tpu.dma_semaphore, #tpu.memory_space<semaphore_mem>>)
    %scan3A_47 = arith.constant 0 : i32
    %scan3A_48 = arith.constant 0 : i32
    %scan3A_49 = arith.constant 20 : i32
    %scan3A_50 = arith.addi %scan3A_48, %scan3A_49 : i32
    %scan3A_51 = arith.constant 1 : i32
    %scan3A_52 = scf.for %scan3A_86 = %scan3A_48 to %scan3A_50 step %scan3A_51 iter_args(%scan3A_87 = %scan3A_47) -> (i32)  : i32 {
      %mul3A_88 = arith.constant 2 : i32
      %mul3A_89 = arith.muli %scan3A_86, %mul3A_88 : i32
      %dma_wait3A = arith.constant 0 : i32
      %dma_wait3A_90 = arith.constant 0 : i32
      %dma_wait3A_91 = arith.constant 0 : i32
      %dma_wait3A_92 = tpu.memref_slice %arg8[%dma_wait3A, %dma_wait3A_90, %dma_wait3A_91] : memref<2x128x128xf32, #tpu.memory_space<vmem>> -> memref<1x128x128xf32, #tpu.memory_space<vmem>>
      %dma_wait3A_93 = tpu.memref_squeeze %dma_wait3A_92 : memref<1x128x128xf32, #tpu.memory_space<vmem>> -> memref<128x128xf32, #tpu.memory_space<vmem>>
      %dma_wait3A_94 = arith.constant 0 : i32
      %dma_wait3A_95 = tpu.memref_slice %arg6[%mul3A_89, %dma_wait3A_94] : memref<40x128xi32, #tpu.memory_space<vmem>> -> memref<1x128xi32, #tpu.memory_space<vmem>>
      %dma_wait3A_96 = tpu.memref_squeeze %dma_wait3A_95 : memref<1x128xi32, #tpu.memory_space<vmem>> -> memref<128xi32, #tpu.memory_space<vmem>>
      %dma_wait3A_97 = arith.constant 0 : i32
      %dma_wait3A_98 = arith.constant 0 : i32
      %dma_wait3A_99 = tpu.memref_slice %arg2[%dma_wait3A_97, %dma_wait3A_98] : memref<10000x128xf32, #tpu.memory_space<hbm>> -> memref<10000x128xf32, #tpu.memory_space<hbm>>
      tpu.wait_indirect_dma semaphore(%arg10 : memref<!tpu.dma_semaphore, #tpu.memory_space<semaphore_mem>>) src(%dma_wait3A_99 : memref<10000x128xf32, #tpu.memory_space<hbm>>) dst(%dma_wait3A_93 : memref<128x128xf32, #tpu.memory_space<vmem>>)
      %dma_start3A_100 = arith.constant 0 : i32
      %dma_start3A_101 = arith.constant 0 : i32
      %dma_start3A_102 = arith.constant 0 : i32
      %dma_start3A_103 = tpu.memref_slice %arg8[%dma_start3A_100, %dma_start3A_101, %dma_start3A_102] : memref<2x128x128xf32, #tpu.memory_space<vmem>> -> memref<1x64x128xf32, #tpu.memory_space<vmem>>
      %dma_start3A_104 = tpu.memref_squeeze %dma_start3A_103 : memref<1x64x128xf32, #tpu.memory_space<vmem>> -> memref<64x128xf32, #tpu.memory_space<vmem>>
      %dma_start3A_105 = arith.constant 0 : i32
      %dma_start3A_106 = tpu.memref_slice %arg7[%mul3A_89, %dma_start3A_105] : memref<40x128xi32, #tpu.memory_space<vmem>> -> memref<1x64xi32, #tpu.memory_space<vmem>>
      %dma_start3A_107 = tpu.memref_squeeze %dma_start3A_106 : memref<1x64xi32, #tpu.memory_space<vmem>> -> memref<64xi32, #tpu.memory_space<vmem>>
      %dma_start3A_108 = arith.constant 0 : i32
      %dma_start3A_109 = arith.constant 0 : i32
      %dma_start3A_110 = tpu.memref_slice %arg9[%dma_start3A_108, %dma_start3A_109] : memref<10112x128xf32, #tpu.memory_space<vmem_shared>> -> memref<10112x128xf32, #tpu.memory_space<vmem_shared>>
      tpu.enqueue_indirect_dma source(%dma_start3A_104 : memref<64x128xf32, #tpu.memory_space<vmem>>) target(%dma_start3A_110 : memref<10112x128xf32, #tpu.memory_space<vmem_shared>>) offsets(%dma_start3A_107 : memref<64xi32, #tpu.memory_space<vmem>>) semaphore(%arg12 : memref<!tpu.dma_semaphore, #tpu.memory_space<semaphore_mem>>) {add = true}
      %dma_start3A_111 = arith.constant 0 : i32
      %dma_start3A_112 = arith.constant 64 : i32
      %dma_start3A_113 = arith.constant 0 : i32
      %dma_start3A_114 = tpu.memref_slice %arg8[%dma_start3A_111, %dma_start3A_112, %dma_start3A_113] : memref<2x128x128xf32, #tpu.memory_space<vmem>> -> memref<1x64x128xf32, #tpu.memory_space<vmem>>
      %dma_start3A_115 = tpu.memref_squeeze %dma_start3A_114 : memref<1x64x128xf32, #tpu.memory_space<vmem>> -> memref<64x128xf32, #tpu.memory_space<vmem>>
      %dma_start3A_116 = arith.constant 64 : i32
      %dma_start3A_117 = tpu.memref_slice %arg7[%mul3A_89, %dma_start3A_116] : memref<40x128xi32, #tpu.memory_space<vmem>> -> memref<1x64xi32, #tpu.memory_space<vmem>>
      %dma_start3A_118 = tpu.memref_squeeze %dma_start3A_117 : memref<1x64xi32, #tpu.memory_space<vmem>> -> memref<64xi32, #tpu.memory_space<vmem>>
      %dma_start3A_119 = arith.constant 0 : i32
      %dma_start3A_120 = arith.constant 0 : i32
      %dma_start3A_121 = tpu.memref_slice %arg9[%dma_start3A_119, %dma_start3A_120] : memref<10112x128xf32, #tpu.memory_space<vmem_shared>> -> memref<10112x128xf32, #tpu.memory_space<vmem_shared>>
      tpu.enqueue_indirect_dma source(%dma_start3A_115 : memref<64x128xf32, #tpu.memory_space<vmem>>) target(%dma_start3A_121 : memref<10112x128xf32, #tpu.memory_space<vmem_shared>>) offsets(%dma_start3A_118 : memref<64xi32, #tpu.memory_space<vmem>>) semaphore(%arg13 : memref<!tpu.dma_semaphore, #tpu.memory_space<semaphore_mem>>) {add = true}
      %dma_wait3A_122 = arith.constant 0 : i32
      %dma_wait3A_123 = arith.constant 0 : i32
      %dma_wait3A_124 = arith.constant 0 : i32
      %dma_wait3A_125 = tpu.memref_slice %arg8[%dma_wait3A_122, %dma_wait3A_123, %dma_wait3A_124] : memref<2x128x128xf32, #tpu.memory_space<vmem>> -> memref<1x64x128xf32, #tpu.memory_space<vmem>>
      %dma_wait3A_126 = tpu.memref_squeeze %dma_wait3A_125 : memref<1x64x128xf32, #tpu.memory_space<vmem>> -> memref<64x128xf32, #tpu.memory_space<vmem>>
      %dma_wait3A_127 = arith.constant 0 : i32
      %dma_wait3A_128 = tpu.memref_slice %arg7[%mul3A_89, %dma_wait3A_127] : memref<40x128xi32, #tpu.memory_space<vmem>> -> memref<1x64xi32, #tpu.memory_space<vmem>>
      %dma_wait3A_129 = tpu.memref_squeeze %dma_wait3A_128 : memref<1x64xi32, #tpu.memory_space<vmem>> -> memref<64xi32, #tpu.memory_space<vmem>>
      %dma_wait3A_130 = arith.constant 0 : i32
      %dma_wait3A_131 = arith.constant 0 : i32
      %dma_wait3A_132 = tpu.memref_slice %arg9[%dma_wait3A_130, %dma_wait3A_131] : memref<10112x128xf32, #tpu.memory_space<vmem_shared>> -> memref<10112x128xf32, #tpu.memory_space<vmem_shared>>
      tpu.wait_indirect_dma semaphore(%arg12 : memref<!tpu.dma_semaphore, #tpu.memory_space<semaphore_mem>>) src(%dma_wait3A_126 : memref<64x128xf32, #tpu.memory_space<vmem>>) dst(%dma_wait3A_132 : memref<10112x128xf32, #tpu.memory_space<vmem_shared>>)
      %dma_wait3A_133 = arith.constant 0 : i32
      %dma_wait3A_134 = arith.constant 64 : i32
      %dma_wait3A_135 = arith.constant 0 : i32
      %dma_wait3A_136 = tpu.memref_slice %arg8[%dma_wait3A_133, %dma_wait3A_134, %dma_wait3A_135] : memref<2x128x128xf32, #tpu.memory_space<vmem>> -> memref<1x64x128xf32, #tpu.memory_space<vmem>>
      %dma_wait3A_137 = tpu.memref_squeeze %dma_wait3A_136 : memref<1x64x128xf32, #tpu.memory_space<vmem>> -> memref<64x128xf32, #tpu.memory_space<vmem>>
      %dma_wait3A_138 = arith.constant 64 : i32
      %dma_wait3A_139 = tpu.memref_slice %arg7[%mul3A_89, %dma_wait3A_138] : memref<40x128xi32, #tpu.memory_space<vmem>> -> memref<1x64xi32, #tpu.memory_space<vmem>>
      %dma_wait3A_140 = tpu.memref_squeeze %dma_wait3A_139 : memref<1x64xi32, #tpu.memory_space<vmem>> -> memref<64xi32, #tpu.memory_space<vmem>>
      %dma_wait3A_141 = arith.constant 0 : i32
      %dma_wait3A_142 = arith.constant 0 : i32
      %dma_wait3A_143 = tpu.memref_slice %arg9[%dma_wait3A_141, %dma_wait3A_142] : memref<10112x128xf32, #tpu.memory_space<vmem_shared>> -> memref<10112x128xf32, #tpu.memory_space<vmem_shared>>
      tpu.wait_indirect_dma semaphore(%arg13 : memref<!tpu.dma_semaphore, #tpu.memory_space<semaphore_mem>>) src(%dma_wait3A_137 : memref<64x128xf32, #tpu.memory_space<vmem>>) dst(%dma_wait3A_143 : memref<10112x128xf32, #tpu.memory_space<vmem_shared>>)
      %add3A_144 = arith.constant 2 : i32
      %add3A_145 = arith.addi %mul3A_89, %add3A_144 : i32
      %lt3A = arith.constant 40 : i32
      %lt3A_146 = arith.cmpi slt, %add3A_145, %lt3A : i32
      %convert_element_type3A = arith.extui %lt3A_146 : i1 to i32
      %cond3A = arith.constant 0 : i32
      %cond3A_147 = arith.cmpi ne, %convert_element_type3A, %cond3A : i32
      scf.if %cond3A_147 {
        %add3A_215 = arith.constant 2 : i32
        %add3A_216 = arith.addi %mul3A_89, %add3A_215 : i32
        %dma_start3A_217 = arith.constant 0 : i32
        %dma_start3A_218 = arith.constant 0 : i32
        %dma_start3A_219 = arith.constant 0 : i32
        %dma_start3A_220 = tpu.memref_slice %arg8[%dma_start3A_217, %dma_start3A_218, %dma_start3A_219] : memref<2x128x128xf32, #tpu.memory_space<vmem>> -> memref<1x128x128xf32, #tpu.memory_space<vmem>>
        %dma_start3A_221 = tpu.memref_squeeze %dma_start3A_220 : memref<1x128x128xf32, #tpu.memory_space<vmem>> -> memref<128x128xf32, #tpu.memory_space<vmem>>
        %dma_start3A_222 = arith.constant 0 : i32
        %dma_start3A_223 = tpu.memref_slice %arg6[%add3A_216, %dma_start3A_222] : memref<40x128xi32, #tpu.memory_space<vmem>> -> memref<1x128xi32, #tpu.memory_space<vmem>>
        %dma_start3A_224 = tpu.memref_squeeze %dma_start3A_223 : memref<1x128xi32, #tpu.memory_space<vmem>> -> memref<128xi32, #tpu.memory_space<vmem>>
        %dma_start3A_225 = arith.constant 0 : i32
        %dma_start3A_226 = arith.constant 0 : i32
        %dma_start3A_227 = tpu.memref_slice %arg2[%dma_start3A_225, %dma_start3A_226] : memref<10000x128xf32, #tpu.memory_space<hbm>> -> memref<10000x128xf32, #tpu.memory_space<hbm>>
        tpu.enqueue_indirect_dma source(%dma_start3A_227 : memref<10000x128xf32, #tpu.memory_space<hbm>>) target(%dma_start3A_221 : memref<128x128xf32, #tpu.memory_space<vmem>>) offsets(%dma_start3A_224 : memref<128xi32, #tpu.memory_space<vmem>>) semaphore(%arg10 : memref<!tpu.dma_semaphore, #tpu.memory_space<semaphore_mem>>)
      } else {
      }
      %add3A_148 = arith.constant 1 : i32
      %add3A_149 = arith.addi %mul3A_89, %add3A_148 : i32
      %dma_wait3A_150 = arith.constant 1 : i32
      %dma_wait3A_151 = arith.constant 0 : i32
      %dma_wait3A_152 = arith.constant 0 : i32
      %dma_wait3A_153 = tpu.memref_slice %arg8[%dma_wait3A_150, %dma_wait3A_151, %dma_wait3A_152] : memref<2x128x128xf32, #tpu.memory_space<vmem>> -> memref<1x128x128xf32, #tpu.memory_space<vmem>>
      %dma_wait3A_154 = tpu.memref_squeeze %dma_wait3A_153 : memref<1x128x128xf32, #tpu.memory_space<vmem>> -> memref<128x128xf32, #tpu.memory_space<vmem>>
      %dma_wait3A_155 = arith.constant 0 : i32
      %dma_wait3A_156 = tpu.memref_slice %arg6[%add3A_149, %dma_wait3A_155] : memref<40x128xi32, #tpu.memory_space<vmem>> -> memref<1x128xi32, #tpu.memory_space<vmem>>
      %dma_wait3A_157 = tpu.memref_squeeze %dma_wait3A_156 : memref<1x128xi32, #tpu.memory_space<vmem>> -> memref<128xi32, #tpu.memory_space<vmem>>
      %dma_wait3A_158 = arith.constant 0 : i32
      %dma_wait3A_159 = arith.constant 0 : i32
      %dma_wait3A_160 = tpu.memref_slice %arg2[%dma_wait3A_158, %dma_wait3A_159] : memref<10000x128xf32, #tpu.memory_space<hbm>> -> memref<10000x128xf32, #tpu.memory_space<hbm>>
      tpu.wait_indirect_dma semaphore(%arg11 : memref<!tpu.dma_semaphore, #tpu.memory_space<semaphore_mem>>) src(%dma_wait3A_160 : memref<10000x128xf32, #tpu.memory_space<hbm>>) dst(%dma_wait3A_154 : memref<128x128xf32, #tpu.memory_space<vmem>>)
      %add3A_161 = arith.constant 1 : i32
      %add3A_162 = arith.addi %mul3A_89, %add3A_161 : i32
      %dma_start3A_163 = arith.constant 1 : i32
      %dma_start3A_164 = arith.constant 0 : i32
      %dma_start3A_165 = arith.constant 0 : i32
      %dma_start3A_166 = tpu.memref_slice %arg8[%dma_start3A_163, %dma_start3A_164, %dma_start3A_165] : memref<2x128x128xf32, #tpu.memory_space<vmem>> -> memref<1x64x128xf32, #tpu.memory_space<vmem>>
      %dma_start3A_167 = tpu.memref_squeeze %dma_start3A_166 : memref<1x64x128xf32, #tpu.memory_space<vmem>> -> memref<64x128xf32, #tpu.memory_space<vmem>>
      %dma_start3A_168 = arith.constant 0 : i32
      %dma_start3A_169 = tpu.memref_slice %arg7[%add3A_162, %dma_start3A_168] : memref<40x128xi32, #tpu.memory_space<vmem>> -> memref<1x64xi32, #tpu.memory_space<vmem>>
      %dma_start3A_170 = tpu.memref_squeeze %dma_start3A_169 : memref<1x64xi32, #tpu.memory_space<vmem>> -> memref<64xi32, #tpu.memory_space<vmem>>
      %dma_start3A_171 = arith.constant 0 : i32
      %dma_start3A_172 = arith.constant 0 : i32
      %dma_start3A_173 = tpu.memref_slice %arg9[%dma_start3A_171, %dma_start3A_172] : memref<10112x128xf32, #tpu.memory_space<vmem_shared>> -> memref<10112x128xf32, #tpu.memory_space<vmem_shared>>
      tpu.enqueue_indirect_dma source(%dma_start3A_167 : memref<64x128xf32, #tpu.memory_space<vmem>>) target(%dma_start3A_173 : memref<10112x128xf32, #tpu.memory_space<vmem_shared>>) offsets(%dma_start3A_170 : memref<64xi32, #tpu.memory_space<vmem>>) semaphore(%arg12 : memref<!tpu.dma_semaphore, #tpu.memory_space<semaphore_mem>>) {add = true}
      %dma_start3A_174 = arith.constant 1 : i32
      %dma_start3A_175 = arith.constant 64 : i32
      %dma_start3A_176 = arith.constant 0 : i32
      %dma_start3A_177 = tpu.memref_slice %arg8[%dma_start3A_174, %dma_start3A_175, %dma_start3A_176] : memref<2x128x128xf32, #tpu.memory_space<vmem>> -> memref<1x64x128xf32, #tpu.memory_space<vmem>>
      %dma_start3A_178 = tpu.memref_squeeze %dma_start3A_177 : memref<1x64x128xf32, #tpu.memory_space<vmem>> -> memref<64x128xf32, #tpu.memory_space<vmem>>
      %dma_start3A_179 = arith.constant 64 : i32
      %dma_start3A_180 = tpu.memref_slice %arg7[%add3A_162, %dma_start3A_179] : memref<40x128xi32, #tpu.memory_space<vmem>> -> memref<1x64xi32, #tpu.memory_space<vmem>>
      %dma_start3A_181 = tpu.memref_squeeze %dma_start3A_180 : memref<1x64xi32, #tpu.memory_space<vmem>> -> memref<64xi32, #tpu.memory_space<vmem>>
      %dma_start3A_182 = arith.constant 0 : i32
      %dma_start3A_183 = arith.constant 0 : i32
      %dma_start3A_184 = tpu.memref_slice %arg9[%dma_start3A_182, %dma_start3A_183] : memref<10112x128xf32, #tpu.memory_space<vmem_shared>> -> memref<10112x128xf32, #tpu.memory_space<vmem_shared>>
      tpu.enqueue_indirect_dma source(%dma_start3A_178 : memref<64x128xf32, #tpu.memory_space<vmem>>) target(%dma_start3A_184 : memref<10112x128xf32, #tpu.memory_space<vmem_shared>>) offsets(%dma_start3A_181 : memref<64xi32, #tpu.memory_space<vmem>>) semaphore(%arg13 : memref<!tpu.dma_semaphore, #tpu.memory_space<semaphore_mem>>) {add = true}
      %dma_wait3A_185 = arith.constant 1 : i32
      %dma_wait3A_186 = arith.constant 0 : i32
      %dma_wait3A_187 = arith.constant 0 : i32
      %dma_wait3A_188 = tpu.memref_slice %arg8[%dma_wait3A_185, %dma_wait3A_186, %dma_wait3A_187] : memref<2x128x128xf32, #tpu.memory_space<vmem>> -> memref<1x64x128xf32, #tpu.memory_space<vmem>>
      %dma_wait3A_189 = tpu.memref_squeeze %dma_wait3A_188 : memref<1x64x128xf32, #tpu.memory_space<vmem>> -> memref<64x128xf32, #tpu.memory_space<vmem>>
      %dma_wait3A_190 = arith.constant 0 : i32
      %dma_wait3A_191 = tpu.memref_slice %arg7[%add3A_162, %dma_wait3A_190] : memref<40x128xi32, #tpu.memory_space<vmem>> -> memref<1x64xi32, #tpu.memory_space<vmem>>
      %dma_wait3A_192 = tpu.memref_squeeze %dma_wait3A_191 : memref<1x64xi32, #tpu.memory_space<vmem>> -> memref<64xi32, #tpu.memory_space<vmem>>
      %dma_wait3A_193 = arith.constant 0 : i32
      %dma_wait3A_194 = arith.constant 0 : i32
      %dma_wait3A_195 = tpu.memref_slice %arg9[%dma_wait3A_193, %dma_wait3A_194] : memref<10112x128xf32, #tpu.memory_space<vmem_shared>> -> memref<10112x128xf32, #tpu.memory_space<vmem_shared>>
      tpu.wait_indirect_dma semaphore(%arg12 : memref<!tpu.dma_semaphore, #tpu.memory_space<semaphore_mem>>) src(%dma_wait3A_189 : memref<64x128xf32, #tpu.memory_space<vmem>>) dst(%dma_wait3A_195 : memref<10112x128xf32, #tpu.memory_space<vmem_shared>>)
      %dma_wait3A_196 = arith.constant 1 : i32
      %dma_wait3A_197 = arith.constant 64 : i32
      %dma_wait3A_198 = arith.constant 0 : i32
      %dma_wait3A_199 = tpu.memref_slice %arg8[%dma_wait3A_196, %dma_wait3A_197, %dma_wait3A_198] : memref<2x128x128xf32, #tpu.memory_space<vmem>> -> memref<1x64x128xf32, #tpu.memory_space<vmem>>
      %dma_wait3A_200 = tpu.memref_squeeze %dma_wait3A_199 : memref<1x64x128xf32, #tpu.memory_space<vmem>> -> memref<64x128xf32, #tpu.memory_space<vmem>>
      %dma_wait3A_201 = arith.constant 64 : i32
      %dma_wait3A_202 = tpu.memref_slice %arg7[%add3A_162, %dma_wait3A_201] : memref<40x128xi32, #tpu.memory_space<vmem>> -> memref<1x64xi32, #tpu.memory_space<vmem>>
      %dma_wait3A_203 = tpu.memref_squeeze %dma_wait3A_202 : memref<1x64xi32, #tpu.memory_space<vmem>> -> memref<64xi32, #tpu.memory_space<vmem>>
      %dma_wait3A_204 = arith.constant 0 : i32
      %dma_wait3A_205 = arith.constant 0 : i32
      %dma_wait3A_206 = tpu.memref_slice %arg9[%dma_wait3A_204, %dma_wait3A_205] : memref<10112x128xf32, #tpu.memory_space<vmem_shared>> -> memref<10112x128xf32, #tpu.memory_space<vmem_shared>>
      tpu.wait_indirect_dma semaphore(%arg13 : memref<!tpu.dma_semaphore, #tpu.memory_space<semaphore_mem>>) src(%dma_wait3A_200 : memref<64x128xf32, #tpu.memory_space<vmem>>) dst(%dma_wait3A_206 : memref<10112x128xf32, #tpu.memory_space<vmem_shared>>)
      %add3A_207 = arith.constant 3 : i32
      %add3A_208 = arith.addi %mul3A_89, %add3A_207 : i32
      %lt3A_209 = arith.constant 40 : i32
      %lt3A_210 = arith.cmpi slt, %add3A_208, %lt3A_209 : i32
      %convert_element_type3A_211 = arith.extui %lt3A_210 : i1 to i32
      %cond3A_212 = arith.constant 0 : i32
      %cond3A_213 = arith.cmpi ne, %convert_element_type3A_211, %cond3A_212 : i32
      scf.if %cond3A_213 {
        %add3A_215 = arith.constant 3 : i32
        %add3A_216 = arith.addi %mul3A_89, %add3A_215 : i32
        %dma_start3A_217 = arith.constant 1 : i32
        %dma_start3A_218 = arith.constant 0 : i32
        %dma_start3A_219 = arith.constant 0 : i32
        %dma_start3A_220 = tpu.memref_slice %arg8[%dma_start3A_217, %dma_start3A_218, %dma_start3A_219] : memref<2x128x128xf32, #tpu.memory_space<vmem>> -> memref<1x128x128xf32, #tpu.memory_space<vmem>>
        %dma_start3A_221 = tpu.memref_squeeze %dma_start3A_220 : memref<1x128x128xf32, #tpu.memory_space<vmem>> -> memref<128x128xf32, #tpu.memory_space<vmem>>
        %dma_start3A_222 = arith.constant 0 : i32
        %dma_start3A_223 = tpu.memref_slice %arg6[%add3A_216, %dma_start3A_222] : memref<40x128xi32, #tpu.memory_space<vmem>> -> memref<1x128xi32, #tpu.memory_space<vmem>>
        %dma_start3A_224 = tpu.memref_squeeze %dma_start3A_223 : memref<1x128xi32, #tpu.memory_space<vmem>> -> memref<128xi32, #tpu.memory_space<vmem>>
        %dma_start3A_225 = arith.constant 0 : i32
        %dma_start3A_226 = arith.constant 0 : i32
        %dma_start3A_227 = tpu.memref_slice %arg2[%dma_start3A_225, %dma_start3A_226] : memref<10000x128xf32, #tpu.memory_space<hbm>> -> memref<10000x128xf32, #tpu.memory_space<hbm>>
        tpu.enqueue_indirect_dma source(%dma_start3A_227 : memref<10000x128xf32, #tpu.memory_space<hbm>>) target(%dma_start3A_221 : memref<128x128xf32, #tpu.memory_space<vmem>>) offsets(%dma_start3A_224 : memref<128xi32, #tpu.memory_space<vmem>>) semaphore(%arg11 : memref<!tpu.dma_semaphore, #tpu.memory_space<semaphore_mem>>)
      } else {
      }
      %scan3A_214 = arith.constant 0 : i32
      scf.yield %scan3A_214 : i32
    }
    %scan3A_53 = arith.constant 20 : i32
    "tpu.region"() ({
      %run_scoped3A_86 = tpu.sem_alloc : memref<!tpu.dma_semaphore, #tpu.memory_space<semaphore_mem>>
      %dma_start3A_87 = arith.constant 40 : i32
      %dma_start3A_88 = arith.constant 0 : i32
      %dma_start3A_89 = tpu.memref_slice %arg3[%add3A, %dma_start3A_87, %dma_start3A_88] : memref<32x80x128xi32, #tpu.memory_space<hbm>> -> memref<1x40x128xi32, #tpu.memory_space<hbm>>
      %dma_start3A_90 = tpu.memref_squeeze %dma_start3A_89 : memref<1x40x128xi32, #tpu.memory_space<hbm>> -> memref<40x128xi32, #tpu.memory_space<hbm>>
      %dma_start3A_91 = arith.constant 40 : i32
      %dma_start3A_92 = arith.constant 0 : i32
      %dma_start3A_93 = tpu.memref_slice %arg3[%add3A, %dma_start3A_91, %dma_start3A_92] : memref<32x80x128xi32, #tpu.memory_space<hbm>> -> memref<1x40x128xi32, #tpu.memory_space<hbm>>
      %dma_start3A_94 = tpu.memref_squeeze %dma_start3A_93 : memref<1x40x128xi32, #tpu.memory_space<hbm>> -> memref<40x128xi32, #tpu.memory_space<hbm>>
      tpu.enqueue_dma source(%dma_start3A_94 : memref<40x128xi32, #tpu.memory_space<hbm>>) target(%arg6 : memref<40x128xi32, #tpu.memory_space<vmem>>) target_semaphore(%run_scoped3A_86 : memref<!tpu.dma_semaphore, #tpu.memory_space<semaphore_mem>>)
      %dma_wait3A = arith.constant 40 : i32
      %dma_wait3A_95 = arith.constant 0 : i32
      %dma_wait3A_96 = tpu.memref_slice %arg3[%add3A, %dma_wait3A, %dma_wait3A_95] : memref<32x80x128xi32, #tpu.memory_space<hbm>> -> memref<1x40x128xi32, #tpu.memory_space<hbm>>
      %dma_wait3A_97 = tpu.memref_squeeze %dma_wait3A_96 : memref<1x40x128xi32, #tpu.memory_space<hbm>> -> memref<40x128xi32, #tpu.memory_space<hbm>>
      %dma_wait3A_98 = arith.constant 40 : i32
      %dma_wait3A_99 = arith.constant 0 : i32
      %dma_wait3A_100 = tpu.memref_slice %arg3[%add3A, %dma_wait3A_98, %dma_wait3A_99] : memref<32x80x128xi32, #tpu.memory_space<hbm>> -> memref<1x40x128xi32, #tpu.memory_space<hbm>>
      %dma_wait3A_101 = tpu.memref_squeeze %dma_wait3A_100 : memref<1x40x128xi32, #tpu.memory_space<hbm>> -> memref<40x128xi32, #tpu.memory_space<hbm>>
      tpu.wait_dma2 semaphore(%run_scoped3A_86 : memref<!tpu.dma_semaphore, #tpu.memory_space<semaphore_mem>>) src(%dma_wait3A_101 : memref<40x128xi32, #tpu.memory_space<hbm>>) dst(%arg6 : memref<40x128xi32, #tpu.memory_space<vmem>>)
      tpu.yield
    }) : () -> ()
    "tpu.region"() ({
      %run_scoped3A_86 = tpu.sem_alloc : memref<!tpu.dma_semaphore, #tpu.memory_space<semaphore_mem>>
      %dma_start3A_87 = arith.constant 40 : i32
      %dma_start3A_88 = arith.constant 0 : i32
      %dma_start3A_89 = tpu.memref_slice %arg4[%add3A, %dma_start3A_87, %dma_start3A_88] : memref<32x80x128xi32, #tpu.memory_space<hbm>> -> memref<1x40x128xi32, #tpu.memory_space<hbm>>
      %dma_start3A_90 = tpu.memref_squeeze %dma_start3A_89 : memref<1x40x128xi32, #tpu.memory_space<hbm>> -> memref<40x128xi32, #tpu.memory_space<hbm>>
      %dma_start3A_91 = arith.constant 40 : i32
      %dma_start3A_92 = arith.constant 0 : i32
      %dma_start3A_93 = tpu.memref_slice %arg4[%add3A, %dma_start3A_91, %dma_start3A_92] : memref<32x80x128xi32, #tpu.memory_space<hbm>> -> memref<1x40x128xi32, #tpu.memory_space<hbm>>
      %dma_start3A_94 = tpu.memref_squeeze %dma_start3A_93 : memref<1x40x128xi32, #tpu.memory_space<hbm>> -> memref<40x128xi32, #tpu.memory_space<hbm>>
      tpu.enqueue_dma source(%dma_start3A_94 : memref<40x128xi32, #tpu.memory_space<hbm>>) target(%arg7 : memref<40x128xi32, #tpu.memory_space<vmem>>) target_semaphore(%run_scoped3A_86 : memref<!tpu.dma_semaphore, #tpu.memory_space<semaphore_mem>>)
      %dma_wait3A = arith.constant 40 : i32
      %dma_wait3A_95 = arith.constant 0 : i32
      %dma_wait3A_96 = tpu.memref_slice %arg4[%add3A, %dma_wait3A, %dma_wait3A_95] : memref<32x80x128xi32, #tpu.memory_space<hbm>> -> memref<1x40x128xi32, #tpu.memory_space<hbm>>
      %dma_wait3A_97 = tpu.memref_squeeze %dma_wait3A_96 : memref<1x40x128xi32, #tpu.memory_space<hbm>> -> memref<40x128xi32, #tpu.memory_space<hbm>>
      %dma_wait3A_98 = arith.constant 40 : i32
      %dma_wait3A_99 = arith.constant 0 : i32
      %dma_wait3A_100 = tpu.memref_slice %arg4[%add3A, %dma_wait3A_98, %dma_wait3A_99] : memref<32x80x128xi32, #tpu.memory_space<hbm>> -> memref<1x40x128xi32, #tpu.memory_space<hbm>>
      %dma_wait3A_101 = tpu.memref_squeeze %dma_wait3A_100 : memref<1x40x128xi32, #tpu.memory_space<hbm>> -> memref<40x128xi32, #tpu.memory_space<hbm>>
      tpu.wait_dma2 semaphore(%run_scoped3A_86 : memref<!tpu.dma_semaphore, #tpu.memory_space<semaphore_mem>>) src(%dma_wait3A_101 : memref<40x128xi32, #tpu.memory_space<hbm>>) dst(%arg7 : memref<40x128xi32, #tpu.memory_space<vmem>>)
      tpu.yield
    }) : () -> ()
    %dma_start3A_54 = arith.constant 0 : i32
    %dma_start3A_55 = arith.constant 0 : i32
    %dma_start3A_56 = arith.constant 0 : i32
    %dma_start3A_57 = arith.constant 0 : i32
    %dma_start3A_58 = tpu.memref_slice %arg8[%dma_start3A_55, %dma_start3A_56, %dma_start3A_57] : memref<2x128x128xf32, #tpu.memory_space<vmem>> -> memref<1x128x128xf32, #tpu.memory_space<vmem>>
    %dma_start3A_59 = tpu.memref_squeeze %dma_start3A_58 : memref<1x128x128xf32, #tpu.memory_space<vmem>> -> memref<128x128xf32, #tpu.memory_space<vmem>>
    %dma_start3A_60 = arith.constant 0 : i32
    %dma_start3A_61 = tpu.memref_slice %arg6[%dma_start3A_54, %dma_start3A_60] : memref<40x128xi32, #tpu.memory_space<vmem>> -> memref<1x128xi32, #tpu.memory_space<vmem>>
    %dma_start3A_62 = tpu.memref_squeeze %dma_start3A_61 : memref<1x128xi32, #tpu.memory_space<vmem>> -> memref<128xi32, #tpu.memory_space<vmem>>
    %dma_start3A_63 = arith.constant 0 : i32
    %dma_start3A_64 = arith.constant 0 : i32
    %dma_start3A_65 = tpu.memref_slice %arg2[%dma_start3A_63, %dma_start3A_64] : memref<10000x128xf32, #tpu.memory_space<hbm>> -> memref<10000x128xf32, #tpu.memory_space<hbm>>
    tpu.enqueue_indirect_dma source(%dma_start3A_65 : memref<10000x128xf32, #tpu.memory_space<hbm>>) target(%dma_start3A_59 : memref<128x128xf32, #tpu.memory_space<vmem>>) offsets(%dma_start3A_62 : memref<128xi32, #tpu.memory_space<vmem>>) semaphore(%arg10 : memref<!tpu.dma_semaphore, #tpu.memory_space<semaphore_mem>>)
    %dma_start3A_66 = arith.constant 1 : i32
    %dma_start3A_67 = arith.constant 1 : i32
    %dma_start3A_68 = arith.constant 0 : i32
    %dma_start3A_69 = arith.constant 0 : i32
    %dma_start3A_70 = tpu.memref_slice %arg8[%dma_start3A_67, %dma_start3A_68, %dma_start3A_69] : memref<2x128x128xf32, #tpu.memory_space<vmem>> -> memref<1x128x128xf32, #tpu.memory_space<vmem>>
    %dma_start3A_71 = tpu.memref_squeeze %dma_start3A_70 : memref<1x128x128xf32, #tpu.memory_space<vmem>> -> memref<128x128xf32, #tpu.memory_space<vmem>>
    %dma_start3A_72 = arith.constant 0 : i32
    %dma_start3A_73 = tpu.memref_slice %arg6[%dma_start3A_66, %dma_start3A_72] : memref<40x128xi32, #tpu.memory_space<vmem>> -> memref<1x128xi32, #tpu.memory_space<vmem>>
    %dma_start3A_74 = tpu.memref_squeeze %dma_start3A_73 : memref<1x128xi32, #tpu.memory_space<vmem>> -> memref<128xi32, #tpu.memory_space<vmem>>
    %dma_start3A_75 = arith.constant 0 : i32
    %dma_start3A_76 = arith.constant 0 : i32
    %dma_start3A_77 = tpu.memref_slice %arg2[%dma_start3A_75, %dma_start3A_76] : memref<10000x128xf32, #tpu.memory_space<hbm>> -> memref<10000x128xf32, #tpu.memory_space<hbm>>
    tpu.enqueue_indirect_dma source(%dma_start3A_77 : memref<10000x128xf32, #tpu.memory_space<hbm>>) target(%dma_start3A_71 : memref<128x128xf32, #tpu.memory_space<vmem>>) offsets(%dma_start3A_74 : memref<128xi32, #tpu.memory_space<vmem>>) semaphore(%arg11 : memref<!tpu.dma_semaphore, #tpu.memory_space<semaphore_mem>>)
    %scan3A_78 = arith.constant 0 : i32
    %scan3A_79 = arith.constant 0 : i32
    %scan3A_80 = arith.constant 20 : i32
    %scan3A_81 = arith.addi %scan3A_79, %scan3A_80 : i32
    %scan3A_82 = arith.constant 1 : i32
    %scan3A_83 = scf.for %scan3A_86 = %scan3A_79 to %scan3A_81 step %scan3A_82 iter_args(%scan3A_87 = %scan3A_78) -> (i32)  : i32 {
      %mul3A_88 = arith.constant 2 : i32
      %mul3A_89 = arith.muli %scan3A_86, %mul3A_88 : i32
      %dma_wait3A = arith.constant 0 : i32
      %dma_wait3A_90 = arith.constant 0 : i32
      %dma_wait3A_91 = arith.constant 0 : i32
      %dma_wait3A_92 = tpu.memref_slice %arg8[%dma_wait3A, %dma_wait3A_90, %dma_wait3A_91] : memref<2x128x128xf32, #tpu.memory_space<vmem>> -> memref<1x128x128xf32, #tpu.memory_space<vmem>>
      %dma_wait3A_93 = tpu.memref_squeeze %dma_wait3A_92 : memref<1x128x128xf32, #tpu.memory_space<vmem>> -> memref<128x128xf32, #tpu.memory_space<vmem>>
      %dma_wait3A_94 = arith.constant 0 : i32
      %dma_wait3A_95 = tpu.memref_slice %arg6[%mul3A_89, %dma_wait3A_94] : memref<40x128xi32, #tpu.memory_space<vmem>> -> memref<1x128xi32, #tpu.memory_space<vmem>>
      %dma_wait3A_96 = tpu.memref_squeeze %dma_wait3A_95 : memref<1x128xi32, #tpu.memory_space<vmem>> -> memref<128xi32, #tpu.memory_space<vmem>>
      %dma_wait3A_97 = arith.constant 0 : i32
      %dma_wait3A_98 = arith.constant 0 : i32
      %dma_wait3A_99 = tpu.memref_slice %arg2[%dma_wait3A_97, %dma_wait3A_98] : memref<10000x128xf32, #tpu.memory_space<hbm>> -> memref<10000x128xf32, #tpu.memory_space<hbm>>
      tpu.wait_indirect_dma semaphore(%arg10 : memref<!tpu.dma_semaphore, #tpu.memory_space<semaphore_mem>>) src(%dma_wait3A_99 : memref<10000x128xf32, #tpu.memory_space<hbm>>) dst(%dma_wait3A_93 : memref<128x128xf32, #tpu.memory_space<vmem>>)
      %dma_start3A_100 = arith.constant 0 : i32
      %dma_start3A_101 = arith.constant 0 : i32
      %dma_start3A_102 = arith.constant 0 : i32
      %dma_start3A_103 = tpu.memref_slice %arg8[%dma_start3A_100, %dma_start3A_101, %dma_start3A_102] : memref<2x128x128xf32, #tpu.memory_space<vmem>> -> memref<1x64x128xf32, #tpu.memory_space<vmem>>
      %dma_start3A_104 = tpu.memref_squeeze %dma_start3A_103 : memref<1x64x128xf32, #tpu.memory_space<vmem>> -> memref<64x128xf32, #tpu.memory_space<vmem>>
      %dma_start3A_105 = arith.constant 0 : i32
      %dma_start3A_106 = tpu.memref_slice %arg7[%mul3A_89, %dma_start3A_105] : memref<40x128xi32, #tpu.memory_space<vmem>> -> memref<1x64xi32, #tpu.memory_space<vmem>>
      %dma_start3A_107 = tpu.memref_squeeze %dma_start3A_106 : memref<1x64xi32, #tpu.memory_space<vmem>> -> memref<64xi32, #tpu.memory_space<vmem>>
      %dma_start3A_108 = arith.constant 0 : i32
      %dma_start3A_109 = arith.constant 0 : i32
      %dma_start3A_110 = tpu.memref_slice %arg9[%dma_start3A_108, %dma_start3A_109] : memref<10112x128xf32, #tpu.memory_space<vmem_shared>> -> memref<10112x128xf32, #tpu.memory_space<vmem_shared>>
      tpu.enqueue_indirect_dma source(%dma_start3A_104 : memref<64x128xf32, #tpu.memory_space<vmem>>) target(%dma_start3A_110 : memref<10112x128xf32, #tpu.memory_space<vmem_shared>>) offsets(%dma_start3A_107 : memref<64xi32, #tpu.memory_space<vmem>>) semaphore(%arg12 : memref<!tpu.dma_semaphore, #tpu.memory_space<semaphore_mem>>) {add = true}
      %dma_start3A_111 = arith.constant 0 : i32
      %dma_start3A_112 = arith.constant 64 : i32
      %dma_start3A_113 = arith.constant 0 : i32
      %dma_start3A_114 = tpu.memref_slice %arg8[%dma_start3A_111, %dma_start3A_112, %dma_start3A_113] : memref<2x128x128xf32, #tpu.memory_space<vmem>> -> memref<1x64x128xf32, #tpu.memory_space<vmem>>
      %dma_start3A_115 = tpu.memref_squeeze %dma_start3A_114 : memref<1x64x128xf32, #tpu.memory_space<vmem>> -> memref<64x128xf32, #tpu.memory_space<vmem>>
      %dma_start3A_116 = arith.constant 64 : i32
      %dma_start3A_117 = tpu.memref_slice %arg7[%mul3A_89, %dma_start3A_116] : memref<40x128xi32, #tpu.memory_space<vmem>> -> memref<1x64xi32, #tpu.memory_space<vmem>>
      %dma_start3A_118 = tpu.memref_squeeze %dma_start3A_117 : memref<1x64xi32, #tpu.memory_space<vmem>> -> memref<64xi32, #tpu.memory_space<vmem>>
      %dma_start3A_119 = arith.constant 0 : i32
      %dma_start3A_120 = arith.constant 0 : i32
      %dma_start3A_121 = tpu.memref_slice %arg9[%dma_start3A_119, %dma_start3A_120] : memref<10112x128xf32, #tpu.memory_space<vmem_shared>> -> memref<10112x128xf32, #tpu.memory_space<vmem_shared>>
      tpu.enqueue_indirect_dma source(%dma_start3A_115 : memref<64x128xf32, #tpu.memory_space<vmem>>) target(%dma_start3A_121 : memref<10112x128xf32, #tpu.memory_space<vmem_shared>>) offsets(%dma_start3A_118 : memref<64xi32, #tpu.memory_space<vmem>>) semaphore(%arg13 : memref<!tpu.dma_semaphore, #tpu.memory_space<semaphore_mem>>) {add = true}
      %dma_wait3A_122 = arith.constant 0 : i32
      %dma_wait3A_123 = arith.constant 0 : i32
      %dma_wait3A_124 = arith.constant 0 : i32
      %dma_wait3A_125 = tpu.memref_slice %arg8[%dma_wait3A_122, %dma_wait3A_123, %dma_wait3A_124] : memref<2x128x128xf32, #tpu.memory_space<vmem>> -> memref<1x64x128xf32, #tpu.memory_space<vmem>>
      %dma_wait3A_126 = tpu.memref_squeeze %dma_wait3A_125 : memref<1x64x128xf32, #tpu.memory_space<vmem>> -> memref<64x128xf32, #tpu.memory_space<vmem>>
      %dma_wait3A_127 = arith.constant 0 : i32
      %dma_wait3A_128 = tpu.memref_slice %arg7[%mul3A_89, %dma_wait3A_127] : memref<40x128xi32, #tpu.memory_space<vmem>> -> memref<1x64xi32, #tpu.memory_space<vmem>>
      %dma_wait3A_129 = tpu.memref_squeeze %dma_wait3A_128 : memref<1x64xi32, #tpu.memory_space<vmem>> -> memref<64xi32, #tpu.memory_space<vmem>>
      %dma_wait3A_130 = arith.constant 0 : i32
      %dma_wait3A_131 = arith.constant 0 : i32
      %dma_wait3A_132 = tpu.memref_slice %arg9[%dma_wait3A_130, %dma_wait3A_131] : memref<10112x128xf32, #tpu.memory_space<vmem_shared>> -> memref<10112x128xf32, #tpu.memory_space<vmem_shared>>
      tpu.wait_indirect_dma semaphore(%arg12 : memref<!tpu.dma_semaphore, #tpu.memory_space<semaphore_mem>>) src(%dma_wait3A_126 : memref<64x128xf32, #tpu.memory_space<vmem>>) dst(%dma_wait3A_132 : memref<10112x128xf32, #tpu.memory_space<vmem_shared>>)
      %dma_wait3A_133 = arith.constant 0 : i32
      %dma_wait3A_134 = arith.constant 64 : i32
      %dma_wait3A_135 = arith.constant 0 : i32
      %dma_wait3A_136 = tpu.memref_slice %arg8[%dma_wait3A_133, %dma_wait3A_134, %dma_wait3A_135] : memref<2x128x128xf32, #tpu.memory_space<vmem>> -> memref<1x64x128xf32, #tpu.memory_space<vmem>>
      %dma_wait3A_137 = tpu.memref_squeeze %dma_wait3A_136 : memref<1x64x128xf32, #tpu.memory_space<vmem>> -> memref<64x128xf32, #tpu.memory_space<vmem>>
      %dma_wait3A_138 = arith.constant 64 : i32
      %dma_wait3A_139 = tpu.memref_slice %arg7[%mul3A_89, %dma_wait3A_138] : memref<40x128xi32, #tpu.memory_space<vmem>> -> memref<1x64xi32, #tpu.memory_space<vmem>>
      %dma_wait3A_140 = tpu.memref_squeeze %dma_wait3A_139 : memref<1x64xi32, #tpu.memory_space<vmem>> -> memref<64xi32, #tpu.memory_space<vmem>>
      %dma_wait3A_141 = arith.constant 0 : i32
      %dma_wait3A_142 = arith.constant 0 : i32
      %dma_wait3A_143 = tpu.memref_slice %arg9[%dma_wait3A_141, %dma_wait3A_142] : memref<10112x128xf32, #tpu.memory_space<vmem_shared>> -> memref<10112x128xf32, #tpu.memory_space<vmem_shared>>
      tpu.wait_indirect_dma semaphore(%arg13 : memref<!tpu.dma_semaphore, #tpu.memory_space<semaphore_mem>>) src(%dma_wait3A_137 : memref<64x128xf32, #tpu.memory_space<vmem>>) dst(%dma_wait3A_143 : memref<10112x128xf32, #tpu.memory_space<vmem_shared>>)
      %add3A_144 = arith.constant 2 : i32
      %add3A_145 = arith.addi %mul3A_89, %add3A_144 : i32
      %lt3A = arith.constant 40 : i32
      %lt3A_146 = arith.cmpi slt, %add3A_145, %lt3A : i32
      %convert_element_type3A = arith.extui %lt3A_146 : i1 to i32
      %cond3A = arith.constant 0 : i32
      %cond3A_147 = arith.cmpi ne, %convert_element_type3A, %cond3A : i32
      scf.if %cond3A_147 {
        %add3A_215 = arith.constant 2 : i32
        %add3A_216 = arith.addi %mul3A_89, %add3A_215 : i32
        %dma_start3A_217 = arith.constant 0 : i32
        %dma_start3A_218 = arith.constant 0 : i32
        %dma_start3A_219 = arith.constant 0 : i32
        %dma_start3A_220 = tpu.memref_slice %arg8[%dma_start3A_217, %dma_start3A_218, %dma_start3A_219] : memref<2x128x128xf32, #tpu.memory_space<vmem>> -> memref<1x128x128xf32, #tpu.memory_space<vmem>>
        %dma_start3A_221 = tpu.memref_squeeze %dma_start3A_220 : memref<1x128x128xf32, #tpu.memory_space<vmem>> -> memref<128x128xf32, #tpu.memory_space<vmem>>
        %dma_start3A_222 = arith.constant 0 : i32
        %dma_start3A_223 = tpu.memref_slice %arg6[%add3A_216, %dma_start3A_222] : memref<40x128xi32, #tpu.memory_space<vmem>> -> memref<1x128xi32, #tpu.memory_space<vmem>>
        %dma_start3A_224 = tpu.memref_squeeze %dma_start3A_223 : memref<1x128xi32, #tpu.memory_space<vmem>> -> memref<128xi32, #tpu.memory_space<vmem>>
        %dma_start3A_225 = arith.constant 0 : i32
        %dma_start3A_226 = arith.constant 0 : i32
        %dma_start3A_227 = tpu.memref_slice %arg2[%dma_start3A_225, %dma_start3A_226] : memref<10000x128xf32, #tpu.memory_space<hbm>> -> memref<10000x128xf32, #tpu.memory_space<hbm>>
        tpu.enqueue_indirect_dma source(%dma_start3A_227 : memref<10000x128xf32, #tpu.memory_space<hbm>>) target(%dma_start3A_221 : memref<128x128xf32, #tpu.memory_space<vmem>>) offsets(%dma_start3A_224 : memref<128xi32, #tpu.memory_space<vmem>>) semaphore(%arg10 : memref<!tpu.dma_semaphore, #tpu.memory_space<semaphore_mem>>)
      } else {
      }
      %add3A_148 = arith.constant 1 : i32
      %add3A_149 = arith.addi %mul3A_89, %add3A_148 : i32
      %dma_wait3A_150 = arith.constant 1 : i32
      %dma_wait3A_151 = arith.constant 0 : i32
      %dma_wait3A_152 = arith.constant 0 : i32
      %dma_wait3A_153 = tpu.memref_slice %arg8[%dma_wait3A_150, %dma_wait3A_151, %dma_wait3A_152] : memref<2x128x128xf32, #tpu.memory_space<vmem>> -> memref<1x128x128xf32, #tpu.memory_space<vmem>>
      %dma_wait3A_154 = tpu.memref_squeeze %dma_wait3A_153 : memref<1x128x128xf32, #tpu.memory_space<vmem>> -> memref<128x128xf32, #tpu.memory_space<vmem>>
      %dma_wait3A_155 = arith.constant 0 : i32
      %dma_wait3A_156 = tpu.memref_slice %arg6[%add3A_149, %dma_wait3A_155] : memref<40x128xi32, #tpu.memory_space<vmem>> -> memref<1x128xi32, #tpu.memory_space<vmem>>
      %dma_wait3A_157 = tpu.memref_squeeze %dma_wait3A_156 : memref<1x128xi32, #tpu.memory_space<vmem>> -> memref<128xi32, #tpu.memory_space<vmem>>
      %dma_wait3A_158 = arith.constant 0 : i32
      %dma_wait3A_159 = arith.constant 0 : i32
      %dma_wait3A_160 = tpu.memref_slice %arg2[%dma_wait3A_158, %dma_wait3A_159] : memref<10000x128xf32, #tpu.memory_space<hbm>> -> memref<10000x128xf32, #tpu.memory_space<hbm>>
      tpu.wait_indirect_dma semaphore(%arg11 : memref<!tpu.dma_semaphore, #tpu.memory_space<semaphore_mem>>) src(%dma_wait3A_160 : memref<10000x128xf32, #tpu.memory_space<hbm>>) dst(%dma_wait3A_154 : memref<128x128xf32, #tpu.memory_space<vmem>>)
      %add3A_161 = arith.constant 1 : i32
      %add3A_162 = arith.addi %mul3A_89, %add3A_161 : i32
      %dma_start3A_163 = arith.constant 1 : i32
      %dma_start3A_164 = arith.constant 0 : i32
      %dma_start3A_165 = arith.constant 0 : i32
      %dma_start3A_166 = tpu.memref_slice %arg8[%dma_start3A_163, %dma_start3A_164, %dma_start3A_165] : memref<2x128x128xf32, #tpu.memory_space<vmem>> -> memref<1x64x128xf32, #tpu.memory_space<vmem>>
      %dma_start3A_167 = tpu.memref_squeeze %dma_start3A_166 : memref<1x64x128xf32, #tpu.memory_space<vmem>> -> memref<64x128xf32, #tpu.memory_space<vmem>>
      %dma_start3A_168 = arith.constant 0 : i32
      %dma_start3A_169 = tpu.memref_slice %arg7[%add3A_162, %dma_start3A_168] : memref<40x128xi32, #tpu.memory_space<vmem>> -> memref<1x64xi32, #tpu.memory_space<vmem>>
      %dma_start3A_170 = tpu.memref_squeeze %dma_start3A_169 : memref<1x64xi32, #tpu.memory_space<vmem>> -> memref<64xi32, #tpu.memory_space<vmem>>
      %dma_start3A_171 = arith.constant 0 : i32
      %dma_start3A_172 = arith.constant 0 : i32
      %dma_start3A_173 = tpu.memref_slice %arg9[%dma_start3A_171, %dma_start3A_172] : memref<10112x128xf32, #tpu.memory_space<vmem_shared>> -> memref<10112x128xf32, #tpu.memory_space<vmem_shared>>
      tpu.enqueue_indirect_dma source(%dma_start3A_167 : memref<64x128xf32, #tpu.memory_space<vmem>>) target(%dma_start3A_173 : memref<10112x128xf32, #tpu.memory_space<vmem_shared>>) offsets(%dma_start3A_170 : memref<64xi32, #tpu.memory_space<vmem>>) semaphore(%arg12 : memref<!tpu.dma_semaphore, #tpu.memory_space<semaphore_mem>>) {add = true}
      %dma_start3A_174 = arith.constant 1 : i32
      %dma_start3A_175 = arith.constant 64 : i32
      %dma_start3A_176 = arith.constant 0 : i32
      %dma_start3A_177 = tpu.memref_slice %arg8[%dma_start3A_174, %dma_start3A_175, %dma_start3A_176] : memref<2x128x128xf32, #tpu.memory_space<vmem>> -> memref<1x64x128xf32, #tpu.memory_space<vmem>>
      %dma_start3A_178 = tpu.memref_squeeze %dma_start3A_177 : memref<1x64x128xf32, #tpu.memory_space<vmem>> -> memref<64x128xf32, #tpu.memory_space<vmem>>
      %dma_start3A_179 = arith.constant 64 : i32
      %dma_start3A_180 = tpu.memref_slice %arg7[%add3A_162, %dma_start3A_179] : memref<40x128xi32, #tpu.memory_space<vmem>> -> memref<1x64xi32, #tpu.memory_space<vmem>>
      %dma_start3A_181 = tpu.memref_squeeze %dma_start3A_180 : memref<1x64xi32, #tpu.memory_space<vmem>> -> memref<64xi32, #tpu.memory_space<vmem>>
      %dma_start3A_182 = arith.constant 0 : i32
      %dma_start3A_183 = arith.constant 0 : i32
      %dma_start3A_184 = tpu.memref_slice %arg9[%dma_start3A_182, %dma_start3A_183] : memref<10112x128xf32, #tpu.memory_space<vmem_shared>> -> memref<10112x128xf32, #tpu.memory_space<vmem_shared>>
      tpu.enqueue_indirect_dma source(%dma_start3A_178 : memref<64x128xf32, #tpu.memory_space<vmem>>) target(%dma_start3A_184 : memref<10112x128xf32, #tpu.memory_space<vmem_shared>>) offsets(%dma_start3A_181 : memref<64xi32, #tpu.memory_space<vmem>>) semaphore(%arg13 : memref<!tpu.dma_semaphore, #tpu.memory_space<semaphore_mem>>) {add = true}
      %dma_wait3A_185 = arith.constant 1 : i32
      %dma_wait3A_186 = arith.constant 0 : i32
      %dma_wait3A_187 = arith.constant 0 : i32
      %dma_wait3A_188 = tpu.memref_slice %arg8[%dma_wait3A_185, %dma_wait3A_186, %dma_wait3A_187] : memref<2x128x128xf32, #tpu.memory_space<vmem>> -> memref<1x64x128xf32, #tpu.memory_space<vmem>>
      %dma_wait3A_189 = tpu.memref_squeeze %dma_wait3A_188 : memref<1x64x128xf32, #tpu.memory_space<vmem>> -> memref<64x128xf32, #tpu.memory_space<vmem>>
      %dma_wait3A_190 = arith.constant 0 : i32
      %dma_wait3A_191 = tpu.memref_slice %arg7[%add3A_162, %dma_wait3A_190] : memref<40x128xi32, #tpu.memory_space<vmem>> -> memref<1x64xi32, #tpu.memory_space<vmem>>
      %dma_wait3A_192 = tpu.memref_squeeze %dma_wait3A_191 : memref<1x64xi32, #tpu.memory_space<vmem>> -> memref<64xi32, #tpu.memory_space<vmem>>
      %dma_wait3A_193 = arith.constant 0 : i32
      %dma_wait3A_194 = arith.constant 0 : i32
      %dma_wait3A_195 = tpu.memref_slice %arg9[%dma_wait3A_193, %dma_wait3A_194] : memref<10112x128xf32, #tpu.memory_space<vmem_shared>> -> memref<10112x128xf32, #tpu.memory_space<vmem_shared>>
      tpu.wait_indirect_dma semaphore(%arg12 : memref<!tpu.dma_semaphore, #tpu.memory_space<semaphore_mem>>) src(%dma_wait3A_189 : memref<64x128xf32, #tpu.memory_space<vmem>>) dst(%dma_wait3A_195 : memref<10112x128xf32, #tpu.memory_space<vmem_shared>>)
      %dma_wait3A_196 = arith.constant 1 : i32
      %dma_wait3A_197 = arith.constant 64 : i32
      %dma_wait3A_198 = arith.constant 0 : i32
      %dma_wait3A_199 = tpu.memref_slice %arg8[%dma_wait3A_196, %dma_wait3A_197, %dma_wait3A_198] : memref<2x128x128xf32, #tpu.memory_space<vmem>> -> memref<1x64x128xf32, #tpu.memory_space<vmem>>
      %dma_wait3A_200 = tpu.memref_squeeze %dma_wait3A_199 : memref<1x64x128xf32, #tpu.memory_space<vmem>> -> memref<64x128xf32, #tpu.memory_space<vmem>>
      %dma_wait3A_201 = arith.constant 64 : i32
      %dma_wait3A_202 = tpu.memref_slice %arg7[%add3A_162, %dma_wait3A_201] : memref<40x128xi32, #tpu.memory_space<vmem>> -> memref<1x64xi32, #tpu.memory_space<vmem>>
      %dma_wait3A_203 = tpu.memref_squeeze %dma_wait3A_202 : memref<1x64xi32, #tpu.memory_space<vmem>> -> memref<64xi32, #tpu.memory_space<vmem>>
      %dma_wait3A_204 = arith.constant 0 : i32
      %dma_wait3A_205 = arith.constant 0 : i32
      %dma_wait3A_206 = tpu.memref_slice %arg9[%dma_wait3A_204, %dma_wait3A_205] : memref<10112x128xf32, #tpu.memory_space<vmem_shared>> -> memref<10112x128xf32, #tpu.memory_space<vmem_shared>>
      tpu.wait_indirect_dma semaphore(%arg13 : memref<!tpu.dma_semaphore, #tpu.memory_space<semaphore_mem>>) src(%dma_wait3A_200 : memref<64x128xf32, #tpu.memory_space<vmem>>) dst(%dma_wait3A_206 : memref<10112x128xf32, #tpu.memory_space<vmem_shared>>)
      %add3A_207 = arith.constant 3 : i32
      %add3A_208 = arith.addi %mul3A_89, %add3A_207 : i32
      %lt3A_209 = arith.constant 40 : i32
      %lt3A_210 = arith.cmpi slt, %add3A_208, %lt3A_209 : i32
      %convert_element_type3A_211 = arith.extui %lt3A_210 : i1 to i32
      %cond3A_212 = arith.constant 0 : i32
      %cond3A_213 = arith.cmpi ne, %convert_element_type3A_211, %cond3A_212 : i32
      scf.if %cond3A_213 {
        %add3A_215 = arith.constant 3 : i32
        %add3A_216 = arith.addi %mul3A_89, %add3A_215 : i32
        %dma_start3A_217 = arith.constant 1 : i32
        %dma_start3A_218 = arith.constant 0 : i32
        %dma_start3A_219 = arith.constant 0 : i32
        %dma_start3A_220 = tpu.memref_slice %arg8[%dma_start3A_217, %dma_start3A_218, %dma_start3A_219] : memref<2x128x128xf32, #tpu.memory_space<vmem>> -> memref<1x128x128xf32, #tpu.memory_space<vmem>>
        %dma_start3A_221 = tpu.memref_squeeze %dma_start3A_220 : memref<1x128x128xf32, #tpu.memory_space<vmem>> -> memref<128x128xf32, #tpu.memory_space<vmem>>
        %dma_start3A_222 = arith.constant 0 : i32
        %dma_start3A_223 = tpu.memref_slice %arg6[%add3A_216, %dma_start3A_222] : memref<40x128xi32, #tpu.memory_space<vmem>> -> memref<1x128xi32, #tpu.memory_space<vmem>>
        %dma_start3A_224 = tpu.memref_squeeze %dma_start3A_223 : memref<1x128xi32, #tpu.memory_space<vmem>> -> memref<128xi32, #tpu.memory_space<vmem>>
        %dma_start3A_225 = arith.constant 0 : i32
        %dma_start3A_226 = arith.constant 0 : i32
        %dma_start3A_227 = tpu.memref_slice %arg2[%dma_start3A_225, %dma_start3A_226] : memref<10000x128xf32, #tpu.memory_space<hbm>> -> memref<10000x128xf32, #tpu.memory_space<hbm>>
        tpu.enqueue_indirect_dma source(%dma_start3A_227 : memref<10000x128xf32, #tpu.memory_space<hbm>>) target(%dma_start3A_221 : memref<128x128xf32, #tpu.memory_space<vmem>>) offsets(%dma_start3A_224 : memref<128xi32, #tpu.memory_space<vmem>>) semaphore(%arg11 : memref<!tpu.dma_semaphore, #tpu.memory_space<semaphore_mem>>)
      } else {
      }
      %scan3A_214 = arith.constant 0 : i32
      scf.yield %scan3A_214 : i32
    }
    %scan3A_84 = arith.constant 20 : i32
    %barrier3A_85 = arith.constant 0 : index
    tpu.barrier barrier_id(%barrier3A_85)
    "tpu.region"() ({
      %run_scoped3A_86 = tpu.sem_alloc : memref<!tpu.dma_semaphore, #tpu.memory_space<semaphore_mem>>
      %dma_start3A_87 = arith.constant 0 : i32
      %dma_start3A_88 = tpu.memref_slice %arg5[%arg0, %mul3A_9, %dma_start3A_87] : memref<2x10112x128xf32, #tpu.memory_space<hbm>> -> memref<1x632x128xf32, #tpu.memory_space<hbm>>
      %dma_start3A_89 = tpu.memref_squeeze %dma_start3A_88 : memref<1x632x128xf32, #tpu.memory_space<hbm>> -> memref<632x128xf32, #tpu.memory_space<hbm>>
      %dma_start3A_90 = arith.constant 0 : i32
      %dma_start3A_91 = tpu.memref_slice %arg9[%mul3A_9, %dma_start3A_90] : memref<10112x128xf32, #tpu.memory_space<vmem_shared>> -> memref<632x128xf32, #tpu.memory_space<vmem_shared>>
      tpu.enqueue_dma source(%dma_start3A_91 : memref<632x128xf32, #tpu.memory_space<vmem_shared>>) target(%dma_start3A_89 : memref<632x128xf32, #tpu.memory_space<hbm>>) target_semaphore(%run_scoped3A_86 : memref<!tpu.dma_semaphore, #tpu.memory_space<semaphore_mem>>)
      %dma_wait3A = arith.constant 0 : i32
      %dma_wait3A_92 = tpu.memref_slice %arg5[%arg0, %mul3A_9, %dma_wait3A] : memref<2x10112x128xf32, #tpu.memory_space<hbm>> -> memref<1x632x128xf32, #tpu.memory_space<hbm>>
      %dma_wait3A_93 = tpu.memref_squeeze %dma_wait3A_92 : memref<1x632x128xf32, #tpu.memory_space<hbm>> -> memref<632x128xf32, #tpu.memory_space<hbm>>
      %dma_wait3A_94 = arith.constant 0 : i32
      %dma_wait3A_95 = tpu.memref_slice %arg9[%mul3A_9, %dma_wait3A_94] : memref<10112x128xf32, #tpu.memory_space<vmem_shared>> -> memref<632x128xf32, #tpu.memory_space<vmem_shared>>
      tpu.wait_dma2 semaphore(%run_scoped3A_86 : memref<!tpu.dma_semaphore, #tpu.memory_space<semaphore_mem>>) src(%dma_wait3A_95 : memref<632x128xf32, #tpu.memory_space<vmem_shared>>) dst(%dma_wait3A_93 : memref<632x128xf32, #tpu.memory_space<hbm>>)
      tpu.yield
    }) : () -> ()
    return
  }
}

#map = affine_map<(d0, d1) -> (0, 0)>
#map1 = affine_map<(d0, d1) -> (0, 0, 0)>
module attributes {stable_mosaic.version = 14 : i64} {
  func.func @aggregate(%arg0: i32, %arg1: i32, %arg2: memref<10000x128xf32, #tpu.memory_space<hbm>>, %arg3: memref<32x80x128xi32, #tpu.memory_space<hbm>>, %arg4: memref<32x80x128xi32, #tpu.memory_space<hbm>>, %arg5: memref<2x10112x128xf32, #tpu.memory_space<hbm>>, %arg6: memref<40x128xi32, #tpu.memory_space<vmem>>, %arg7: memref<40x128xi32, #tpu.memory_space<vmem>>, %arg8: memref<2x128x128xf32, #tpu.memory_space<vmem>>, %arg9: memref<10112x128xf32, #tpu.memory_space<vmem_shared>>, %arg10: memref<!tpu.dma_semaphore, #tpu.memory_space<semaphore_mem>>, %arg11: memref<!tpu.dma_semaphore, #tpu.memory_space<semaphore_mem>>, %arg12: memref<!tpu.dma_semaphore, #tpu.memory_space<semaphore_mem>>, %arg13: memref<!tpu.dma_semaphore, #tpu.memory_space<semaphore_mem>>) attributes {dimension_semantics = [#tpu.dimension_semantics<core_parallel>, #tpu.dimension_semantics<subcore_parallel>], iteration_bounds = array<i64: 2, 16>, scalar_prefetch = 0 : i64, scratch_operands = 8 : i64, tpu.core_type = #tpu.core_type<sc_vector_subcore>, window_params = [{transform_indices = #map}, {transform_indices = #map1}, {transform_indices = #map1}, {transform_indices = #map1}]} {
    %mul3A = arith.constant 2 : i32
    %mul3A_0 = arith.muli %arg1, %mul3A : i32
    %add3A = arith.addi %mul3A_0, %arg0 : i32
    %broadcast_in_dim3A = arith.constant 0.000000e+00 : f32
    %broadcast_in_dim3A_1 = vector.broadcast %broadcast_in_dim3A : f32 to vector<16xf32>
    %scan3A = arith.constant 0 : i32
    %scan3A_2 = arith.constant 0 : i32
    %scan3A_3 = arith.constant 128 : i32
    %scan3A_4 = arith.addi %scan3A_2, %scan3A_3 : i32
    %scan3A_5 = arith.constant 1 : i32
    %scan3A_6 = scf.for %scan3A_86 = %scan3A_2 to %scan3A_4 step %scan3A_5 iter_args(%scan3A_87 = %scan3A) -> (i32)  : i32 {
      %scan3A_88 = arith.constant 0 : i32
      %scan3A_89 = arith.constant 0 : i32
      %scan3A_90 = arith.constant 8 : i32
      %scan3A_91 = arith.addi %scan3A_89, %scan3A_90 : i32
      %scan3A_92 = arith.constant 1 : i32
      %scan3A_93 = scf.for %scan3A_95 = %scan3A_89 to %scan3A_91 step %scan3A_92 iter_args(%scan3A_96 = %scan3A_88) -> (i32)  : i32 {
        %mul3A_97 = arith.constant 16 : i32
        %mul3A_98 = arith.muli %scan3A_95, %mul3A_97 : i32
        %swap3A = arith.constant 0 : i32
        %swap3A_99 = arith.index_cast %swap3A : i32 to index
        %swap3A_100 = arith.index_cast %scan3A_86 : i32 to index
        %swap3A_101 = arith.index_cast %mul3A_98 : i32 to index
        %swap3A_102 = tpu.vector_load %arg8[%swap3A_99, %swap3A_100, %swap3A_101] {strides = array<i32>} : memref<2x128x128xf32, #tpu.memory_space<vmem>>, vector<1x1x16xf32>,
        %swap3A_103 = vector.shape_cast %swap3A_102 : vector<1x1x16xf32> to vector<16xf32>
        %swap3A_104 = vector.shape_cast %broadcast_in_dim3A_1 : vector<16xf32> to vector<1x1x16xf32>
        tpu.vector_store %arg8[%swap3A_99, %swap3A_100, %swap3A_101], %swap3A_104 {strides = array<i32>} : memref<2x128x128xf32, #tpu.memory_space<vmem>>, vector<1x1x16xf32>,
        %scan3A_105 = arith.constant 0 : i32
        scf.yield %scan3A_105 : i32
      }
      %scan3A_94 = arith.constant 8 : i32
      scf.yield %scan3A_93 : i32
    }
    %scan3A_7 = arith.constant 128 : i32
    %mul3A_8 = arith.constant 632 : i32
    %mul3A_9 = arith.muli %arg1, %mul3A_8 : i32
    %add3A_10 = arith.constant 0 : i32
    %add3A_11 = arith.addi %mul3A_9, %add3A_10 : i32
    %run_scoped3A = arith.constant 0 : i32
    "tpu.region"() ({
      %run_scoped3A_86 = tpu.sem_alloc : memref<!tpu.dma_semaphore, #tpu.memory_space<semaphore_mem>>
      %dma_start3A_87 = arith.constant 0 : i32
      %dma_start3A_88 = arith.constant 0 : i32
      %dma_start3A_89 = tpu.memref_slice %arg8[%run_scoped3A, %dma_start3A_87, %dma_start3A_88] : memref<2x128x128xf32, #tpu.memory_space<vmem>> -> memref<1x128x128xf32, #tpu.memory_space<vmem>>
      %dma_start3A_90 = tpu.memref_squeeze %dma_start3A_89 : memref<1x128x128xf32, #tpu.memory_space<vmem>> -> memref<128x128xf32, #tpu.memory_space<vmem>>
      %dma_start3A_91 = arith.constant 0 : i32
      %dma_start3A_92 = tpu.memref_slice %arg9[%add3A_11, %dma_start3A_91] : memref<10112x128xf32, #tpu.memory_space<vmem_shared>> -> memref<128x128xf32, #tpu.memory_space<vmem_shared>>
      %dma_start3A_93 = arith.constant 0 : i32
      %dma_start3A_94 = tpu.memref_slice %arg9[%add3A_11, %dma_start3A_93] : memref<10112x128xf32, #tpu.memory_space<vmem_shared>> -> memref<128x128xf32, #tpu.memory_space<vmem_shared>>
      %dma_start3A_95 = arith.constant 0 : i32
      %dma_start3A_96 = arith.constant 0 : i32
      %dma_start3A_97 = tpu.memref_slice %arg8[%run_scoped3A, %dma_start3A_95, %dma_start3A_96] : memref<2x128x128xf32, #tpu.memory_space<vmem>> -> memref<1x128x128xf32, #tpu.memory_space<vmem>>
      %dma_start3A_98 = tpu.memref_squeeze %dma_start3A_97 : memref<1x128x128xf32, #tpu.memory_space<vmem>> -> memref<128x128xf32, #tpu.memory_space<vmem>>
      tpu.enqueue_dma source(%dma_start3A_98 : memref<128x128xf32, #tpu.memory_space<vmem>>) target(%dma_start3A_94 : memref<128x128xf32, #tpu.memory_space<vmem_shared>>) target_semaphore(%run_scoped3A_86 : memref<!tpu.dma_semaphore, #tpu.memory_space<semaphore_mem>>)
      %dma_wait3A = arith.constant 0 : i32
      %dma_wait3A_99 = arith.constant 0 : i32
      %dma_wait3A_100 = tpu.memref_slice %arg8[%run_scoped3A, %dma_wait3A, %dma_wait3A_99] : memref<2x128x128xf32, #tpu.memory_space<vmem>> -> memref<1x128x128xf32, #tpu.memory_space<vmem>>
      %dma_wait3A_101 = tpu.memref_squeeze %dma_wait3A_100 : memref<1x128x128xf32, #tpu.memory_space<vmem>> -> memref<128x128xf32, #tpu.memory_space<vmem>>
      %dma_wait3A_102 = arith.constant 0 : i32
      %dma_wait3A_103 = tpu.memref_slice %arg9[%add3A_11, %dma_wait3A_102] : memref<10112x128xf32, #tpu.memory_space<vmem_shared>> -> memref<128x128xf32, #tpu.memory_space<vmem_shared>>
      %dma_wait3A_104 = arith.constant 0 : i32
      %dma_wait3A_105 = tpu.memref_slice %arg9[%add3A_11, %dma_wait3A_104] : memref<10112x128xf32, #tpu.memory_space<vmem_shared>> -> memref<128x128xf32, #tpu.memory_space<vmem_shared>>
      %dma_wait3A_106 = arith.constant 0 : i32
      %dma_wait3A_107 = arith.constant 0 : i32
      %dma_wait3A_108 = tpu.memref_slice %arg8[%run_scoped3A, %dma_wait3A_106, %dma_wait3A_107] : memref<2x128x128xf32, #tpu.memory_space<vmem>> -> memref<1x128x128xf32, #tpu.memory_space<vmem>>
      %dma_wait3A_109 = tpu.memref_squeeze %dma_wait3A_108 : memref<1x128x128xf32, #tpu.memory_space<vmem>> -> memref<128x128xf32, #tpu.memory_space<vmem>>
      tpu.wait_dma2 semaphore(%run_scoped3A_86 : memref<!tpu.dma_semaphore, #tpu.memory_space<semaphore_mem>>) src(%dma_wait3A_109 : memref<128x128xf32, #tpu.memory_space<vmem>>) dst(%dma_wait3A_105 : memref<128x128xf32, #tpu.memory_space<vmem_shared>>)
      tpu.yield
    }) : () -> ()
    %add3A_12 = arith.constant 128 : i32
    %add3A_13 = arith.addi %mul3A_9, %add3A_12 : i32
    %run_scoped3A_14 = arith.constant 0 : i32
    "tpu.region"() ({
      %run_scoped3A_86 = tpu.sem_alloc : memref<!tpu.dma_semaphore, #tpu.memory_space<semaphore_mem>>
      %dma_start3A_87 = arith.constant 0 : i32
      %dma_start3A_88 = arith.constant 0 : i32
      %dma_start3A_89 = tpu.memref_slice %arg8[%run_scoped3A_14, %dma_start3A_87, %dma_start3A_88] : memref<2x128x128xf32, #tpu.memory_space<vmem>> -> memref<1x128x128xf32, #tpu.memory_space<vmem>>
      %dma_start3A_90 = tpu.memref_squeeze %dma_start3A_89 : memref<1x128x128xf32, #tpu.memory_space<vmem>> -> memref<128x128xf32, #tpu.memory_space<vmem>>
      %dma_start3A_91 = arith.constant 0 : i32
      %dma_start3A_92 = tpu.memref_slice %arg9[%add3A_13, %dma_start3A_91] : memref<10112x128xf32, #tpu.memory_space<vmem_shared>> -> memref<128x128xf32, #tpu.memory_space<vmem_shared>>
      %dma_start3A_93 = arith.constant 0 : i32
      %dma_start3A_94 = tpu.memref_slice %arg9[%add3A_13, %dma_start3A_93] : memref<10112x128xf32, #tpu.memory_space<vmem_shared>> -> memref<128x128xf32, #tpu.memory_space<vmem_shared>>
      %dma_start3A_95 = arith.constant 0 : i32
      %dma_start3A_96 = arith.constant 0 : i32
      %dma_start3A_97 = tpu.memref_slice %arg8[%run_scoped3A_14, %dma_start3A_95, %dma_start3A_96] : memref<2x128x128xf32, #tpu.memory_space<vmem>> -> memref<1x128x128xf32, #tpu.memory_space<vmem>>
      %dma_start3A_98 = tpu.memref_squeeze %dma_start3A_97 : memref<1x128x128xf32, #tpu.memory_space<vmem>> -> memref<128x128xf32, #tpu.memory_space<vmem>>
      tpu.enqueue_dma source(%dma_start3A_98 : memref<128x128xf32, #tpu.memory_space<vmem>>) target(%dma_start3A_94 : memref<128x128xf32, #tpu.memory_space<vmem_shared>>) target_semaphore(%run_scoped3A_86 : memref<!tpu.dma_semaphore, #tpu.memory_space<semaphore_mem>>)
      %dma_wait3A = arith.constant 0 : i32
      %dma_wait3A_99 = arith.constant 0 : i32
      %dma_wait3A_100 = tpu.memref_slice %arg8[%run_scoped3A_14, %dma_wait3A, %dma_wait3A_99] : memref<2x128x128xf32, #tpu.memory_space<vmem>> -> memref<1x128x128xf32, #tpu.memory_space<vmem>>
      %dma_wait3A_101 = tpu.memref_squeeze %dma_wait3A_100 : memref<1x128x128xf32, #tpu.memory_space<vmem>> -> memref<128x128xf32, #tpu.memory_space<vmem>>
      %dma_wait3A_102 = arith.constant 0 : i32
      %dma_wait3A_103 = tpu.memref_slice %arg9[%add3A_13, %dma_wait3A_102] : memref<10112x128xf32, #tpu.memory_space<vmem_shared>> -> memref<128x128xf32, #tpu.memory_space<vmem_shared>>
      %dma_wait3A_104 = arith.constant 0 : i32
      %dma_wait3A_105 = tpu.memref_slice %arg9[%add3A_13, %dma_wait3A_104] : memref<10112x128xf32, #tpu.memory_space<vmem_shared>> -> memref<128x128xf32, #tpu.memory_space<vmem_shared>>
      %dma_wait3A_106 = arith.constant 0 : i32
      %dma_wait3A_107 = arith.constant 0 : i32
      %dma_wait3A_108 = tpu.memref_slice %arg8[%run_scoped3A_14, %dma_wait3A_106, %dma_wait3A_107] : memref<2x128x128xf32, #tpu.memory_space<vmem>> -> memref<1x128x128xf32, #tpu.memory_space<vmem>>
      %dma_wait3A_109 = tpu.memref_squeeze %dma_wait3A_108 : memref<1x128x128xf32, #tpu.memory_space<vmem>> -> memref<128x128xf32, #tpu.memory_space<vmem>>
      tpu.wait_dma2 semaphore(%run_scoped3A_86 : memref<!tpu.dma_semaphore, #tpu.memory_space<semaphore_mem>>) src(%dma_wait3A_109 : memref<128x128xf32, #tpu.memory_space<vmem>>) dst(%dma_wait3A_105 : memref<128x128xf32, #tpu.memory_space<vmem_shared>>)
      tpu.yield
    }) : () -> ()
    %add3A_15 = arith.constant 256 : i32
    %add3A_16 = arith.addi %mul3A_9, %add3A_15 : i32
    %run_scoped3A_17 = arith.constant 0 : i32
    "tpu.region"() ({
      %run_scoped3A_86 = tpu.sem_alloc : memref<!tpu.dma_semaphore, #tpu.memory_space<semaphore_mem>>
      %dma_start3A_87 = arith.constant 0 : i32
      %dma_start3A_88 = arith.constant 0 : i32
      %dma_start3A_89 = tpu.memref_slice %arg8[%run_scoped3A_17, %dma_start3A_87, %dma_start3A_88] : memref<2x128x128xf32, #tpu.memory_space<vmem>> -> memref<1x128x128xf32, #tpu.memory_space<vmem>>
      %dma_start3A_90 = tpu.memref_squeeze %dma_start3A_89 : memref<1x128x128xf32, #tpu.memory_space<vmem>> -> memref<128x128xf32, #tpu.memory_space<vmem>>
      %dma_start3A_91 = arith.constant 0 : i32
      %dma_start3A_92 = tpu.memref_slice %arg9[%add3A_16, %dma_start3A_91] : memref<10112x128xf32, #tpu.memory_space<vmem_shared>> -> memref<128x128xf32, #tpu.memory_space<vmem_shared>>
      %dma_start3A_93 = arith.constant 0 : i32
      %dma_start3A_94 = tpu.memref_slice %arg9[%add3A_16, %dma_start3A_93] : memref<10112x128xf32, #tpu.memory_space<vmem_shared>> -> memref<128x128xf32, #tpu.memory_space<vmem_shared>>
      %dma_start3A_95 = arith.constant 0 : i32
      %dma_start3A_96 = arith.constant 0 : i32
      %dma_start3A_97 = tpu.memref_slice %arg8[%run_scoped3A_17, %dma_start3A_95, %dma_start3A_96] : memref<2x128x128xf32, #tpu.memory_space<vmem>> -> memref<1x128x128xf32, #tpu.memory_space<vmem>>
      %dma_start3A_98 = tpu.memref_squeeze %dma_start3A_97 : memref<1x128x128xf32, #tpu.memory_space<vmem>> -> memref<128x128xf32, #tpu.memory_space<vmem>>
      tpu.enqueue_dma source(%dma_start3A_98 : memref<128x128xf32, #tpu.memory_space<vmem>>) target(%dma_start3A_94 : memref<128x128xf32, #tpu.memory_space<vmem_shared>>) target_semaphore(%run_scoped3A_86 : memref<!tpu.dma_semaphore, #tpu.memory_space<semaphore_mem>>)
      %dma_wait3A = arith.constant 0 : i32
      %dma_wait3A_99 = arith.constant 0 : i32
      %dma_wait3A_100 = tpu.memref_slice %arg8[%run_scoped3A_17, %dma_wait3A, %dma_wait3A_99] : memref<2x128x128xf32, #tpu.memory_space<vmem>> -> memref<1x128x128xf32, #tpu.memory_space<vmem>>
      %dma_wait3A_101 = tpu.memref_squeeze %dma_wait3A_100 : memref<1x128x128xf32, #tpu.memory_space<vmem>> -> memref<128x128xf32, #tpu.memory_space<vmem>>
      %dma_wait3A_102 = arith.constant 0 : i32
      %dma_wait3A_103 = tpu.memref_slice %arg9[%add3A_16, %dma_wait3A_102] : memref<10112x128xf32, #tpu.memory_space<vmem_shared>> -> memref<128x128xf32, #tpu.memory_space<vmem_shared>>
      %dma_wait3A_104 = arith.constant 0 : i32
      %dma_wait3A_105 = tpu.memref_slice %arg9[%add3A_16, %dma_wait3A_104] : memref<10112x128xf32, #tpu.memory_space<vmem_shared>> -> memref<128x128xf32, #tpu.memory_space<vmem_shared>>
      %dma_wait3A_106 = arith.constant 0 : i32
      %dma_wait3A_107 = arith.constant 0 : i32
      %dma_wait3A_108 = tpu.memref_slice %arg8[%run_scoped3A_17, %dma_wait3A_106, %dma_wait3A_107] : memref<2x128x128xf32, #tpu.memory_space<vmem>> -> memref<1x128x128xf32, #tpu.memory_space<vmem>>
      %dma_wait3A_109 = tpu.memref_squeeze %dma_wait3A_108 : memref<1x128x128xf32, #tpu.memory_space<vmem>> -> memref<128x128xf32, #tpu.memory_space<vmem>>
      tpu.wait_dma2 semaphore(%run_scoped3A_86 : memref<!tpu.dma_semaphore, #tpu.memory_space<semaphore_mem>>) src(%dma_wait3A_109 : memref<128x128xf32, #tpu.memory_space<vmem>>) dst(%dma_wait3A_105 : memref<128x128xf32, #tpu.memory_space<vmem_shared>>)
      tpu.yield
    }) : () -> ()
    %add3A_18 = arith.constant 384 : i32
    %add3A_19 = arith.addi %mul3A_9, %add3A_18 : i32
    %run_scoped3A_20 = arith.constant 0 : i32
    "tpu.region"() ({
      %run_scoped3A_86 = tpu.sem_alloc : memref<!tpu.dma_semaphore, #tpu.memory_space<semaphore_mem>>
      %dma_start3A_87 = arith.constant 0 : i32
      %dma_start3A_88 = arith.constant 0 : i32
      %dma_start3A_89 = tpu.memref_slice %arg8[%run_scoped3A_20, %dma_start3A_87, %dma_start3A_88] : memref<2x128x128xf32, #tpu.memory_space<vmem>> -> memref<1x128x128xf32, #tpu.memory_space<vmem>>
      %dma_start3A_90 = tpu.memref_squeeze %dma_start3A_89 : memref<1x128x128xf32, #tpu.memory_space<vmem>> -> memref<128x128xf32, #tpu.memory_space<vmem>>
      %dma_start3A_91 = arith.constant 0 : i32
      %dma_start3A_92 = tpu.memref_slice %arg9[%add3A_19, %dma_start3A_91] : memref<10112x128xf32, #tpu.memory_space<vmem_shared>> -> memref<128x128xf32, #tpu.memory_space<vmem_shared>>
      %dma_start3A_93 = arith.constant 0 : i32
      %dma_start3A_94 = tpu.memref_slice %arg9[%add3A_19, %dma_start3A_93] : memref<10112x128xf32, #tpu.memory_space<vmem_shared>> -> memref<128x128xf32, #tpu.memory_space<vmem_shared>>
      %dma_start3A_95 = arith.constant 0 : i32
      %dma_start3A_96 = arith.constant 0 : i32
      %dma_start3A_97 = tpu.memref_slice %arg8[%run_scoped3A_20, %dma_start3A_95, %dma_start3A_96] : memref<2x128x128xf32, #tpu.memory_space<vmem>> -> memref<1x128x128xf32, #tpu.memory_space<vmem>>
      %dma_start3A_98 = tpu.memref_squeeze %dma_start3A_97 : memref<1x128x128xf32, #tpu.memory_space<vmem>> -> memref<128x128xf32, #tpu.memory_space<vmem>>
      tpu.enqueue_dma source(%dma_start3A_98 : memref<128x128xf32, #tpu.memory_space<vmem>>) target(%dma_start3A_94 : memref<128x128xf32, #tpu.memory_space<vmem_shared>>) target_semaphore(%run_scoped3A_86 : memref<!tpu.dma_semaphore, #tpu.memory_space<semaphore_mem>>)
      %dma_wait3A = arith.constant 0 : i32
      %dma_wait3A_99 = arith.constant 0 : i32
      %dma_wait3A_100 = tpu.memref_slice %arg8[%run_scoped3A_20, %dma_wait3A, %dma_wait3A_99] : memref<2x128x128xf32, #tpu.memory_space<vmem>> -> memref<1x128x128xf32, #tpu.memory_space<vmem>>
      %dma_wait3A_101 = tpu.memref_squeeze %dma_wait3A_100 : memref<1x128x128xf32, #tpu.memory_space<vmem>> -> memref<128x128xf32, #tpu.memory_space<vmem>>
      %dma_wait3A_102 = arith.constant 0 : i32
      %dma_wait3A_103 = tpu.memref_slice %arg9[%add3A_19, %dma_wait3A_102] : memref<10112x128xf32, #tpu.memory_space<vmem_shared>> -> memref<128x128xf32, #tpu.memory_space<vmem_shared>>
      %dma_wait3A_104 = arith.constant 0 : i32
      %dma_wait3A_105 = tpu.memref_slice %arg9[%add3A_19, %dma_wait3A_104] : memref<10112x128xf32, #tpu.memory_space<vmem_shared>> -> memref<128x128xf32, #tpu.memory_space<vmem_shared>>
      %dma_wait3A_106 = arith.constant 0 : i32
      %dma_wait3A_107 = arith.constant 0 : i32
      %dma_wait3A_108 = tpu.memref_slice %arg8[%run_scoped3A_20, %dma_wait3A_106, %dma_wait3A_107] : memref<2x128x128xf32, #tpu.memory_space<vmem>> -> memref<1x128x128xf32, #tpu.memory_space<vmem>>
      %dma_wait3A_109 = tpu.memref_squeeze %dma_wait3A_108 : memref<1x128x128xf32, #tpu.memory_space<vmem>> -> memref<128x128xf32, #tpu.memory_space<vmem>>
      tpu.wait_dma2 semaphore(%run_scoped3A_86 : memref<!tpu.dma_semaphore, #tpu.memory_space<semaphore_mem>>) src(%dma_wait3A_109 : memref<128x128xf32, #tpu.memory_space<vmem>>) dst(%dma_wait3A_105 : memref<128x128xf32, #tpu.memory_space<vmem_shared>>)
      tpu.yield
    }) : () -> ()
    %add3A_21 = arith.constant 512 : i32
    %add3A_22 = arith.addi %mul3A_9, %add3A_21 : i32
    %run_scoped3A_23 = arith.constant 0 : i32
    "tpu.region"() ({
      %run_scoped3A_86 = tpu.sem_alloc : memref<!tpu.dma_semaphore, #tpu.memory_space<semaphore_mem>>
      %dma_start3A_87 = arith.constant 0 : i32
      %dma_start3A_88 = arith.constant 0 : i32
      %dma_start3A_89 = tpu.memref_slice %arg8[%run_scoped3A_23, %dma_start3A_87, %dma_start3A_88] : memref<2x128x128xf32, #tpu.memory_space<vmem>> -> memref<1x120x128xf32, #tpu.memory_space<vmem>>
      %dma_start3A_90 = tpu.memref_squeeze %dma_start3A_89 : memref<1x120x128xf32, #tpu.memory_space<vmem>> -> memref<120x128xf32, #tpu.memory_space<vmem>>
      %dma_start3A_91 = arith.constant 0 : i32
      %dma_start3A_92 = tpu.memref_slice %arg9[%add3A_22, %dma_start3A_91] : memref<10112x128xf32, #tpu.memory_space<vmem_shared>> -> memref<120x128xf32, #tpu.memory_space<vmem_shared>>
      %dma_start3A_93 = arith.constant 0 : i32
      %dma_start3A_94 = tpu.memref_slice %arg9[%add3A_22, %dma_start3A_93] : memref<10112x128xf32, #tpu.memory_space<vmem_shared>> -> memref<120x128xf32, #tpu.memory_space<vmem_shared>>
      %dma_start3A_95 = arith.constant 0 : i32
      %dma_start3A_96 = arith.constant 0 : i32
      %dma_start3A_97 = tpu.memref_slice %arg8[%run_scoped3A_23, %dma_start3A_95, %dma_start3A_96] : memref<2x128x128xf32, #tpu.memory_space<vmem>> -> memref<1x120x128xf32, #tpu.memory_space<vmem>>
      %dma_start3A_98 = tpu.memref_squeeze %dma_start3A_97 : memref<1x120x128xf32, #tpu.memory_space<vmem>> -> memref<120x128xf32, #tpu.memory_space<vmem>>
      tpu.enqueue_dma source(%dma_start3A_98 : memref<120x128xf32, #tpu.memory_space<vmem>>) target(%dma_start3A_94 : memref<120x128xf32, #tpu.memory_space<vmem_shared>>) target_semaphore(%run_scoped3A_86 : memref<!tpu.dma_semaphore, #tpu.memory_space<semaphore_mem>>)
      %dma_wait3A = arith.constant 0 : i32
      %dma_wait3A_99 = arith.constant 0 : i32
      %dma_wait3A_100 = tpu.memref_slice %arg8[%run_scoped3A_23, %dma_wait3A, %dma_wait3A_99] : memref<2x128x128xf32, #tpu.memory_space<vmem>> -> memref<1x120x128xf32, #tpu.memory_space<vmem>>
      %dma_wait3A_101 = tpu.memref_squeeze %dma_wait3A_100 : memref<1x120x128xf32, #tpu.memory_space<vmem>> -> memref<120x128xf32, #tpu.memory_space<vmem>>
      %dma_wait3A_102 = arith.constant 0 : i32
      %dma_wait3A_103 = tpu.memref_slice %arg9[%add3A_22, %dma_wait3A_102] : memref<10112x128xf32, #tpu.memory_space<vmem_shared>> -> memref<120x128xf32, #tpu.memory_space<vmem_shared>>
      %dma_wait3A_104 = arith.constant 0 : i32
      %dma_wait3A_105 = tpu.memref_slice %arg9[%add3A_22, %dma_wait3A_104] : memref<10112x128xf32, #tpu.memory_space<vmem_shared>> -> memref<120x128xf32, #tpu.memory_space<vmem_shared>>
      %dma_wait3A_106 = arith.constant 0 : i32
      %dma_wait3A_107 = arith.constant 0 : i32
      %dma_wait3A_108 = tpu.memref_slice %arg8[%run_scoped3A_23, %dma_wait3A_106, %dma_wait3A_107] : memref<2x128x128xf32, #tpu.memory_space<vmem>> -> memref<1x120x128xf32, #tpu.memory_space<vmem>>
      %dma_wait3A_109 = tpu.memref_squeeze %dma_wait3A_108 : memref<1x120x128xf32, #tpu.memory_space<vmem>> -> memref<120x128xf32, #tpu.memory_space<vmem>>
      tpu.wait_dma2 semaphore(%run_scoped3A_86 : memref<!tpu.dma_semaphore, #tpu.memory_space<semaphore_mem>>) src(%dma_wait3A_109 : memref<120x128xf32, #tpu.memory_space<vmem>>) dst(%dma_wait3A_105 : memref<120x128xf32, #tpu.memory_space<vmem_shared>>)
      tpu.yield
    }) : () -> ()
    %barrier3A = arith.constant 0 : index
    tpu.barrier barrier_id(%barrier3A)
    "tpu.region"() ({
      %run_scoped3A_86 = tpu.sem_alloc : memref<!tpu.dma_semaphore, #tpu.memory_space<semaphore_mem>>
      %dma_start3A_87 = arith.constant 0 : i32
      %dma_start3A_88 = arith.constant 0 : i32
      %dma_start3A_89 = tpu.memref_slice %arg3[%add3A, %dma_start3A_87, %dma_start3A_88] : memref<32x80x128xi32, #tpu.memory_space<hbm>> -> memref<1x40x128xi32, #tpu.memory_space<hbm>>
      %dma_start3A_90 = tpu.memref_squeeze %dma_start3A_89 : memref<1x40x128xi32, #tpu.memory_space<hbm>> -> memref<40x128xi32, #tpu.memory_space<hbm>>
      %dma_start3A_91 = arith.constant 0 : i32
      %dma_start3A_92 = arith.constant 0 : i32
      %dma_start3A_93 = tpu.memref_slice %arg3[%add3A, %dma_start3A_91, %dma_start3A_92] : memref<32x80x128xi32, #tpu.memory_space<hbm>> -> memref<1x40x128xi32, #tpu.memory_space<hbm>>
      %dma_start3A_94 = tpu.memref_squeeze %dma_start3A_93 : memref<1x40x128xi32, #tpu.memory_space<hbm>> -> memref<40x128xi32, #tpu.memory_space<hbm>>
      tpu.enqueue_dma source(%dma_start3A_94 : memref<40x128xi32, #tpu.memory_space<hbm>>) target(%arg6 : memref<40x128xi32, #tpu.memory_space<vmem>>) target_semaphore(%run_scoped3A_86 : memref<!tpu.dma_semaphore, #tpu.memory_space<semaphore_mem>>)
      %dma_wait3A = arith.constant 0 : i32
      %dma_wait3A_95 = arith.constant 0 : i32
      %dma_wait3A_96 = tpu.memref_slice %arg3[%add3A, %dma_wait3A, %dma_wait3A_95] : memref<32x80x128xi32, #tpu.memory_space<hbm>> -> memref<1x40x128xi32, #tpu.memory_space<hbm>>
      %dma_wait3A_97 = tpu.memref_squeeze %dma_wait3A_96 : memref<1x40x128xi32, #tpu.memory_space<hbm>> -> memref<40x128xi32, #tpu.memory_space<hbm>>
      %dma_wait3A_98 = arith.constant 0 : i32
      %dma_wait3A_99 = arith.constant 0 : i32
      %dma_wait3A_100 = tpu.memref_slice %arg3[%add3A, %dma_wait3A_98, %dma_wait3A_99] : memref<32x80x128xi32, #tpu.memory_space<hbm>> -> memref<1x40x128xi32, #tpu.memory_space<hbm>>
      %dma_wait3A_101 = tpu.memref_squeeze %dma_wait3A_100 : memref<1x40x128xi32, #tpu.memory_space<hbm>> -> memref<40x128xi32, #tpu.memory_space<hbm>>
      tpu.wait_dma2 semaphore(%run_scoped3A_86 : memref<!tpu.dma_semaphore, #tpu.memory_space<semaphore_mem>>) src(%dma_wait3A_101 : memref<40x128xi32, #tpu.memory_space<hbm>>) dst(%arg6 : memref<40x128xi32, #tpu.memory_space<vmem>>)
      tpu.yield
    }) : () -> ()
    "tpu.region"() ({
      %run_scoped3A_86 = tpu.sem_alloc : memref<!tpu.dma_semaphore, #tpu.memory_space<semaphore_mem>>
      %dma_start3A_87 = arith.constant 0 : i32
      %dma_start3A_88 = arith.constant 0 : i32
      %dma_start3A_89 = tpu.memref_slice %arg4[%add3A, %dma_start3A_87, %dma_start3A_88] : memref<32x80x128xi32, #tpu.memory_space<hbm>> -> memref<1x40x128xi32, #tpu.memory_space<hbm>>
      %dma_start3A_90 = tpu.memref_squeeze %dma_start3A_89 : memref<1x40x128xi32, #tpu.memory_space<hbm>> -> memref<40x128xi32, #tpu.memory_space<hbm>>
      %dma_start3A_91 = arith.constant 0 : i32
      %dma_start3A_92 = arith.constant 0 : i32
      %dma_start3A_93 = tpu.memref_slice %arg4[%add3A, %dma_start3A_91, %dma_start3A_92] : memref<32x80x128xi32, #tpu.memory_space<hbm>> -> memref<1x40x128xi32, #tpu.memory_space<hbm>>
      %dma_start3A_94 = tpu.memref_squeeze %dma_start3A_93 : memref<1x40x128xi32, #tpu.memory_space<hbm>> -> memref<40x128xi32, #tpu.memory_space<hbm>>
      tpu.enqueue_dma source(%dma_start3A_94 : memref<40x128xi32, #tpu.memory_space<hbm>>) target(%arg7 : memref<40x128xi32, #tpu.memory_space<vmem>>) target_semaphore(%run_scoped3A_86 : memref<!tpu.dma_semaphore, #tpu.memory_space<semaphore_mem>>)
      %dma_wait3A = arith.constant 0 : i32
      %dma_wait3A_95 = arith.constant 0 : i32
      %dma_wait3A_96 = tpu.memref_slice %arg4[%add3A, %dma_wait3A, %dma_wait3A_95] : memref<32x80x128xi32, #tpu.memory_space<hbm>> -> memref<1x40x128xi32, #tpu.memory_space<hbm>>
      %dma_wait3A_97 = tpu.memref_squeeze %dma_wait3A_96 : memref<1x40x128xi32, #tpu.memory_space<hbm>> -> memref<40x128xi32, #tpu.memory_space<hbm>>
      %dma_wait3A_98 = arith.constant 0 : i32
      %dma_wait3A_99 = arith.constant 0 : i32
      %dma_wait3A_100 = tpu.memref_slice %arg4[%add3A, %dma_wait3A_98, %dma_wait3A_99] : memref<32x80x128xi32, #tpu.memory_space<hbm>> -> memref<1x40x128xi32, #tpu.memory_space<hbm>>
      %dma_wait3A_101 = tpu.memref_squeeze %dma_wait3A_100 : memref<1x40x128xi32, #tpu.memory_space<hbm>> -> memref<40x128xi32, #tpu.memory_space<hbm>>
      tpu.wait_dma2 semaphore(%run_scoped3A_86 : memref<!tpu.dma_semaphore, #tpu.memory_space<semaphore_mem>>) src(%dma_wait3A_101 : memref<40x128xi32, #tpu.memory_space<hbm>>) dst(%arg7 : memref<40x128xi32, #tpu.memory_space<vmem>>)
      tpu.yield
    }) : () -> ()
    %dma_start3A = arith.constant 0 : i32
    %dma_start3A_24 = arith.constant 0 : i32
    %dma_start3A_25 = arith.constant 0 : i32
    %dma_start3A_26 = arith.constant 0 : i32
    %dma_start3A_27 = tpu.memref_slice %arg8[%dma_start3A_24, %dma_start3A_25, %dma_start3A_26] : memref<2x128x128xf32, #tpu.memory_space<vmem>> -> memref<1x128x128xf32, #tpu.memory_space<vmem>>
    %dma_start3A_28 = tpu.memref_squeeze %dma_start3A_27 : memref<1x128x128xf32, #tpu.memory_space<vmem>> -> memref<128x128xf32, #tpu.memory_space<vmem>>
    %dma_start3A_29 = arith.constant 0 : i32
    %dma_start3A_30 = tpu.memref_slice %arg6[%dma_start3A, %dma_start3A_29] : memref<40x128xi32, #tpu.memory_space<vmem>> -> memref<1x128xi32, #tpu.memory_space<vmem>>
    %dma_start3A_31 = tpu.memref_squeeze %dma_start3A_30 : memref<1x128xi32, #tpu.memory_space<vmem>> -> memref<128xi32, #tpu.memory_space<vmem>>
    %dma_start3A_32 = arith.constant 0 : i32
    %dma_start3A_33 = arith.constant 0 : i32
    %dma_start3A_34 = tpu.memref_slice %arg2[%dma_start3A_32, %dma_start3A_33] : memref<10000x128xf32, #tpu.memory_space<hbm>> -> memref<10000x128xf32, #tpu.memory_space<hbm>>
    tpu.enqueue_indirect_dma source(%dma_start3A_34 : memref<10000x128xf32, #tpu.memory_space<hbm>>) target(%dma_start3A_28 : memref<128x128xf32, #tpu.memory_space<vmem>>) offsets(%dma_start3A_31 : memref<128xi32, #tpu.memory_space<vmem>>) semaphore(%arg10 : memref<!tpu.dma_semaphore, #tpu.memory_space<semaphore_mem>>)
    %dma_start3A_35 = arith.constant 1 : i32
    %dma_start3A_36 = arith.constant 1 : i32
    %dma_start3A_37 = arith.constant 0 : i32
    %dma_start3A_38 = arith.constant 0 : i32
    %dma_start3A_39 = tpu.memref_slice %arg8[%dma_start3A_36, %dma_start3A_37, %dma_start3A_38] : memref<2x128x128xf32, #tpu.memory_space<vmem>> -> memref<1x128x128xf32, #tpu.memory_space<vmem>>
    %dma_start3A_40 = tpu.memref_squeeze %dma_start3A_39 : memref<1x128x128xf32, #tpu.memory_space<vmem>> -> memref<128x128xf32, #tpu.memory_space<vmem>>
    %dma_start3A_41 = arith.constant 0 : i32
    %dma_start3A_42 = tpu.memref_slice %arg6[%dma_start3A_35, %dma_start3A_41] : memref<40x128xi32, #tpu.memory_space<vmem>> -> memref<1x128xi32, #tpu.memory_space<vmem>>
    %dma_start3A_43 = tpu.memref_squeeze %dma_start3A_42 : memref<1x128xi32, #tpu.memory_space<vmem>> -> memref<128xi32, #tpu.memory_space<vmem>>
    %dma_start3A_44 = arith.constant 0 : i32
    %dma_start3A_45 = arith.constant 0 : i32
    %dma_start3A_46 = tpu.memref_slice %arg2[%dma_start3A_44, %dma_start3A_45] : memref<10000x128xf32, #tpu.memory_space<hbm>> -> memref<10000x128xf32, #tpu.memory_space<hbm>>
    tpu.enqueue_indirect_dma source(%dma_start3A_46 : memref<10000x128xf32, #tpu.memory_space<hbm>>) target(%dma_start3A_40 : memref<128x128xf32, #tpu.memory_space<vmem>>) offsets(%dma_start3A_43 : memref<128xi32, #tpu.memory_space<vmem>>) semaphore(%arg11 : memref<!tpu.dma_semaphore, #tpu.memory_space<semaphore_mem>>)
    %scan3A_47 = arith.constant 0 : i32
    %scan3A_48 = arith.constant 0 : i32
    %scan3A_49 = arith.constant 20 : i32
    %scan3A_50 = arith.addi %scan3A_48, %scan3A_49 : i32
    %scan3A_51 = arith.constant 1 : i32
    %scan3A_52 = scf.for %scan3A_86 = %scan3A_48 to %scan3A_50 step %scan3A_51 iter_args(%scan3A_87 = %scan3A_47) -> (i32)  : i32 {
      %mul3A_88 = arith.constant 2 : i32
      %mul3A_89 = arith.muli %scan3A_86, %mul3A_88 : i32
      %dma_wait3A = arith.constant 0 : i32
      %dma_wait3A_90 = arith.constant 0 : i32
      %dma_wait3A_91 = arith.constant 0 : i32
      %dma_wait3A_92 = tpu.memref_slice %arg8[%dma_wait3A, %dma_wait3A_90, %dma_wait3A_91] : memref<2x128x128xf32, #tpu.memory_space<vmem>> -> memref<1x128x128xf32, #tpu.memory_space<vmem>>
      %dma_wait3A_93 = tpu.memref_squeeze %dma_wait3A_92 : memref<1x128x128xf32, #tpu.memory_space<vmem>> -> memref<128x128xf32, #tpu.memory_space<vmem>>
      %dma_wait3A_94 = arith.constant 0 : i32
      %dma_wait3A_95 = tpu.memref_slice %arg6[%mul3A_89, %dma_wait3A_94] : memref<40x128xi32, #tpu.memory_space<vmem>> -> memref<1x128xi32, #tpu.memory_space<vmem>>
      %dma_wait3A_96 = tpu.memref_squeeze %dma_wait3A_95 : memref<1x128xi32, #tpu.memory_space<vmem>> -> memref<128xi32, #tpu.memory_space<vmem>>
      %dma_wait3A_97 = arith.constant 0 : i32
      %dma_wait3A_98 = arith.constant 0 : i32
      %dma_wait3A_99 = tpu.memref_slice %arg2[%dma_wait3A_97, %dma_wait3A_98] : memref<10000x128xf32, #tpu.memory_space<hbm>> -> memref<10000x128xf32, #tpu.memory_space<hbm>>
      tpu.wait_indirect_dma semaphore(%arg10 : memref<!tpu.dma_semaphore, #tpu.memory_space<semaphore_mem>>) src(%dma_wait3A_99 : memref<10000x128xf32, #tpu.memory_space<hbm>>) dst(%dma_wait3A_93 : memref<128x128xf32, #tpu.memory_space<vmem>>)
      %dma_start3A_100 = arith.constant 0 : i32
      %dma_start3A_101 = arith.constant 0 : i32
      %dma_start3A_102 = arith.constant 0 : i32
      %dma_start3A_103 = tpu.memref_slice %arg8[%dma_start3A_100, %dma_start3A_101, %dma_start3A_102] : memref<2x128x128xf32, #tpu.memory_space<vmem>> -> memref<1x64x128xf32, #tpu.memory_space<vmem>>
      %dma_start3A_104 = tpu.memref_squeeze %dma_start3A_103 : memref<1x64x128xf32, #tpu.memory_space<vmem>> -> memref<64x128xf32, #tpu.memory_space<vmem>>
      %dma_start3A_105 = arith.constant 0 : i32
      %dma_start3A_106 = tpu.memref_slice %arg7[%mul3A_89, %dma_start3A_105] : memref<40x128xi32, #tpu.memory_space<vmem>> -> memref<1x64xi32, #tpu.memory_space<vmem>>
      %dma_start3A_107 = tpu.memref_squeeze %dma_start3A_106 : memref<1x64xi32, #tpu.memory_space<vmem>> -> memref<64xi32, #tpu.memory_space<vmem>>
      %dma_start3A_108 = arith.constant 0 : i32
      %dma_start3A_109 = arith.constant 0 : i32
      %dma_start3A_110 = tpu.memref_slice %arg9[%dma_start3A_108, %dma_start3A_109] : memref<10112x128xf32, #tpu.memory_space<vmem_shared>> -> memref<10112x128xf32, #tpu.memory_space<vmem_shared>>
      tpu.enqueue_indirect_dma source(%dma_start3A_104 : memref<64x128xf32, #tpu.memory_space<vmem>>) target(%dma_start3A_110 : memref<10112x128xf32, #tpu.memory_space<vmem_shared>>) offsets(%dma_start3A_107 : memref<64xi32, #tpu.memory_space<vmem>>) semaphore(%arg12 : memref<!tpu.dma_semaphore, #tpu.memory_space<semaphore_mem>>) {add = true}
      %dma_start3A_111 = arith.constant 0 : i32
      %dma_start3A_112 = arith.constant 64 : i32
      %dma_start3A_113 = arith.constant 0 : i32
      %dma_start3A_114 = tpu.memref_slice %arg8[%dma_start3A_111, %dma_start3A_112, %dma_start3A_113] : memref<2x128x128xf32, #tpu.memory_space<vmem>> -> memref<1x64x128xf32, #tpu.memory_space<vmem>>
      %dma_start3A_115 = tpu.memref_squeeze %dma_start3A_114 : memref<1x64x128xf32, #tpu.memory_space<vmem>> -> memref<64x128xf32, #tpu.memory_space<vmem>>
      %dma_start3A_116 = arith.constant 64 : i32
      %dma_start3A_117 = tpu.memref_slice %arg7[%mul3A_89, %dma_start3A_116] : memref<40x128xi32, #tpu.memory_space<vmem>> -> memref<1x64xi32, #tpu.memory_space<vmem>>
      %dma_start3A_118 = tpu.memref_squeeze %dma_start3A_117 : memref<1x64xi32, #tpu.memory_space<vmem>> -> memref<64xi32, #tpu.memory_space<vmem>>
      %dma_start3A_119 = arith.constant 0 : i32
      %dma_start3A_120 = arith.constant 0 : i32
      %dma_start3A_121 = tpu.memref_slice %arg9[%dma_start3A_119, %dma_start3A_120] : memref<10112x128xf32, #tpu.memory_space<vmem_shared>> -> memref<10112x128xf32, #tpu.memory_space<vmem_shared>>
      tpu.enqueue_indirect_dma source(%dma_start3A_115 : memref<64x128xf32, #tpu.memory_space<vmem>>) target(%dma_start3A_121 : memref<10112x128xf32, #tpu.memory_space<vmem_shared>>) offsets(%dma_start3A_118 : memref<64xi32, #tpu.memory_space<vmem>>) semaphore(%arg13 : memref<!tpu.dma_semaphore, #tpu.memory_space<semaphore_mem>>) {add = true}
      %dma_wait3A_122 = arith.constant 0 : i32
      %dma_wait3A_123 = arith.constant 0 : i32
      %dma_wait3A_124 = arith.constant 0 : i32
      %dma_wait3A_125 = tpu.memref_slice %arg8[%dma_wait3A_122, %dma_wait3A_123, %dma_wait3A_124] : memref<2x128x128xf32, #tpu.memory_space<vmem>> -> memref<1x64x128xf32, #tpu.memory_space<vmem>>
      %dma_wait3A_126 = tpu.memref_squeeze %dma_wait3A_125 : memref<1x64x128xf32, #tpu.memory_space<vmem>> -> memref<64x128xf32, #tpu.memory_space<vmem>>
      %dma_wait3A_127 = arith.constant 0 : i32
      %dma_wait3A_128 = tpu.memref_slice %arg7[%mul3A_89, %dma_wait3A_127] : memref<40x128xi32, #tpu.memory_space<vmem>> -> memref<1x64xi32, #tpu.memory_space<vmem>>
      %dma_wait3A_129 = tpu.memref_squeeze %dma_wait3A_128 : memref<1x64xi32, #tpu.memory_space<vmem>> -> memref<64xi32, #tpu.memory_space<vmem>>
      %dma_wait3A_130 = arith.constant 0 : i32
      %dma_wait3A_131 = arith.constant 0 : i32
      %dma_wait3A_132 = tpu.memref_slice %arg9[%dma_wait3A_130, %dma_wait3A_131] : memref<10112x128xf32, #tpu.memory_space<vmem_shared>> -> memref<10112x128xf32, #tpu.memory_space<vmem_shared>>
      tpu.wait_indirect_dma semaphore(%arg12 : memref<!tpu.dma_semaphore, #tpu.memory_space<semaphore_mem>>) src(%dma_wait3A_126 : memref<64x128xf32, #tpu.memory_space<vmem>>) dst(%dma_wait3A_132 : memref<10112x128xf32, #tpu.memory_space<vmem_shared>>)
      %dma_wait3A_133 = arith.constant 0 : i32
      %dma_wait3A_134 = arith.constant 64 : i32
      %dma_wait3A_135 = arith.constant 0 : i32
      %dma_wait3A_136 = tpu.memref_slice %arg8[%dma_wait3A_133, %dma_wait3A_134, %dma_wait3A_135] : memref<2x128x128xf32, #tpu.memory_space<vmem>> -> memref<1x64x128xf32, #tpu.memory_space<vmem>>
      %dma_wait3A_137 = tpu.memref_squeeze %dma_wait3A_136 : memref<1x64x128xf32, #tpu.memory_space<vmem>> -> memref<64x128xf32, #tpu.memory_space<vmem>>
      %dma_wait3A_138 = arith.constant 64 : i32
      %dma_wait3A_139 = tpu.memref_slice %arg7[%mul3A_89, %dma_wait3A_138] : memref<40x128xi32, #tpu.memory_space<vmem>> -> memref<1x64xi32, #tpu.memory_space<vmem>>
      %dma_wait3A_140 = tpu.memref_squeeze %dma_wait3A_139 : memref<1x64xi32, #tpu.memory_space<vmem>> -> memref<64xi32, #tpu.memory_space<vmem>>
      %dma_wait3A_141 = arith.constant 0 : i32
      %dma_wait3A_142 = arith.constant 0 : i32
      %dma_wait3A_143 = tpu.memref_slice %arg9[%dma_wait3A_141, %dma_wait3A_142] : memref<10112x128xf32, #tpu.memory_space<vmem_shared>> -> memref<10112x128xf32, #tpu.memory_space<vmem_shared>>
      tpu.wait_indirect_dma semaphore(%arg13 : memref<!tpu.dma_semaphore, #tpu.memory_space<semaphore_mem>>) src(%dma_wait3A_137 : memref<64x128xf32, #tpu.memory_space<vmem>>) dst(%dma_wait3A_143 : memref<10112x128xf32, #tpu.memory_space<vmem_shared>>)
      %add3A_144 = arith.constant 2 : i32
      %add3A_145 = arith.addi %mul3A_89, %add3A_144 : i32
      %lt3A = arith.constant 40 : i32
      %lt3A_146 = arith.cmpi slt, %add3A_145, %lt3A : i32
      %convert_element_type3A = arith.extui %lt3A_146 : i1 to i32
      %cond3A = arith.constant 0 : i32
      %cond3A_147 = arith.cmpi ne, %convert_element_type3A, %cond3A : i32
      scf.if %cond3A_147 {
        %add3A_215 = arith.constant 2 : i32
        %add3A_216 = arith.addi %mul3A_89, %add3A_215 : i32
        %dma_start3A_217 = arith.constant 0 : i32
        %dma_start3A_218 = arith.constant 0 : i32
        %dma_start3A_219 = arith.constant 0 : i32
        %dma_start3A_220 = tpu.memref_slice %arg8[%dma_start3A_217, %dma_start3A_218, %dma_start3A_219] : memref<2x128x128xf32, #tpu.memory_space<vmem>> -> memref<1x128x128xf32, #tpu.memory_space<vmem>>
        %dma_start3A_221 = tpu.memref_squeeze %dma_start3A_220 : memref<1x128x128xf32, #tpu.memory_space<vmem>> -> memref<128x128xf32, #tpu.memory_space<vmem>>
        %dma_start3A_222 = arith.constant 0 : i32
        %dma_start3A_223 = tpu.memref_slice %arg6[%add3A_216, %dma_start3A_222] : memref<40x128xi32, #tpu.memory_space<vmem>> -> memref<1x128xi32, #tpu.memory_space<vmem>>
        %dma_start3A_224 = tpu.memref_squeeze %dma_start3A_223 : memref<1x128xi32, #tpu.memory_space<vmem>> -> memref<128xi32, #tpu.memory_space<vmem>>
        %dma_start3A_225 = arith.constant 0 : i32
        %dma_start3A_226 = arith.constant 0 : i32
        %dma_start3A_227 = tpu.memref_slice %arg2[%dma_start3A_225, %dma_start3A_226] : memref<10000x128xf32, #tpu.memory_space<hbm>> -> memref<10000x128xf32, #tpu.memory_space<hbm>>
        tpu.enqueue_indirect_dma source(%dma_start3A_227 : memref<10000x128xf32, #tpu.memory_space<hbm>>) target(%dma_start3A_221 : memref<128x128xf32, #tpu.memory_space<vmem>>) offsets(%dma_start3A_224 : memref<128xi32, #tpu.memory_space<vmem>>) semaphore(%arg10 : memref<!tpu.dma_semaphore, #tpu.memory_space<semaphore_mem>>)
      } else {
      }
      %add3A_148 = arith.constant 1 : i32
      %add3A_149 = arith.addi %mul3A_89, %add3A_148 : i32
      %dma_wait3A_150 = arith.constant 1 : i32
      %dma_wait3A_151 = arith.constant 0 : i32
      %dma_wait3A_152 = arith.constant 0 : i32
      %dma_wait3A_153 = tpu.memref_slice %arg8[%dma_wait3A_150, %dma_wait3A_151, %dma_wait3A_152] : memref<2x128x128xf32, #tpu.memory_space<vmem>> -> memref<1x128x128xf32, #tpu.memory_space<vmem>>
      %dma_wait3A_154 = tpu.memref_squeeze %dma_wait3A_153 : memref<1x128x128xf32, #tpu.memory_space<vmem>> -> memref<128x128xf32, #tpu.memory_space<vmem>>
      %dma_wait3A_155 = arith.constant 0 : i32
      %dma_wait3A_156 = tpu.memref_slice %arg6[%add3A_149, %dma_wait3A_155] : memref<40x128xi32, #tpu.memory_space<vmem>> -> memref<1x128xi32, #tpu.memory_space<vmem>>
      %dma_wait3A_157 = tpu.memref_squeeze %dma_wait3A_156 : memref<1x128xi32, #tpu.memory_space<vmem>> -> memref<128xi32, #tpu.memory_space<vmem>>
      %dma_wait3A_158 = arith.constant 0 : i32
      %dma_wait3A_159 = arith.constant 0 : i32
      %dma_wait3A_160 = tpu.memref_slice %arg2[%dma_wait3A_158, %dma_wait3A_159] : memref<10000x128xf32, #tpu.memory_space<hbm>> -> memref<10000x128xf32, #tpu.memory_space<hbm>>
      tpu.wait_indirect_dma semaphore(%arg11 : memref<!tpu.dma_semaphore, #tpu.memory_space<semaphore_mem>>) src(%dma_wait3A_160 : memref<10000x128xf32, #tpu.memory_space<hbm>>) dst(%dma_wait3A_154 : memref<128x128xf32, #tpu.memory_space<vmem>>)
      %add3A_161 = arith.constant 1 : i32
      %add3A_162 = arith.addi %mul3A_89, %add3A_161 : i32
      %dma_start3A_163 = arith.constant 1 : i32
      %dma_start3A_164 = arith.constant 0 : i32
      %dma_start3A_165 = arith.constant 0 : i32
      %dma_start3A_166 = tpu.memref_slice %arg8[%dma_start3A_163, %dma_start3A_164, %dma_start3A_165] : memref<2x128x128xf32, #tpu.memory_space<vmem>> -> memref<1x64x128xf32, #tpu.memory_space<vmem>>
      %dma_start3A_167 = tpu.memref_squeeze %dma_start3A_166 : memref<1x64x128xf32, #tpu.memory_space<vmem>> -> memref<64x128xf32, #tpu.memory_space<vmem>>
      %dma_start3A_168 = arith.constant 0 : i32
      %dma_start3A_169 = tpu.memref_slice %arg7[%add3A_162, %dma_start3A_168] : memref<40x128xi32, #tpu.memory_space<vmem>> -> memref<1x64xi32, #tpu.memory_space<vmem>>
      %dma_start3A_170 = tpu.memref_squeeze %dma_start3A_169 : memref<1x64xi32, #tpu.memory_space<vmem>> -> memref<64xi32, #tpu.memory_space<vmem>>
      %dma_start3A_171 = arith.constant 0 : i32
      %dma_start3A_172 = arith.constant 0 : i32
      %dma_start3A_173 = tpu.memref_slice %arg9[%dma_start3A_171, %dma_start3A_172] : memref<10112x128xf32, #tpu.memory_space<vmem_shared>> -> memref<10112x128xf32, #tpu.memory_space<vmem_shared>>
      tpu.enqueue_indirect_dma source(%dma_start3A_167 : memref<64x128xf32, #tpu.memory_space<vmem>>) target(%dma_start3A_173 : memref<10112x128xf32, #tpu.memory_space<vmem_shared>>) offsets(%dma_start3A_170 : memref<64xi32, #tpu.memory_space<vmem>>) semaphore(%arg12 : memref<!tpu.dma_semaphore, #tpu.memory_space<semaphore_mem>>) {add = true}
      %dma_start3A_174 = arith.constant 1 : i32
      %dma_start3A_175 = arith.constant 64 : i32
      %dma_start3A_176 = arith.constant 0 : i32
      %dma_start3A_177 = tpu.memref_slice %arg8[%dma_start3A_174, %dma_start3A_175, %dma_start3A_176] : memref<2x128x128xf32, #tpu.memory_space<vmem>> -> memref<1x64x128xf32, #tpu.memory_space<vmem>>
      %dma_start3A_178 = tpu.memref_squeeze %dma_start3A_177 : memref<1x64x128xf32, #tpu.memory_space<vmem>> -> memref<64x128xf32, #tpu.memory_space<vmem>>
      %dma_start3A_179 = arith.constant 64 : i32
      %dma_start3A_180 = tpu.memref_slice %arg7[%add3A_162, %dma_start3A_179] : memref<40x128xi32, #tpu.memory_space<vmem>> -> memref<1x64xi32, #tpu.memory_space<vmem>>
      %dma_start3A_181 = tpu.memref_squeeze %dma_start3A_180 : memref<1x64xi32, #tpu.memory_space<vmem>> -> memref<64xi32, #tpu.memory_space<vmem>>
      %dma_start3A_182 = arith.constant 0 : i32
      %dma_start3A_183 = arith.constant 0 : i32
      %dma_start3A_184 = tpu.memref_slice %arg9[%dma_start3A_182, %dma_start3A_183] : memref<10112x128xf32, #tpu.memory_space<vmem_shared>> -> memref<10112x128xf32, #tpu.memory_space<vmem_shared>>
      tpu.enqueue_indirect_dma source(%dma_start3A_178 : memref<64x128xf32, #tpu.memory_space<vmem>>) target(%dma_start3A_184 : memref<10112x128xf32, #tpu.memory_space<vmem_shared>>) offsets(%dma_start3A_181 : memref<64xi32, #tpu.memory_space<vmem>>) semaphore(%arg13 : memref<!tpu.dma_semaphore, #tpu.memory_space<semaphore_mem>>) {add = true}
      %dma_wait3A_185 = arith.constant 1 : i32
      %dma_wait3A_186 = arith.constant 0 : i32
      %dma_wait3A_187 = arith.constant 0 : i32
      %dma_wait3A_188 = tpu.memref_slice %arg8[%dma_wait3A_185, %dma_wait3A_186, %dma_wait3A_187] : memref<2x128x128xf32, #tpu.memory_space<vmem>> -> memref<1x64x128xf32, #tpu.memory_space<vmem>>
      %dma_wait3A_189 = tpu.memref_squeeze %dma_wait3A_188 : memref<1x64x128xf32, #tpu.memory_space<vmem>> -> memref<64x128xf32, #tpu.memory_space<vmem>>
      %dma_wait3A_190 = arith.constant 0 : i32
      %dma_wait3A_191 = tpu.memref_slice %arg7[%add3A_162, %dma_wait3A_190] : memref<40x128xi32, #tpu.memory_space<vmem>> -> memref<1x64xi32, #tpu.memory_space<vmem>>
      %dma_wait3A_192 = tpu.memref_squeeze %dma_wait3A_191 : memref<1x64xi32, #tpu.memory_space<vmem>> -> memref<64xi32, #tpu.memory_space<vmem>>
      %dma_wait3A_193 = arith.constant 0 : i32
      %dma_wait3A_194 = arith.constant 0 : i32
      %dma_wait3A_195 = tpu.memref_slice %arg9[%dma_wait3A_193, %dma_wait3A_194] : memref<10112x128xf32, #tpu.memory_space<vmem_shared>> -> memref<10112x128xf32, #tpu.memory_space<vmem_shared>>
      tpu.wait_indirect_dma semaphore(%arg12 : memref<!tpu.dma_semaphore, #tpu.memory_space<semaphore_mem>>) src(%dma_wait3A_189 : memref<64x128xf32, #tpu.memory_space<vmem>>) dst(%dma_wait3A_195 : memref<10112x128xf32, #tpu.memory_space<vmem_shared>>)
      %dma_wait3A_196 = arith.constant 1 : i32
      %dma_wait3A_197 = arith.constant 64 : i32
      %dma_wait3A_198 = arith.constant 0 : i32
      %dma_wait3A_199 = tpu.memref_slice %arg8[%dma_wait3A_196, %dma_wait3A_197, %dma_wait3A_198] : memref<2x128x128xf32, #tpu.memory_space<vmem>> -> memref<1x64x128xf32, #tpu.memory_space<vmem>>
      %dma_wait3A_200 = tpu.memref_squeeze %dma_wait3A_199 : memref<1x64x128xf32, #tpu.memory_space<vmem>> -> memref<64x128xf32, #tpu.memory_space<vmem>>
      %dma_wait3A_201 = arith.constant 64 : i32
      %dma_wait3A_202 = tpu.memref_slice %arg7[%add3A_162, %dma_wait3A_201] : memref<40x128xi32, #tpu.memory_space<vmem>> -> memref<1x64xi32, #tpu.memory_space<vmem>>
      %dma_wait3A_203 = tpu.memref_squeeze %dma_wait3A_202 : memref<1x64xi32, #tpu.memory_space<vmem>> -> memref<64xi32, #tpu.memory_space<vmem>>
      %dma_wait3A_204 = arith.constant 0 : i32
      %dma_wait3A_205 = arith.constant 0 : i32
      %dma_wait3A_206 = tpu.memref_slice %arg9[%dma_wait3A_204, %dma_wait3A_205] : memref<10112x128xf32, #tpu.memory_space<vmem_shared>> -> memref<10112x128xf32, #tpu.memory_space<vmem_shared>>
      tpu.wait_indirect_dma semaphore(%arg13 : memref<!tpu.dma_semaphore, #tpu.memory_space<semaphore_mem>>) src(%dma_wait3A_200 : memref<64x128xf32, #tpu.memory_space<vmem>>) dst(%dma_wait3A_206 : memref<10112x128xf32, #tpu.memory_space<vmem_shared>>)
      %add3A_207 = arith.constant 3 : i32
      %add3A_208 = arith.addi %mul3A_89, %add3A_207 : i32
      %lt3A_209 = arith.constant 40 : i32
      %lt3A_210 = arith.cmpi slt, %add3A_208, %lt3A_209 : i32
      %convert_element_type3A_211 = arith.extui %lt3A_210 : i1 to i32
      %cond3A_212 = arith.constant 0 : i32
      %cond3A_213 = arith.cmpi ne, %convert_element_type3A_211, %cond3A_212 : i32
      scf.if %cond3A_213 {
        %add3A_215 = arith.constant 3 : i32
        %add3A_216 = arith.addi %mul3A_89, %add3A_215 : i32
        %dma_start3A_217 = arith.constant 1 : i32
        %dma_start3A_218 = arith.constant 0 : i32
        %dma_start3A_219 = arith.constant 0 : i32
        %dma_start3A_220 = tpu.memref_slice %arg8[%dma_start3A_217, %dma_start3A_218, %dma_start3A_219] : memref<2x128x128xf32, #tpu.memory_space<vmem>> -> memref<1x128x128xf32, #tpu.memory_space<vmem>>
        %dma_start3A_221 = tpu.memref_squeeze %dma_start3A_220 : memref<1x128x128xf32, #tpu.memory_space<vmem>> -> memref<128x128xf32, #tpu.memory_space<vmem>>
        %dma_start3A_222 = arith.constant 0 : i32
        %dma_start3A_223 = tpu.memref_slice %arg6[%add3A_216, %dma_start3A_222] : memref<40x128xi32, #tpu.memory_space<vmem>> -> memref<1x128xi32, #tpu.memory_space<vmem>>
        %dma_start3A_224 = tpu.memref_squeeze %dma_start3A_223 : memref<1x128xi32, #tpu.memory_space<vmem>> -> memref<128xi32, #tpu.memory_space<vmem>>
        %dma_start3A_225 = arith.constant 0 : i32
        %dma_start3A_226 = arith.constant 0 : i32
        %dma_start3A_227 = tpu.memref_slice %arg2[%dma_start3A_225, %dma_start3A_226] : memref<10000x128xf32, #tpu.memory_space<hbm>> -> memref<10000x128xf32, #tpu.memory_space<hbm>>
        tpu.enqueue_indirect_dma source(%dma_start3A_227 : memref<10000x128xf32, #tpu.memory_space<hbm>>) target(%dma_start3A_221 : memref<128x128xf32, #tpu.memory_space<vmem>>) offsets(%dma_start3A_224 : memref<128xi32, #tpu.memory_space<vmem>>) semaphore(%arg11 : memref<!tpu.dma_semaphore, #tpu.memory_space<semaphore_mem>>)
      } else {
      }
      %scan3A_214 = arith.constant 0 : i32
      scf.yield %scan3A_214 : i32
    }
    %scan3A_53 = arith.constant 20 : i32
    "tpu.region"() ({
      %run_scoped3A_86 = tpu.sem_alloc : memref<!tpu.dma_semaphore, #tpu.memory_space<semaphore_mem>>
      %dma_start3A_87 = arith.constant 40 : i32
      %dma_start3A_88 = arith.constant 0 : i32
      %dma_start3A_89 = tpu.memref_slice %arg3[%add3A, %dma_start3A_87, %dma_start3A_88] : memref<32x80x128xi32, #tpu.memory_space<hbm>> -> memref<1x40x128xi32, #tpu.memory_space<hbm>>
      %dma_start3A_90 = tpu.memref_squeeze %dma_start3A_89 : memref<1x40x128xi32, #tpu.memory_space<hbm>> -> memref<40x128xi32, #tpu.memory_space<hbm>>
      %dma_start3A_91 = arith.constant 40 : i32
      %dma_start3A_92 = arith.constant 0 : i32
      %dma_start3A_93 = tpu.memref_slice %arg3[%add3A, %dma_start3A_91, %dma_start3A_92] : memref<32x80x128xi32, #tpu.memory_space<hbm>> -> memref<1x40x128xi32, #tpu.memory_space<hbm>>
      %dma_start3A_94 = tpu.memref_squeeze %dma_start3A_93 : memref<1x40x128xi32, #tpu.memory_space<hbm>> -> memref<40x128xi32, #tpu.memory_space<hbm>>
      tpu.enqueue_dma source(%dma_start3A_94 : memref<40x128xi32, #tpu.memory_space<hbm>>) target(%arg6 : memref<40x128xi32, #tpu.memory_space<vmem>>) target_semaphore(%run_scoped3A_86 : memref<!tpu.dma_semaphore, #tpu.memory_space<semaphore_mem>>)
      %dma_wait3A = arith.constant 40 : i32
      %dma_wait3A_95 = arith.constant 0 : i32
      %dma_wait3A_96 = tpu.memref_slice %arg3[%add3A, %dma_wait3A, %dma_wait3A_95] : memref<32x80x128xi32, #tpu.memory_space<hbm>> -> memref<1x40x128xi32, #tpu.memory_space<hbm>>
      %dma_wait3A_97 = tpu.memref_squeeze %dma_wait3A_96 : memref<1x40x128xi32, #tpu.memory_space<hbm>> -> memref<40x128xi32, #tpu.memory_space<hbm>>
      %dma_wait3A_98 = arith.constant 40 : i32
      %dma_wait3A_99 = arith.constant 0 : i32
      %dma_wait3A_100 = tpu.memref_slice %arg3[%add3A, %dma_wait3A_98, %dma_wait3A_99] : memref<32x80x128xi32, #tpu.memory_space<hbm>> -> memref<1x40x128xi32, #tpu.memory_space<hbm>>
      %dma_wait3A_101 = tpu.memref_squeeze %dma_wait3A_100 : memref<1x40x128xi32, #tpu.memory_space<hbm>> -> memref<40x128xi32, #tpu.memory_space<hbm>>
      tpu.wait_dma2 semaphore(%run_scoped3A_86 : memref<!tpu.dma_semaphore, #tpu.memory_space<semaphore_mem>>) src(%dma_wait3A_101 : memref<40x128xi32, #tpu.memory_space<hbm>>) dst(%arg6 : memref<40x128xi32, #tpu.memory_space<vmem>>)
      tpu.yield
    }) : () -> ()
    "tpu.region"() ({
      %run_scoped3A_86 = tpu.sem_alloc : memref<!tpu.dma_semaphore, #tpu.memory_space<semaphore_mem>>
      %dma_start3A_87 = arith.constant 40 : i32
      %dma_start3A_88 = arith.constant 0 : i32
      %dma_start3A_89 = tpu.memref_slice %arg4[%add3A, %dma_start3A_87, %dma_start3A_88] : memref<32x80x128xi32, #tpu.memory_space<hbm>> -> memref<1x40x128xi32, #tpu.memory_space<hbm>>
      %dma_start3A_90 = tpu.memref_squeeze %dma_start3A_89 : memref<1x40x128xi32, #tpu.memory_space<hbm>> -> memref<40x128xi32, #tpu.memory_space<hbm>>
      %dma_start3A_91 = arith.constant 40 : i32
      %dma_start3A_92 = arith.constant 0 : i32
      %dma_start3A_93 = tpu.memref_slice %arg4[%add3A, %dma_start3A_91, %dma_start3A_92] : memref<32x80x128xi32, #tpu.memory_space<hbm>> -> memref<1x40x128xi32, #tpu.memory_space<hbm>>
      %dma_start3A_94 = tpu.memref_squeeze %dma_start3A_93 : memref<1x40x128xi32, #tpu.memory_space<hbm>> -> memref<40x128xi32, #tpu.memory_space<hbm>>
      tpu.enqueue_dma source(%dma_start3A_94 : memref<40x128xi32, #tpu.memory_space<hbm>>) target(%arg7 : memref<40x128xi32, #tpu.memory_space<vmem>>) target_semaphore(%run_scoped3A_86 : memref<!tpu.dma_semaphore, #tpu.memory_space<semaphore_mem>>)
      %dma_wait3A = arith.constant 40 : i32
      %dma_wait3A_95 = arith.constant 0 : i32
      %dma_wait3A_96 = tpu.memref_slice %arg4[%add3A, %dma_wait3A, %dma_wait3A_95] : memref<32x80x128xi32, #tpu.memory_space<hbm>> -> memref<1x40x128xi32, #tpu.memory_space<hbm>>
      %dma_wait3A_97 = tpu.memref_squeeze %dma_wait3A_96 : memref<1x40x128xi32, #tpu.memory_space<hbm>> -> memref<40x128xi32, #tpu.memory_space<hbm>>
      %dma_wait3A_98 = arith.constant 40 : i32
      %dma_wait3A_99 = arith.constant 0 : i32
      %dma_wait3A_100 = tpu.memref_slice %arg4[%add3A, %dma_wait3A_98, %dma_wait3A_99] : memref<32x80x128xi32, #tpu.memory_space<hbm>> -> memref<1x40x128xi32, #tpu.memory_space<hbm>>
      %dma_wait3A_101 = tpu.memref_squeeze %dma_wait3A_100 : memref<1x40x128xi32, #tpu.memory_space<hbm>> -> memref<40x128xi32, #tpu.memory_space<hbm>>
      tpu.wait_dma2 semaphore(%run_scoped3A_86 : memref<!tpu.dma_semaphore, #tpu.memory_space<semaphore_mem>>) src(%dma_wait3A_101 : memref<40x128xi32, #tpu.memory_space<hbm>>) dst(%arg7 : memref<40x128xi32, #tpu.memory_space<vmem>>)
      tpu.yield
    }) : () -> ()
    %dma_start3A_54 = arith.constant 0 : i32
    %dma_start3A_55 = arith.constant 0 : i32
    %dma_start3A_56 = arith.constant 0 : i32
    %dma_start3A_57 = arith.constant 0 : i32
    %dma_start3A_58 = tpu.memref_slice %arg8[%dma_start3A_55, %dma_start3A_56, %dma_start3A_57] : memref<2x128x128xf32, #tpu.memory_space<vmem>> -> memref<1x128x128xf32, #tpu.memory_space<vmem>>
    %dma_start3A_59 = tpu.memref_squeeze %dma_start3A_58 : memref<1x128x128xf32, #tpu.memory_space<vmem>> -> memref<128x128xf32, #tpu.memory_space<vmem>>
    %dma_start3A_60 = arith.constant 0 : i32
    %dma_start3A_61 = tpu.memref_slice %arg6[%dma_start3A_54, %dma_start3A_60] : memref<40x128xi32, #tpu.memory_space<vmem>> -> memref<1x128xi32, #tpu.memory_space<vmem>>
    %dma_start3A_62 = tpu.memref_squeeze %dma_start3A_61 : memref<1x128xi32, #tpu.memory_space<vmem>> -> memref<128xi32, #tpu.memory_space<vmem>>
    %dma_start3A_63 = arith.constant 0 : i32
    %dma_start3A_64 = arith.constant 0 : i32
    %dma_start3A_65 = tpu.memref_slice %arg2[%dma_start3A_63, %dma_start3A_64] : memref<10000x128xf32, #tpu.memory_space<hbm>> -> memref<10000x128xf32, #tpu.memory_space<hbm>>
    tpu.enqueue_indirect_dma source(%dma_start3A_65 : memref<10000x128xf32, #tpu.memory_space<hbm>>) target(%dma_start3A_59 : memref<128x128xf32, #tpu.memory_space<vmem>>) offsets(%dma_start3A_62 : memref<128xi32, #tpu.memory_space<vmem>>) semaphore(%arg10 : memref<!tpu.dma_semaphore, #tpu.memory_space<semaphore_mem>>)
    %dma_start3A_66 = arith.constant 1 : i32
    %dma_start3A_67 = arith.constant 1 : i32
    %dma_start3A_68 = arith.constant 0 : i32
    %dma_start3A_69 = arith.constant 0 : i32
    %dma_start3A_70 = tpu.memref_slice %arg8[%dma_start3A_67, %dma_start3A_68, %dma_start3A_69] : memref<2x128x128xf32, #tpu.memory_space<vmem>> -> memref<1x128x128xf32, #tpu.memory_space<vmem>>
    %dma_start3A_71 = tpu.memref_squeeze %dma_start3A_70 : memref<1x128x128xf32, #tpu.memory_space<vmem>> -> memref<128x128xf32, #tpu.memory_space<vmem>>
    %dma_start3A_72 = arith.constant 0 : i32
    %dma_start3A_73 = tpu.memref_slice %arg6[%dma_start3A_66, %dma_start3A_72] : memref<40x128xi32, #tpu.memory_space<vmem>> -> memref<1x128xi32, #tpu.memory_space<vmem>>
    %dma_start3A_74 = tpu.memref_squeeze %dma_start3A_73 : memref<1x128xi32, #tpu.memory_space<vmem>> -> memref<128xi32, #tpu.memory_space<vmem>>
    %dma_start3A_75 = arith.constant 0 : i32
    %dma_start3A_76 = arith.constant 0 : i32
    %dma_start3A_77 = tpu.memref_slice %arg2[%dma_start3A_75, %dma_start3A_76] : memref<10000x128xf32, #tpu.memory_space<hbm>> -> memref<10000x128xf32, #tpu.memory_space<hbm>>
    tpu.enqueue_indirect_dma source(%dma_start3A_77 : memref<10000x128xf32, #tpu.memory_space<hbm>>) target(%dma_start3A_71 : memref<128x128xf32, #tpu.memory_space<vmem>>) offsets(%dma_start3A_74 : memref<128xi32, #tpu.memory_space<vmem>>) semaphore(%arg11 : memref<!tpu.dma_semaphore, #tpu.memory_space<semaphore_mem>>)
    %scan3A_78 = arith.constant 0 : i32
    %scan3A_79 = arith.constant 0 : i32
    %scan3A_80 = arith.constant 20 : i32
    %scan3A_81 = arith.addi %scan3A_79, %scan3A_80 : i32
    %scan3A_82 = arith.constant 1 : i32
    %scan3A_83 = scf.for %scan3A_86 = %scan3A_79 to %scan3A_81 step %scan3A_82 iter_args(%scan3A_87 = %scan3A_78) -> (i32)  : i32 {
      %mul3A_88 = arith.constant 2 : i32
      %mul3A_89 = arith.muli %scan3A_86, %mul3A_88 : i32
      %dma_wait3A = arith.constant 0 : i32
      %dma_wait3A_90 = arith.constant 0 : i32
      %dma_wait3A_91 = arith.constant 0 : i32
      %dma_wait3A_92 = tpu.memref_slice %arg8[%dma_wait3A, %dma_wait3A_90, %dma_wait3A_91] : memref<2x128x128xf32, #tpu.memory_space<vmem>> -> memref<1x128x128xf32, #tpu.memory_space<vmem>>
      %dma_wait3A_93 = tpu.memref_squeeze %dma_wait3A_92 : memref<1x128x128xf32, #tpu.memory_space<vmem>> -> memref<128x128xf32, #tpu.memory_space<vmem>>
      %dma_wait3A_94 = arith.constant 0 : i32
      %dma_wait3A_95 = tpu.memref_slice %arg6[%mul3A_89, %dma_wait3A_94] : memref<40x128xi32, #tpu.memory_space<vmem>> -> memref<1x128xi32, #tpu.memory_space<vmem>>
      %dma_wait3A_96 = tpu.memref_squeeze %dma_wait3A_95 : memref<1x128xi32, #tpu.memory_space<vmem>> -> memref<128xi32, #tpu.memory_space<vmem>>
      %dma_wait3A_97 = arith.constant 0 : i32
      %dma_wait3A_98 = arith.constant 0 : i32
      %dma_wait3A_99 = tpu.memref_slice %arg2[%dma_wait3A_97, %dma_wait3A_98] : memref<10000x128xf32, #tpu.memory_space<hbm>> -> memref<10000x128xf32, #tpu.memory_space<hbm>>
      tpu.wait_indirect_dma semaphore(%arg10 : memref<!tpu.dma_semaphore, #tpu.memory_space<semaphore_mem>>) src(%dma_wait3A_99 : memref<10000x128xf32, #tpu.memory_space<hbm>>) dst(%dma_wait3A_93 : memref<128x128xf32, #tpu.memory_space<vmem>>)
      %dma_start3A_100 = arith.constant 0 : i32
      %dma_start3A_101 = arith.constant 0 : i32
      %dma_start3A_102 = arith.constant 0 : i32
      %dma_start3A_103 = tpu.memref_slice %arg8[%dma_start3A_100, %dma_start3A_101, %dma_start3A_102] : memref<2x128x128xf32, #tpu.memory_space<vmem>> -> memref<1x64x128xf32, #tpu.memory_space<vmem>>
      %dma_start3A_104 = tpu.memref_squeeze %dma_start3A_103 : memref<1x64x128xf32, #tpu.memory_space<vmem>> -> memref<64x128xf32, #tpu.memory_space<vmem>>
      %dma_start3A_105 = arith.constant 0 : i32
      %dma_start3A_106 = tpu.memref_slice %arg7[%mul3A_89, %dma_start3A_105] : memref<40x128xi32, #tpu.memory_space<vmem>> -> memref<1x64xi32, #tpu.memory_space<vmem>>
      %dma_start3A_107 = tpu.memref_squeeze %dma_start3A_106 : memref<1x64xi32, #tpu.memory_space<vmem>> -> memref<64xi32, #tpu.memory_space<vmem>>
      %dma_start3A_108 = arith.constant 0 : i32
      %dma_start3A_109 = arith.constant 0 : i32
      %dma_start3A_110 = tpu.memref_slice %arg9[%dma_start3A_108, %dma_start3A_109] : memref<10112x128xf32, #tpu.memory_space<vmem_shared>> -> memref<10112x128xf32, #tpu.memory_space<vmem_shared>>
      tpu.enqueue_indirect_dma source(%dma_start3A_104 : memref<64x128xf32, #tpu.memory_space<vmem>>) target(%dma_start3A_110 : memref<10112x128xf32, #tpu.memory_space<vmem_shared>>) offsets(%dma_start3A_107 : memref<64xi32, #tpu.memory_space<vmem>>) semaphore(%arg12 : memref<!tpu.dma_semaphore, #tpu.memory_space<semaphore_mem>>) {add = true}
      %dma_start3A_111 = arith.constant 0 : i32
      %dma_start3A_112 = arith.constant 64 : i32
      %dma_start3A_113 = arith.constant 0 : i32
      %dma_start3A_114 = tpu.memref_slice %arg8[%dma_start3A_111, %dma_start3A_112, %dma_start3A_113] : memref<2x128x128xf32, #tpu.memory_space<vmem>> -> memref<1x64x128xf32, #tpu.memory_space<vmem>>
      %dma_start3A_115 = tpu.memref_squeeze %dma_start3A_114 : memref<1x64x128xf32, #tpu.memory_space<vmem>> -> memref<64x128xf32, #tpu.memory_space<vmem>>
      %dma_start3A_116 = arith.constant 64 : i32
      %dma_start3A_117 = tpu.memref_slice %arg7[%mul3A_89, %dma_start3A_116] : memref<40x128xi32, #tpu.memory_space<vmem>> -> memref<1x64xi32, #tpu.memory_space<vmem>>
      %dma_start3A_118 = tpu.memref_squeeze %dma_start3A_117 : memref<1x64xi32, #tpu.memory_space<vmem>> -> memref<64xi32, #tpu.memory_space<vmem>>
      %dma_start3A_119 = arith.constant 0 : i32
      %dma_start3A_120 = arith.constant 0 : i32
      %dma_start3A_121 = tpu.memref_slice %arg9[%dma_start3A_119, %dma_start3A_120] : memref<10112x128xf32, #tpu.memory_space<vmem_shared>> -> memref<10112x128xf32, #tpu.memory_space<vmem_shared>>
      tpu.enqueue_indirect_dma source(%dma_start3A_115 : memref<64x128xf32, #tpu.memory_space<vmem>>) target(%dma_start3A_121 : memref<10112x128xf32, #tpu.memory_space<vmem_shared>>) offsets(%dma_start3A_118 : memref<64xi32, #tpu.memory_space<vmem>>) semaphore(%arg13 : memref<!tpu.dma_semaphore, #tpu.memory_space<semaphore_mem>>) {add = true}
      %dma_wait3A_122 = arith.constant 0 : i32
      %dma_wait3A_123 = arith.constant 0 : i32
      %dma_wait3A_124 = arith.constant 0 : i32
      %dma_wait3A_125 = tpu.memref_slice %arg8[%dma_wait3A_122, %dma_wait3A_123, %dma_wait3A_124] : memref<2x128x128xf32, #tpu.memory_space<vmem>> -> memref<1x64x128xf32, #tpu.memory_space<vmem>>
      %dma_wait3A_126 = tpu.memref_squeeze %dma_wait3A_125 : memref<1x64x128xf32, #tpu.memory_space<vmem>> -> memref<64x128xf32, #tpu.memory_space<vmem>>
      %dma_wait3A_127 = arith.constant 0 : i32
      %dma_wait3A_128 = tpu.memref_slice %arg7[%mul3A_89, %dma_wait3A_127] : memref<40x128xi32, #tpu.memory_space<vmem>> -> memref<1x64xi32, #tpu.memory_space<vmem>>
      %dma_wait3A_129 = tpu.memref_squeeze %dma_wait3A_128 : memref<1x64xi32, #tpu.memory_space<vmem>> -> memref<64xi32, #tpu.memory_space<vmem>>
      %dma_wait3A_130 = arith.constant 0 : i32
      %dma_wait3A_131 = arith.constant 0 : i32
      %dma_wait3A_132 = tpu.memref_slice %arg9[%dma_wait3A_130, %dma_wait3A_131] : memref<10112x128xf32, #tpu.memory_space<vmem_shared>> -> memref<10112x128xf32, #tpu.memory_space<vmem_shared>>
      tpu.wait_indirect_dma semaphore(%arg12 : memref<!tpu.dma_semaphore, #tpu.memory_space<semaphore_mem>>) src(%dma_wait3A_126 : memref<64x128xf32, #tpu.memory_space<vmem>>) dst(%dma_wait3A_132 : memref<10112x128xf32, #tpu.memory_space<vmem_shared>>)
      %dma_wait3A_133 = arith.constant 0 : i32
      %dma_wait3A_134 = arith.constant 64 : i32
      %dma_wait3A_135 = arith.constant 0 : i32
      %dma_wait3A_136 = tpu.memref_slice %arg8[%dma_wait3A_133, %dma_wait3A_134, %dma_wait3A_135] : memref<2x128x128xf32, #tpu.memory_space<vmem>> -> memref<1x64x128xf32, #tpu.memory_space<vmem>>
      %dma_wait3A_137 = tpu.memref_squeeze %dma_wait3A_136 : memref<1x64x128xf32, #tpu.memory_space<vmem>> -> memref<64x128xf32, #tpu.memory_space<vmem>>
      %dma_wait3A_138 = arith.constant 64 : i32
      %dma_wait3A_139 = tpu.memref_slice %arg7[%mul3A_89, %dma_wait3A_138] : memref<40x128xi32, #tpu.memory_space<vmem>> -> memref<1x64xi32, #tpu.memory_space<vmem>>
      %dma_wait3A_140 = tpu.memref_squeeze %dma_wait3A_139 : memref<1x64xi32, #tpu.memory_space<vmem>> -> memref<64xi32, #tpu.memory_space<vmem>>
      %dma_wait3A_141 = arith.constant 0 : i32
      %dma_wait3A_142 = arith.constant 0 : i32
      %dma_wait3A_143 = tpu.memref_slice %arg9[%dma_wait3A_141, %dma_wait3A_142] : memref<10112x128xf32, #tpu.memory_space<vmem_shared>> -> memref<10112x128xf32, #tpu.memory_space<vmem_shared>>
      tpu.wait_indirect_dma semaphore(%arg13 : memref<!tpu.dma_semaphore, #tpu.memory_space<semaphore_mem>>) src(%dma_wait3A_137 : memref<64x128xf32, #tpu.memory_space<vmem>>) dst(%dma_wait3A_143 : memref<10112x128xf32, #tpu.memory_space<vmem_shared>>)
      %add3A_144 = arith.constant 2 : i32
      %add3A_145 = arith.addi %mul3A_89, %add3A_144 : i32
      %lt3A = arith.constant 40 : i32
      %lt3A_146 = arith.cmpi slt, %add3A_145, %lt3A : i32
      %convert_element_type3A = arith.extui %lt3A_146 : i1 to i32
      %cond3A = arith.constant 0 : i32
      %cond3A_147 = arith.cmpi ne, %convert_element_type3A, %cond3A : i32
      scf.if %cond3A_147 {
        %add3A_215 = arith.constant 2 : i32
        %add3A_216 = arith.addi %mul3A_89, %add3A_215 : i32
        %dma_start3A_217 = arith.constant 0 : i32
        %dma_start3A_218 = arith.constant 0 : i32
        %dma_start3A_219 = arith.constant 0 : i32
        %dma_start3A_220 = tpu.memref_slice %arg8[%dma_start3A_217, %dma_start3A_218, %dma_start3A_219] : memref<2x128x128xf32, #tpu.memory_space<vmem>> -> memref<1x128x128xf32, #tpu.memory_space<vmem>>
        %dma_start3A_221 = tpu.memref_squeeze %dma_start3A_220 : memref<1x128x128xf32, #tpu.memory_space<vmem>> -> memref<128x128xf32, #tpu.memory_space<vmem>>
        %dma_start3A_222 = arith.constant 0 : i32
        %dma_start3A_223 = tpu.memref_slice %arg6[%add3A_216, %dma_start3A_222] : memref<40x128xi32, #tpu.memory_space<vmem>> -> memref<1x128xi32, #tpu.memory_space<vmem>>
        %dma_start3A_224 = tpu.memref_squeeze %dma_start3A_223 : memref<1x128xi32, #tpu.memory_space<vmem>> -> memref<128xi32, #tpu.memory_space<vmem>>
        %dma_start3A_225 = arith.constant 0 : i32
        %dma_start3A_226 = arith.constant 0 : i32
        %dma_start3A_227 = tpu.memref_slice %arg2[%dma_start3A_225, %dma_start3A_226] : memref<10000x128xf32, #tpu.memory_space<hbm>> -> memref<10000x128xf32, #tpu.memory_space<hbm>>
        tpu.enqueue_indirect_dma source(%dma_start3A_227 : memref<10000x128xf32, #tpu.memory_space<hbm>>) target(%dma_start3A_221 : memref<128x128xf32, #tpu.memory_space<vmem>>) offsets(%dma_start3A_224 : memref<128xi32, #tpu.memory_space<vmem>>) semaphore(%arg10 : memref<!tpu.dma_semaphore, #tpu.memory_space<semaphore_mem>>)
      } else {
      }
      %add3A_148 = arith.constant 1 : i32
      %add3A_149 = arith.addi %mul3A_89, %add3A_148 : i32
      %dma_wait3A_150 = arith.constant 1 : i32
      %dma_wait3A_151 = arith.constant 0 : i32
      %dma_wait3A_152 = arith.constant 0 : i32
      %dma_wait3A_153 = tpu.memref_slice %arg8[%dma_wait3A_150, %dma_wait3A_151, %dma_wait3A_152] : memref<2x128x128xf32, #tpu.memory_space<vmem>> -> memref<1x128x128xf32, #tpu.memory_space<vmem>>
      %dma_wait3A_154 = tpu.memref_squeeze %dma_wait3A_153 : memref<1x128x128xf32, #tpu.memory_space<vmem>> -> memref<128x128xf32, #tpu.memory_space<vmem>>
      %dma_wait3A_155 = arith.constant 0 : i32
      %dma_wait3A_156 = tpu.memref_slice %arg6[%add3A_149, %dma_wait3A_155] : memref<40x128xi32, #tpu.memory_space<vmem>> -> memref<1x128xi32, #tpu.memory_space<vmem>>
      %dma_wait3A_157 = tpu.memref_squeeze %dma_wait3A_156 : memref<1x128xi32, #tpu.memory_space<vmem>> -> memref<128xi32, #tpu.memory_space<vmem>>
      %dma_wait3A_158 = arith.constant 0 : i32
      %dma_wait3A_159 = arith.constant 0 : i32
      %dma_wait3A_160 = tpu.memref_slice %arg2[%dma_wait3A_158, %dma_wait3A_159] : memref<10000x128xf32, #tpu.memory_space<hbm>> -> memref<10000x128xf32, #tpu.memory_space<hbm>>
      tpu.wait_indirect_dma semaphore(%arg11 : memref<!tpu.dma_semaphore, #tpu.memory_space<semaphore_mem>>) src(%dma_wait3A_160 : memref<10000x128xf32, #tpu.memory_space<hbm>>) dst(%dma_wait3A_154 : memref<128x128xf32, #tpu.memory_space<vmem>>)
      %add3A_161 = arith.constant 1 : i32
      %add3A_162 = arith.addi %mul3A_89, %add3A_161 : i32
      %dma_start3A_163 = arith.constant 1 : i32
      %dma_start3A_164 = arith.constant 0 : i32
      %dma_start3A_165 = arith.constant 0 : i32
      %dma_start3A_166 = tpu.memref_slice %arg8[%dma_start3A_163, %dma_start3A_164, %dma_start3A_165] : memref<2x128x128xf32, #tpu.memory_space<vmem>> -> memref<1x64x128xf32, #tpu.memory_space<vmem>>
      %dma_start3A_167 = tpu.memref_squeeze %dma_start3A_166 : memref<1x64x128xf32, #tpu.memory_space<vmem>> -> memref<64x128xf32, #tpu.memory_space<vmem>>
      %dma_start3A_168 = arith.constant 0 : i32
      %dma_start3A_169 = tpu.memref_slice %arg7[%add3A_162, %dma_start3A_168] : memref<40x128xi32, #tpu.memory_space<vmem>> -> memref<1x64xi32, #tpu.memory_space<vmem>>
      %dma_start3A_170 = tpu.memref_squeeze %dma_start3A_169 : memref<1x64xi32, #tpu.memory_space<vmem>> -> memref<64xi32, #tpu.memory_space<vmem>>
      %dma_start3A_171 = arith.constant 0 : i32
      %dma_start3A_172 = arith.constant 0 : i32
      %dma_start3A_173 = tpu.memref_slice %arg9[%dma_start3A_171, %dma_start3A_172] : memref<10112x128xf32, #tpu.memory_space<vmem_shared>> -> memref<10112x128xf32, #tpu.memory_space<vmem_shared>>
      tpu.enqueue_indirect_dma source(%dma_start3A_167 : memref<64x128xf32, #tpu.memory_space<vmem>>) target(%dma_start3A_173 : memref<10112x128xf32, #tpu.memory_space<vmem_shared>>) offsets(%dma_start3A_170 : memref<64xi32, #tpu.memory_space<vmem>>) semaphore(%arg12 : memref<!tpu.dma_semaphore, #tpu.memory_space<semaphore_mem>>) {add = true}
      %dma_start3A_174 = arith.constant 1 : i32
      %dma_start3A_175 = arith.constant 64 : i32
      %dma_start3A_176 = arith.constant 0 : i32
      %dma_start3A_177 = tpu.memref_slice %arg8[%dma_start3A_174, %dma_start3A_175, %dma_start3A_176] : memref<2x128x128xf32, #tpu.memory_space<vmem>> -> memref<1x64x128xf32, #tpu.memory_space<vmem>>
      %dma_start3A_178 = tpu.memref_squeeze %dma_start3A_177 : memref<1x64x128xf32, #tpu.memory_space<vmem>> -> memref<64x128xf32, #tpu.memory_space<vmem>>
      %dma_start3A_179 = arith.constant 64 : i32
      %dma_start3A_180 = tpu.memref_slice %arg7[%add3A_162, %dma_start3A_179] : memref<40x128xi32, #tpu.memory_space<vmem>> -> memref<1x64xi32, #tpu.memory_space<vmem>>
      %dma_start3A_181 = tpu.memref_squeeze %dma_start3A_180 : memref<1x64xi32, #tpu.memory_space<vmem>> -> memref<64xi32, #tpu.memory_space<vmem>>
      %dma_start3A_182 = arith.constant 0 : i32
      %dma_start3A_183 = arith.constant 0 : i32
      %dma_start3A_184 = tpu.memref_slice %arg9[%dma_start3A_182, %dma_start3A_183] : memref<10112x128xf32, #tpu.memory_space<vmem_shared>> -> memref<10112x128xf32, #tpu.memory_space<vmem_shared>>
      tpu.enqueue_indirect_dma source(%dma_start3A_178 : memref<64x128xf32, #tpu.memory_space<vmem>>) target(%dma_start3A_184 : memref<10112x128xf32, #tpu.memory_space<vmem_shared>>) offsets(%dma_start3A_181 : memref<64xi32, #tpu.memory_space<vmem>>) semaphore(%arg13 : memref<!tpu.dma_semaphore, #tpu.memory_space<semaphore_mem>>) {add = true}
      %dma_wait3A_185 = arith.constant 1 : i32
      %dma_wait3A_186 = arith.constant 0 : i32
      %dma_wait3A_187 = arith.constant 0 : i32
      %dma_wait3A_188 = tpu.memref_slice %arg8[%dma_wait3A_185, %dma_wait3A_186, %dma_wait3A_187] : memref<2x128x128xf32, #tpu.memory_space<vmem>> -> memref<1x64x128xf32, #tpu.memory_space<vmem>>
      %dma_wait3A_189 = tpu.memref_squeeze %dma_wait3A_188 : memref<1x64x128xf32, #tpu.memory_space<vmem>> -> memref<64x128xf32, #tpu.memory_space<vmem>>
      %dma_wait3A_190 = arith.constant 0 : i32
      %dma_wait3A_191 = tpu.memref_slice %arg7[%add3A_162, %dma_wait3A_190] : memref<40x128xi32, #tpu.memory_space<vmem>> -> memref<1x64xi32, #tpu.memory_space<vmem>>
      %dma_wait3A_192 = tpu.memref_squeeze %dma_wait3A_191 : memref<1x64xi32, #tpu.memory_space<vmem>> -> memref<64xi32, #tpu.memory_space<vmem>>
      %dma_wait3A_193 = arith.constant 0 : i32
      %dma_wait3A_194 = arith.constant 0 : i32
      %dma_wait3A_195 = tpu.memref_slice %arg9[%dma_wait3A_193, %dma_wait3A_194] : memref<10112x128xf32, #tpu.memory_space<vmem_shared>> -> memref<10112x128xf32, #tpu.memory_space<vmem_shared>>
      tpu.wait_indirect_dma semaphore(%arg12 : memref<!tpu.dma_semaphore, #tpu.memory_space<semaphore_mem>>) src(%dma_wait3A_189 : memref<64x128xf32, #tpu.memory_space<vmem>>) dst(%dma_wait3A_195 : memref<10112x128xf32, #tpu.memory_space<vmem_shared>>)
      %dma_wait3A_196 = arith.constant 1 : i32
      %dma_wait3A_197 = arith.constant 64 : i32
      %dma_wait3A_198 = arith.constant 0 : i32
      %dma_wait3A_199 = tpu.memref_slice %arg8[%dma_wait3A_196, %dma_wait3A_197, %dma_wait3A_198] : memref<2x128x128xf32, #tpu.memory_space<vmem>> -> memref<1x64x128xf32, #tpu.memory_space<vmem>>
      %dma_wait3A_200 = tpu.memref_squeeze %dma_wait3A_199 : memref<1x64x128xf32, #tpu.memory_space<vmem>> -> memref<64x128xf32, #tpu.memory_space<vmem>>
      %dma_wait3A_201 = arith.constant 64 : i32
      %dma_wait3A_202 = tpu.memref_slice %arg7[%add3A_162, %dma_wait3A_201] : memref<40x128xi32, #tpu.memory_space<vmem>> -> memref<1x64xi32, #tpu.memory_space<vmem>>
      %dma_wait3A_203 = tpu.memref_squeeze %dma_wait3A_202 : memref<1x64xi32, #tpu.memory_space<vmem>> -> memref<64xi32, #tpu.memory_space<vmem>>
      %dma_wait3A_204 = arith.constant 0 : i32
      %dma_wait3A_205 = arith.constant 0 : i32
      %dma_wait3A_206 = tpu.memref_slice %arg9[%dma_wait3A_204, %dma_wait3A_205] : memref<10112x128xf32, #tpu.memory_space<vmem_shared>> -> memref<10112x128xf32, #tpu.memory_space<vmem_shared>>
      tpu.wait_indirect_dma semaphore(%arg13 : memref<!tpu.dma_semaphore, #tpu.memory_space<semaphore_mem>>) src(%dma_wait3A_200 : memref<64x128xf32, #tpu.memory_space<vmem>>) dst(%dma_wait3A_206 : memref<10112x128xf32, #tpu.memory_space<vmem_shared>>)
      %add3A_207 = arith.constant 3 : i32
      %add3A_208 = arith.addi %mul3A_89, %add3A_207 : i32
      %lt3A_209 = arith.constant 40 : i32
      %lt3A_210 = arith.cmpi slt, %add3A_208, %lt3A_209 : i32
      %convert_element_type3A_211 = arith.extui %lt3A_210 : i1 to i32
      %cond3A_212 = arith.constant 0 : i32
      %cond3A_213 = arith.cmpi ne, %convert_element_type3A_211, %cond3A_212 : i32
      scf.if %cond3A_213 {
        %add3A_215 = arith.constant 3 : i32
        %add3A_216 = arith.addi %mul3A_89, %add3A_215 : i32
        %dma_start3A_217 = arith.constant 1 : i32
        %dma_start3A_218 = arith.constant 0 : i32
        %dma_start3A_219 = arith.constant 0 : i32
        %dma_start3A_220 = tpu.memref_slice %arg8[%dma_start3A_217, %dma_start3A_218, %dma_start3A_219] : memref<2x128x128xf32, #tpu.memory_space<vmem>> -> memref<1x128x128xf32, #tpu.memory_space<vmem>>
        %dma_start3A_221 = tpu.memref_squeeze %dma_start3A_220 : memref<1x128x128xf32, #tpu.memory_space<vmem>> -> memref<128x128xf32, #tpu.memory_space<vmem>>
        %dma_start3A_222 = arith.constant 0 : i32
        %dma_start3A_223 = tpu.memref_slice %arg6[%add3A_216, %dma_start3A_222] : memref<40x128xi32, #tpu.memory_space<vmem>> -> memref<1x128xi32, #tpu.memory_space<vmem>>
        %dma_start3A_224 = tpu.memref_squeeze %dma_start3A_223 : memref<1x128xi32, #tpu.memory_space<vmem>> -> memref<128xi32, #tpu.memory_space<vmem>>
        %dma_start3A_225 = arith.constant 0 : i32
        %dma_start3A_226 = arith.constant 0 : i32
        %dma_start3A_227 = tpu.memref_slice %arg2[%dma_start3A_225, %dma_start3A_226] : memref<10000x128xf32, #tpu.memory_space<hbm>> -> memref<10000x128xf32, #tpu.memory_space<hbm>>
        tpu.enqueue_indirect_dma source(%dma_start3A_227 : memref<10000x128xf32, #tpu.memory_space<hbm>>) target(%dma_start3A_221 : memref<128x128xf32, #tpu.memory_space<vmem>>) offsets(%dma_start3A_224 : memref<128xi32, #tpu.memory_space<vmem>>) semaphore(%arg11 : memref<!tpu.dma_semaphore, #tpu.memory_space<semaphore_mem>>)
      } else {
      }
      %scan3A_214 = arith.constant 0 : i32
      scf.yield %scan3A_214 : i32
    }
    %scan3A_84 = arith.constant 20 : i32
    %barrier3A_85 = arith.constant 0 : index
    tpu.barrier barrier_id(%barrier3A_85)
    "tpu.region"() ({
      %run_scoped3A_86 = tpu.sem_alloc : memref<!tpu.dma_semaphore, #tpu.memory_space<semaphore_mem>>
      %dma_start3A_87 = arith.constant 0 : i32
      %dma_start3A_88 = tpu.memref_slice %arg5[%arg0, %mul3A_9, %dma_start3A_87] : memref<2x10112x128xf32, #tpu.memory_space<hbm>> -> memref<1x632x128xf32, #tpu.memory_space<hbm>>
      %dma_start3A_89 = tpu.memref_squeeze %dma_start3A_88 : memref<1x632x128xf32, #tpu.memory_space<hbm>> -> memref<632x128xf32, #tpu.memory_space<hbm>>
      %dma_start3A_90 = arith.constant 0 : i32
      %dma_start3A_91 = tpu.memref_slice %arg9[%mul3A_9, %dma_start3A_90] : memref<10112x128xf32, #tpu.memory_space<vmem_shared>> -> memref<632x128xf32, #tpu.memory_space<vmem_shared>>
      tpu.enqueue_dma source(%dma_start3A_91 : memref<632x128xf32, #tpu.memory_space<vmem_shared>>) target(%dma_start3A_89 : memref<632x128xf32, #tpu.memory_space<hbm>>) target_semaphore(%run_scoped3A_86 : memref<!tpu.dma_semaphore, #tpu.memory_space<semaphore_mem>>)
      %dma_wait3A = arith.constant 0 : i32
      %dma_wait3A_92 = tpu.memref_slice %arg5[%arg0, %mul3A_9, %dma_wait3A] : memref<2x10112x128xf32, #tpu.memory_space<hbm>> -> memref<1x632x128xf32, #tpu.memory_space<hbm>>
      %dma_wait3A_93 = tpu.memref_squeeze %dma_wait3A_92 : memref<1x632x128xf32, #tpu.memory_space<hbm>> -> memref<632x128xf32, #tpu.memory_space<hbm>>
      %dma_wait3A_94 = arith.constant 0 : i32
      %dma_wait3A_95 = tpu.memref_slice %arg9[%mul3A_9, %dma_wait3A_94] : memref<10112x128xf32, #tpu.memory_space<vmem_shared>> -> memref<632x128xf32, #tpu.memory_space<vmem_shared>>
      tpu.wait_dma2 semaphore(%run_scoped3A_86 : memref<!tpu.dma_semaphore, #tpu.memory_space<semaphore_mem>>) src(%dma_wait3A_95 : memref<632x128xf32, #tpu.memory_space<vmem_shared>>) dst(%dma_wait3A_93 : memref<632x128xf32, #tpu.memory_space<hbm>>)
      tpu.yield
    }) : () -> ()
    return
  }
}

module attributes {stable_mosaic.version = 14 : i64} {
  func.func @body(%arg0: i32, %arg1: memref<10000x128xf32, #tpu.memory_space<vmem>>, %arg2: memref<2x10000x128xf32, #tpu.memory_space<vmem>>, %arg3: memref<128x128xf32, #tpu.memory_space<vmem>>, %arg4: memref<1x128xf32, #tpu.memory_space<vmem>>, %arg5: memref<128x128xf32, #tpu.memory_space<vmem>>, %arg6: memref<1x128xf32, #tpu.memory_space<vmem>>, %arg7: memref<10000x128xf32, #tpu.memory_space<vmem>>) attributes {dimension_semantics = [#tpu.dimension_semantics<arbitrary>], iteration_bounds = array<i64: 1>, scalar_prefetch = 0 : i64, scratch_operands = 0 : i64, tpu.core_type = #tpu.core_type<tc>, window_params = [{transform_indices = @transform_0, window_bounds = array<i64: 10000, 128>}, {transform_indices = @transform_1, window_bounds = array<i64: 2, 10000, 128>}, {pipeline_mode = #tpu.pipeline_mode<synchronous>, transform_indices = @transform_2, window_bounds = array<i64: 128, 128>}, {pipeline_mode = #tpu.pipeline_mode<synchronous>, transform_indices = @transform_3, window_bounds = array<i64: 1, 128>}, {pipeline_mode = #tpu.pipeline_mode<synchronous>, transform_indices = @transform_4, window_bounds = array<i64: 128, 128>}, {pipeline_mode = #tpu.pipeline_mode<synchronous>, transform_indices = @transform_5, window_bounds = array<i64: 1, 128>}, {transform_indices = @transform_6, window_bounds = array<i64: 10000, 128>}]} {
    %get3A = arith.constant 0 : index
    %get3A_0 = arith.constant 0 : index
    %get3A_1 = vector.load %arg1[%get3A, %get3A_0] : memref<10000x128xf32, #tpu.memory_space<vmem>>, vector<10000x128xf32>
    %get3A_2 = arith.constant 0 : index
    %get3A_3 = arith.constant 0 : index
    %get3A_4 = arith.constant 0 : index
    %get3A_5 = vector.load %arg2[%get3A_2, %get3A_3, %get3A_4] : memref<2x10000x128xf32, #tpu.memory_space<vmem>>, vector<1x10000x128xf32>
    %get3A_6 = vector.shape_cast %get3A_5 : vector<1x10000x128xf32> to vector<10000x128xf32>
    %add3A = arith.addf %get3A_1, %get3A_6 : vector<10000x128xf32>
    %get3A_7 = arith.constant 1 : index
    %get3A_8 = arith.constant 0 : index
    %get3A_9 = arith.constant 0 : index
    %get3A_10 = vector.load %arg2[%get3A_7, %get3A_8, %get3A_9] : memref<2x10000x128xf32, #tpu.memory_space<vmem>>, vector<1x10000x128xf32>
    %get3A_11 = vector.shape_cast %get3A_10 : vector<1x10000x128xf32> to vector<10000x128xf32>
    %add3A_12 = arith.addf %add3A, %get3A_11 : vector<10000x128xf32>
    %get3A_13 = arith.constant 0 : index
    %get3A_14 = arith.constant 0 : index
    %get3A_15 = vector.load %arg3[%get3A_13, %get3A_14] : memref<128x128xf32, #tpu.memory_space<vmem>>, vector<128x128xf32>
    %dot_general3A = arith.constant dense<0.000000e+00> : vector<10000x128xf32>
    %dot_general3A_16 = tpu.matmul %add3A_12, %get3A_15, %dot_general3A {dimension_numbers = #tpu.dot_dimension_numbers<[1], [0], [0], [1], [0, 0, 1, 1], [], []>, transpose_lhs_hint = false} : vector<10000x128xf32>, vector<128x128xf32>, vector<10000x128xf32> -> vector<10000x128xf32>
    %get3A_17 = arith.constant 0 : index
    %get3A_18 = arith.constant 0 : index
    %get3A_19 = vector.load %arg4[%get3A_17, %get3A_18] : memref<1x128xf32, #tpu.memory_space<vmem>>, vector<1x128xf32>
    %add3A_20 = vector.broadcast %get3A_19 : vector<1x128xf32> to vector<10000x128xf32>
    %add3A_21 = arith.addf %dot_general3A_16, %add3A_20 : vector<10000x128xf32>
    %max3A = arith.constant 0.000000e+00 : f32
    %max3A_22 = vector.broadcast %max3A : f32 to vector<10000x128xf32>
    %max3A_23 = arith.maximumf %add3A_21, %max3A_22 : vector<10000x128xf32>
    %get3A_24 = arith.constant 0 : index
    %get3A_25 = arith.constant 0 : index
    %get3A_26 = vector.load %arg5[%get3A_24, %get3A_25] : memref<128x128xf32, #tpu.memory_space<vmem>>, vector<128x128xf32>
    %dot_general3A_27 = arith.constant dense<0.000000e+00> : vector<10000x128xf32>
    %dot_general3A_28 = tpu.matmul %max3A_23, %get3A_26, %dot_general3A_27 {dimension_numbers = #tpu.dot_dimension_numbers<[1], [0], [0], [1], [0, 0, 1, 1], [], []>, transpose_lhs_hint = false} : vector<10000x128xf32>, vector<128x128xf32>, vector<10000x128xf32> -> vector<10000x128xf32>
    %get3A_29 = arith.constant 0 : index
    %get3A_30 = arith.constant 0 : index
    %get3A_31 = vector.load %arg6[%get3A_29, %get3A_30] : memref<1x128xf32, #tpu.memory_space<vmem>>, vector<1x128xf32>
    %add3A_32 = vector.broadcast %get3A_31 : vector<1x128xf32> to vector<10000x128xf32>
    %add3A_33 = arith.addf %dot_general3A_28, %add3A_32 : vector<10000x128xf32>
    %max3A_34 = arith.constant 0.000000e+00 : f32
    %max3A_35 = vector.broadcast %max3A_34 : f32 to vector<10000x128xf32>
    %max3A_36 = arith.maximumf %add3A_33, %max3A_35 : vector<10000x128xf32>
    %swap3A = arith.constant 0 : index
    %swap3A_37 = arith.constant 0 : index
    %swap3A_38 = vector.load %arg7[%swap3A, %swap3A_37] : memref<10000x128xf32, #tpu.memory_space<vmem>>, vector<10000x128xf32>
    tpu.vector_store %arg7[%swap3A, %swap3A_37], %max3A_36 {strides = array<i32>} : memref<10000x128xf32, #tpu.memory_space<vmem>>, vector<10000x128xf32>,
    return
  }
  func.func @transform_0(%arg0: i32) -> (i32, i32) {
    %c0_i32 = arith.constant 0 : i32
    %c0_i32_0 = arith.constant 0 : i32
    return %arg0, %c0_i32 : i32, i32
  }
  func.func @transform_1(%arg0: i32) -> (i32, i32, i32) {
    %c0_i32 = arith.constant 0 : i32
    %c0_i32_0 = arith.constant 0 : i32
    %c0_i32_1 = arith.constant 0 : i32
    return %c0_i32, %arg0, %c0_i32_0 : i32, i32, i32
  }
  func.func @transform_2(%arg0: i32) -> (i32, i32) {
    %c0_i32 = arith.constant 0 : i32
    %c0_i32_0 = arith.constant 0 : i32
    %c0_i32_1 = arith.constant 0 : i32
    return %c0_i32, %c0_i32_0 : i32, i32
  }
  func.func @transform_3(%arg0: i32) -> (i32, i32) {
    %c0_i32 = arith.constant 0 : i32
    %c0_i32_0 = arith.constant 0 : i32
    %c0_i32_1 = arith.constant 0 : i32
    return %c0_i32, %c0_i32_0 : i32, i32
  }
  func.func @transform_4(%arg0: i32) -> (i32, i32) {
    %c0_i32 = arith.constant 0 : i32
    %c0_i32_0 = arith.constant 0 : i32
    %c0_i32_1 = arith.constant 0 : i32
    return %c0_i32, %c0_i32_0 : i32, i32
  }
  func.func @transform_5(%arg0: i32) -> (i32, i32) {
    %c0_i32 = arith.constant 0 : i32
    %c0_i32_0 = arith.constant 0 : i32
    %c0_i32_1 = arith.constant 0 : i32
    return %c0_i32, %c0_i32_0 : i32, i32
  }
  func.func @transform_6(%arg0: i32) -> (i32, i32) {
    %c0_i32 = arith.constant 0 : i32
    %c0_i32_0 = arith.constant 0 : i32
    return %arg0, %c0_i32 : i32, i32
  }
}

module attributes {stable_mosaic.version = 14 : i64} {
  func.func @body(%arg0: i32, %arg1: memref<10000x128xf32, #tpu.memory_space<vmem>>, %arg2: memref<2x10000x128xf32, #tpu.memory_space<vmem>>, %arg3: memref<128x128xf32, #tpu.memory_space<vmem>>, %arg4: memref<1x128xf32, #tpu.memory_space<vmem>>, %arg5: memref<128x128xf32, #tpu.memory_space<vmem>>, %arg6: memref<1x128xf32, #tpu.memory_space<vmem>>, %arg7: memref<10000x128xf32, #tpu.memory_space<vmem>>) attributes {dimension_semantics = [#tpu.dimension_semantics<arbitrary>], iteration_bounds = array<i64: 1>, scalar_prefetch = 0 : i64, scratch_operands = 0 : i64, tpu.core_type = #tpu.core_type<tc>, window_params = [{transform_indices = @transform_0, window_bounds = array<i64: 10000, 128>}, {transform_indices = @transform_1, window_bounds = array<i64: 2, 10000, 128>}, {pipeline_mode = #tpu.pipeline_mode<synchronous>, transform_indices = @transform_2, window_bounds = array<i64: 128, 128>}, {pipeline_mode = #tpu.pipeline_mode<synchronous>, transform_indices = @transform_3, window_bounds = array<i64: 1, 128>}, {pipeline_mode = #tpu.pipeline_mode<synchronous>, transform_indices = @transform_4, window_bounds = array<i64: 128, 128>}, {pipeline_mode = #tpu.pipeline_mode<synchronous>, transform_indices = @transform_5, window_bounds = array<i64: 1, 128>}, {transform_indices = @transform_6, window_bounds = array<i64: 10000, 128>}]} {
    %get3A = arith.constant 0 : index
    %get3A_0 = arith.constant 0 : index
    %get3A_1 = vector.load %arg1[%get3A, %get3A_0] : memref<10000x128xf32, #tpu.memory_space<vmem>>, vector<10000x128xf32>
    %get3A_2 = arith.constant 0 : index
    %get3A_3 = arith.constant 0 : index
    %get3A_4 = arith.constant 0 : index
    %get3A_5 = vector.load %arg2[%get3A_2, %get3A_3, %get3A_4] : memref<2x10000x128xf32, #tpu.memory_space<vmem>>, vector<1x10000x128xf32>
    %get3A_6 = vector.shape_cast %get3A_5 : vector<1x10000x128xf32> to vector<10000x128xf32>
    %add3A = arith.addf %get3A_1, %get3A_6 : vector<10000x128xf32>
    %get3A_7 = arith.constant 1 : index
    %get3A_8 = arith.constant 0 : index
    %get3A_9 = arith.constant 0 : index
    %get3A_10 = vector.load %arg2[%get3A_7, %get3A_8, %get3A_9] : memref<2x10000x128xf32, #tpu.memory_space<vmem>>, vector<1x10000x128xf32>
    %get3A_11 = vector.shape_cast %get3A_10 : vector<1x10000x128xf32> to vector<10000x128xf32>
    %add3A_12 = arith.addf %add3A, %get3A_11 : vector<10000x128xf32>
    %get3A_13 = arith.constant 0 : index
    %get3A_14 = arith.constant 0 : index
    %get3A_15 = vector.load %arg3[%get3A_13, %get3A_14] : memref<128x128xf32, #tpu.memory_space<vmem>>, vector<128x128xf32>
    %dot_general3A = arith.constant dense<0.000000e+00> : vector<10000x128xf32>
    %dot_general3A_16 = tpu.matmul %add3A_12, %get3A_15, %dot_general3A {dimension_numbers = #tpu.dot_dimension_numbers<[1], [0], [0], [1], [0, 0, 1, 1], [], []>, transpose_lhs_hint = false} : vector<10000x128xf32>, vector<128x128xf32>, vector<10000x128xf32> -> vector<10000x128xf32>
    %get3A_17 = arith.constant 0 : index
    %get3A_18 = arith.constant 0 : index
    %get3A_19 = vector.load %arg4[%get3A_17, %get3A_18] : memref<1x128xf32, #tpu.memory_space<vmem>>, vector<1x128xf32>
    %add3A_20 = vector.broadcast %get3A_19 : vector<1x128xf32> to vector<10000x128xf32>
    %add3A_21 = arith.addf %dot_general3A_16, %add3A_20 : vector<10000x128xf32>
    %max3A = arith.constant 0.000000e+00 : f32
    %max3A_22 = vector.broadcast %max3A : f32 to vector<10000x128xf32>
    %max3A_23 = arith.maximumf %add3A_21, %max3A_22 : vector<10000x128xf32>
    %get3A_24 = arith.constant 0 : index
    %get3A_25 = arith.constant 0 : index
    %get3A_26 = vector.load %arg5[%get3A_24, %get3A_25] : memref<128x128xf32, #tpu.memory_space<vmem>>, vector<128x128xf32>
    %dot_general3A_27 = arith.constant dense<0.000000e+00> : vector<10000x128xf32>
    %dot_general3A_28 = tpu.matmul %max3A_23, %get3A_26, %dot_general3A_27 {dimension_numbers = #tpu.dot_dimension_numbers<[1], [0], [0], [1], [0, 0, 1, 1], [], []>, transpose_lhs_hint = false} : vector<10000x128xf32>, vector<128x128xf32>, vector<10000x128xf32> -> vector<10000x128xf32>
    %get3A_29 = arith.constant 0 : index
    %get3A_30 = arith.constant 0 : index
    %get3A_31 = vector.load %arg6[%get3A_29, %get3A_30] : memref<1x128xf32, #tpu.memory_space<vmem>>, vector<1x128xf32>
    %add3A_32 = vector.broadcast %get3A_31 : vector<1x128xf32> to vector<10000x128xf32>
    %add3A_33 = arith.addf %dot_general3A_28, %add3A_32 : vector<10000x128xf32>
    %swap3A = arith.constant 0 : index
    %swap3A_34 = arith.constant 0 : index
    %swap3A_35 = vector.load %arg7[%swap3A, %swap3A_34] : memref<10000x128xf32, #tpu.memory_space<vmem>>, vector<10000x128xf32>
    tpu.vector_store %arg7[%swap3A, %swap3A_34], %add3A_33 {strides = array<i32>} : memref<10000x128xf32, #tpu.memory_space<vmem>>, vector<10000x128xf32>,
    return
  }
  func.func @transform_0(%arg0: i32) -> (i32, i32) {
    %c0_i32 = arith.constant 0 : i32
    %c0_i32_0 = arith.constant 0 : i32
    return %arg0, %c0_i32 : i32, i32
  }
  func.func @transform_1(%arg0: i32) -> (i32, i32, i32) {
    %c0_i32 = arith.constant 0 : i32
    %c0_i32_0 = arith.constant 0 : i32
    %c0_i32_1 = arith.constant 0 : i32
    return %c0_i32, %arg0, %c0_i32_0 : i32, i32, i32
  }
  func.func @transform_2(%arg0: i32) -> (i32, i32) {
    %c0_i32 = arith.constant 0 : i32
    %c0_i32_0 = arith.constant 0 : i32
    %c0_i32_1 = arith.constant 0 : i32
    return %c0_i32, %c0_i32_0 : i32, i32
  }
  func.func @transform_3(%arg0: i32) -> (i32, i32) {
    %c0_i32 = arith.constant 0 : i32
    %c0_i32_0 = arith.constant 0 : i32
    %c0_i32_1 = arith.constant 0 : i32
    return %c0_i32, %c0_i32_0 : i32, i32
  }
  func.func @transform_4(%arg0: i32) -> (i32, i32) {
    %c0_i32 = arith.constant 0 : i32
    %c0_i32_0 = arith.constant 0 : i32
    %c0_i32_1 = arith.constant 0 : i32
    return %c0_i32, %c0_i32_0 : i32, i32
  }
  func.func @transform_5(%arg0: i32) -> (i32, i32) {
    %c0_i32 = arith.constant 0 : i32
    %c0_i32_0 = arith.constant 0 : i32
    %c0_i32_1 = arith.constant 0 : i32
    return %c0_i32, %c0_i32_0 : i32, i32
  }
  func.func @transform_6(%arg0: i32) -> (i32, i32) {
    %c0_i32 = arith.constant 0 : i32
    %c0_i32_0 = arith.constant 0 : i32
    return %arg0, %c0_i32 : i32, i32
  }
}

</mosaic_0001>

<sc_bundles>
// kernel: kernel.6.cloned.1.call-start
scs
__scs_entry_jumppad:
0x0: {  	(pc) =	sbr.rel $0x88, $3  }
0x1: {  	(tag) =	ssettag $0x0;
	lr =	simm.s32 $0x1  }
0x2: {  	[smem:$0x3F9B] =	sst lr;
	_ =	strace $0xD0000000  }
0x3: {  	_ = 	snop  }
0x4: {  	_ = 	snop  }
0x5: {  	_ = 	snop  }
0x6: {  	_ = 	snop  }
0x7: {  	_ = 	snop  }
__scs_overlays_trampoline_lowered:
0x8: {  	[smem:$0x3FAA] =	sst s0  }
0x9: {  	[smem:$0x3FAB] =	sst s1  }
0xa: {  	[smem:$0x3FAC] =	sst s2  }
0xb: {  	[smem:$0x3FAD] =	sst s3  }
0xc: {  	[smem:$0x3FAE] =	sst s4  }
0xd: {  	[smem:$0x3FAF] =	sst s5  }
0xe: {  	[smem:$0x3FB0] =	sst s6  }
0xf: {  	[smem:$0x3FB1] =	sst s7  }
0x10: {  	[smem:$0x3FB2] =	sst s8  }
0x11: {  	[smem:$0x3FB3] =	sst s9;
	s0 =	simm.s32 @!p0 $0x0  }
0x12: {  	s1 =	sld [smem:$0x3F99];
	s0 =	simm.s32 @p0 $0x1  }
0x13: {  	[smem:$0x3FB4] =	sst s0;
	s0 =	simm.s32 @!p1 $0x0  }
0x14: {  	s2 =	sld [smem:$0x3F98];
	s0 =	simm.s32 @p1 $0x1  }
0x15: {  	[smem:$0x3FB5] =	sst s0;
	s0 =	simm.s32 @!p2 $0x0  }
0x16: {  	s3 =	sld [smem:$0x3FDB];
	s0 =	simm.s32 @p2 $0x1  }
0x17: {  	s4 =	simm.s32 $0x1BF5;
	[smem:$0x3FB7] =	sst s0  }
0x18: {  	s0 =	sld [smem:$0x3F9A];
	_ =	swait.ge [sflag:s4], $0x0  }
0x19: {  	s7 =	sld [smem:$0x3F9B]  }
0x1a: {  	s8 =	sadd.s32 $0xFFFFE003, lr  }
0x1b: {  	s9 =	sadd.s32 $0xFFFFFEF7, lr;
	s5 =	simm.s32 $0xFFFFFFFF;
	p2 =	slt.u32 s8, $0xFFFFF086  }
0x1c: {  	p1 =	slt.u32 s9, $0xF7A;
	s5 =	simm.s32 @!p2 $0x0  }
0x1d: {  	s5 =	simm.s32 @p1 $0x1;
	p0 =	seq.s32 s7, s2  }
0x1e: {  	s7 =	smul.u32 @!p0 $0xF7A, s2;
	p2 =	seq.s32 @!p0 s5, $0x0  }
0x1f: {  	s9 =	smul.u32 $0xF7A, s1;
	s8 =	simm.s32 @!p0 $0x1BF5;
	p2 =	por !p2, p0  }
0x20: {  	[sflag:s8] =	ssyncset.s32 @!p0 $0xFFFFF086;
	s6 =	sadd.s32 @!p0 s3, s7;
	s7 =	simm.s32 @!p0 $0x108  }
0x21: {  	s3 =	sadd.s32 s3, s9;
	s6 =	sadd.s32 @!p0 $0x88, s6;
	s7 =	simm.s32 @p2 $0x1082  }
0x22: {  	[simem:s7], [sflag:s8] =	dma.local @!p0 [hbm:s6], $0xF7A  }
0x23: {  	s9 =	sor.u32 $0xD0000000, s2;
	s6 =	simm.s32 $0x108;
	_ =	swait.ge @!p0 [sflag:s8], $0x0  }
0x24: {  	s3 =	sadd.s32 $0x88, s3;
	s6 =	simm.s32 @!p1 $0x1082;
	[sflag:s4] =	ssyncset.s32 $0xFFFFF086  }
0x25: {  	[simem:s6], [sflag:s4] =	dma.local [hbm:s3], $0xF7A  }
0x26: {  	[smem:$0x3F9B] =	sst s1;
	(tag) =	ssettag s2;
	_ =	strace s9  }
0x27: {  	s1 =	sld [smem:$0x3FAB]  }
0x28: {  	s2 =	sld [smem:$0x3FAC]  }
0x29: {  	s4 =	sld [smem:$0x3FAE]  }
0x2a: {  	p0 =	seq.s32 s5, $0x0;
	s5 =	sld [smem:$0x3FAF]  }
0x2b: {  	s6 =	sld [smem:$0x3FB0]  }
0x2c: {  	s7 =	sld [smem:$0x3FB1]  }
0x2d: {  	s3 =	simm.s32 $0x108;
	s8 =	sld [smem:$0x3FB2]  }
0x2e: {  	s3 =	simm.s32 @!p0 $0x1082;
	s9 =	sld [smem:$0x3FB3]  }
0x2f: {  	lr =	sadd.s32 s0, s3;
	s0 =	sld [smem:$0x3FAA]  }
0x30: {  	s3 =	sld [smem:$0x3FAD]  }
0x31: {  	[smem:$0x3FB6] =	sst s10  }
0x32: {  	s10 =	sld [smem:$0x3FB4];
	_ =	sdelay $0x3  }
0x33: {  	p0 =	seq.s32 s10, $0x1;
	s10 =	sld [smem:$0x3FB6];
	_ =	sdelay $0x3  }
0x34: {  	[smem:$0x3FB6] =	sst s10  }
0x35: {  	s10 =	sld [smem:$0x3FB5];
	_ =	sdelay $0x3  }
0x36: {  	p1 =	seq.s32 s10, $0x1;
	s10 =	sld [smem:$0x3FB6];
	_ =	sdelay $0x3  }
0x37: {  	[smem:$0x3FB6] =	sst s10  }
0x38: {  	s10 =	sld [smem:$0x3FB7]  }
0x39: {  	_ = 	snop;
	(pc) =	sbr.ind lr, $3  }
0x3a: {  	_ = 	snop  }
0x3b: {  	_ = 	snop  }
0x3c: {  	p2 =	seq.s32 s10, $0x1;
	s10 =	sld [smem:$0x3FB6]  }
0x3d: {  	_ =	shalt  }
0x3e: {  	_ =	shalt  }
0x3f: {  	_ =	shalt  }
0x40: {  	_ =	shalt  }
0x41: {  	_ =	shalt  }
0x42: {  	_ =	shalt  }
0x43: {  	_ =	shalt  }
0x44: {  	_ =	shalt  }
0x45: {  	_ =	shalt  }
0x46: {  	_ =	shalt  }
0x47: {  	_ =	shalt  }
0x48: {  	_ =	shalt  }
0x49: {  	_ =	shalt  }
0x4a: {  	_ =	shalt  }
0x4b: {  	_ =	shalt  }
0x4c: {  	_ =	shalt  }
0x4d: {  	_ =	shalt  }
0x4e: {  	_ =	shalt  }
0x4f: {  	_ =	shalt  }
0x50: {  	_ =	shalt  }
0x51: {  	_ =	shalt  }
0x52: {  	_ =	shalt  }
0x53: {  	_ =	shalt  }
0x54: {  	_ =	shalt  }
0x55: {  	_ =	shalt  }
0x56: {  	_ =	shalt  }
0x57: {  	_ =	shalt  }
0x58: {  	_ =	shalt  }
0x59: {  	_ =	shalt  }
0x5a: {  	_ =	shalt  }
0x5b: {  	_ =	shalt  }
0x5c: {  	_ =	shalt  }
0x5d: {  	_ =	shalt  }
0x5e: {  	_ =	shalt  }
0x5f: {  	_ =	shalt  }
0x60: {  	_ =	shalt  }
0x61: {  	_ =	shalt  }
0x62: {  	_ =	shalt  }
0x63: {  	_ =	shalt  }
0x64: {  	_ =	shalt  }
0x65: {  	_ =	shalt  }
0x66: {  	_ =	shalt  }
0x67: {  	_ =	shalt  }
0x68: {  	_ =	shalt  }
0x69: {  	_ =	shalt  }
0x6a: {  	_ =	shalt  }
0x6b: {  	_ =	shalt  }
0x6c: {  	_ =	shalt  }
0x6d: {  	_ =	shalt  }
0x6e: {  	_ =	shalt  }
0x6f: {  	_ =	shalt  }
0x70: {  	_ =	shalt  }
0x71: {  	_ =	shalt  }
0x72: {  	_ =	shalt  }
0x73: {  	_ =	shalt  }
0x74: {  	_ =	shalt  }
0x75: {  	_ =	shalt  }
0x76: {  	_ =	shalt  }
0x77: {  	_ =	shalt  }
0x78: {  	_ =	shalt  }
0x79: {  	_ =	shalt  }
0x7a: {  	_ =	shalt  }
0x7b: {  	_ =	shalt  }
0x7c: {  	_ =	shalt  }
0x7d: {  	_ =	shalt  }
0x7e: {  	_ =	shalt  }
0x7f: {  	_ =	shalt  }
0x80: {  	_ =	shalt  }
0x81: {  	_ =	shalt  }
0x82: {  	_ =	shalt  }
0x83: {  	_ =	shalt  }
0x84: {  	_ =	shalt  }
0x85: {  	_ =	shalt  }
0x86: {  	_ =	shalt  }
0x87: {  	_ =	shalt  }
.Lfunc_end0:
.L_simem_size_0:
called_computation_lowered:
.L_overlay_start_0:
0x88: {  	s2 =	sld [smem:$0x3FD9]  }
0x89: {  	s3 =	sld [smem:$0x3FFE];
	_ =	sdelay $0x1  }
0x8a: {  	s1 =	srdreg.scid  }
0x8b: {  	s0 =	sand.u32 $0x1, s1  }
0x8c: {  	s17 =	sshll.u32 s0, $0xA;
	s2 =	sadd.s32 s3, s2  }
0x8d: {  	s2 =	sadd.s32 s2, s17  }
0x8e: {  	[smem:$0x3FC2] =	sst s2  }
0x8f: {  	_ = 	snop  }
0x90: {  	s2 =	sld [smem:$0x3FC9];
	(tm) =	ssettm $0x1  }
0x91: {  	s18 =	sld [smem:$0x3FFB];
	_ =	sdelay $0x3  }
0x92: {  	_ =	strace s18  }
0x93: {  	s3 =	sld [smem:$0x3FFC];
	_ =	sdelay $0x3  }
0x94: {  	_ =	strace s3  }
0x95: {  	s3 =	sld [smem:$0x3FFD];
	_ =	sdelay $0x3  }
0x96: {  	_ =	strace s3  }
0x97: {  	_ =	strace $0x8FFFFFFF  }
0x98: {  	s19 =	sld [smem:$0x3FDB];
	_ =	sdelay $0x1  }
0x99: {  	s4 =	simm.s32 $_scs_section_size  }
0x9a: {  	s5 =	simm.s32 $_size__tile_overlayer_lowered;
	s6 =	simm.s32 $_tile_overlayer_lowered  }
0x9b: {  	s22 =	simm.s32 $0x1BFF;
	s21 =	sshll.u32 s6, $0x1;
	s3 =	sadd.s32 s4, s19  }
0x9c: {  	s7 =	simm.s32 $0x0;
	s20 =	sshll.u32 s5, $0x1;
	s5 =	sadd.s32 s21, s3  }
0x9d: {  	[timem:s7], [sflag:s22] =	dma.local [hbm:s5], s20  }
0x9e: {  	_ =	swait.ge [sflag:s22], s20  }
0x9f: {  	s4 =	ssub.s32 $0x0, s20;
	[sflag:s22] =	ssyncset.done $0x0  }
0xa0: {  	[sflag:s22] =	ssyncadd.s32 s4;
	_ =	sdelay $0x1  }
0xa1: {  	s23 =	simm.s32 $0x1B8B  }
0xa2: {  	_ =	swait.ge [sflag:s23], $0x1  }
0xa3: {  	[sflag:s23] =	ssyncset.done $0x0  }
0xa4: {  	s25 =	simm.s32 $0x1B8E;
	s24 =	sld [smem:$0x3FFE];
	[sflag:s23] =	ssyncadd.s32 $0xFFFFFFFF  }
0xa5: {  	s26 =	simm.s32 $execute0_lowered;
	[smem:$0x3FD2] =	sst s25  }
0xa6: {  	s5 =	sshll.u32 s26, $0x1;
	_ =	strace $0x80000046;
	[dreg:$0x1] =	wrdreg $0xFFFFFFFF  }
0xa7: {  	s28 =	simm.s32 $_size_execute0_lowered;
	s3 =	sadd.s32 s3, s5;
	[dreg:$0x0] =	wrdreg $0x0  }
0xa8: {  	s5 =	sshll.u32 s28, $0x1;
	[dreg:$0x2] =	wrdreg s3  }
0xa9: {  	[dreg:$0x3] =	wrdreg s5  }
0xaa: {  	[dreg:$0x4] =	wrdreg $0xC0  }
0xab: {  	_ =	task [dreg:s7], $0x5FFFF  }
0xac: {  	[dreg:$0x1] =	wrdreg $0xFFFFFFFF  }
0xad: {  	[dreg:$0x0] =	wrdreg $0x60  }
0xae: {  	[dreg:$0x2] =	wrdreg s2  }
0xaf: {  	[dreg:$0x3] =	wrdreg s24  }
0xb0: {  	[dreg:$0x4] =	wrdreg $0xA8000  }
0xb1: {  	[dreg:$0x5] =	wrdreg $0x9  }
0xb2: {  	_ =	task.clear_ibuf [dreg:s7], $0x6FFFF;
	_ =	strace $0x90000046  }
0xb3: {  	s29 =	simm.s32 $0x9;
	_ =	strace $0x80000048  }
0xb4: {  	_ =	swait.ge [sflag:s29], $0x1  }
0xb5: {  	[sflag:s29] =	ssyncadd.s32 $0xFFFFFFFF  }
0xb6: {  	_ =	strace $0x90000048  }
0xb7: {  	_ =	sfence  }
0xb8: {  	s30 =	sld [smem:$0x0];
	_ =	sdelay $0x2  }
0xb9: {  	s31 =	sshll.u32 s1, $0xD;
	s1 =	sshrl.u32 s1, $0x2  }
0xba: {  	s3 =	sand.u32 $0x4000, s31;
	s1 =	sadd.s32 s1, s30  }
0xbb: {  	s0 =	sor.u32 s3, s0;
	s1 =	sshll.u32 s1, $0x11  }
0xbc: {  	s0 =	sor.u32 s1, s0  }
0xbd: {  	s0 =	sadd.s32 $0x8F2B, s0  }
0xbe: {  	[sflag:s0] =	ssyncadd.remote.s32 $0x1  }
0xbf: {  	_ =	sfence.sel $0xFFFF  }
0xc0: {  	[dreg:$0x0] =	wrdreg $0xFFFFFFFF;
	(pc) =	sbr.abs _section_cstart, $3  }
0xc1: {  	[dreg:$0x1] =	wrdreg $0xFFFFFFFF  }
0xc2: {  	_ =	task.clear_ibuf [dreg:s7], $0x2FFFF;
	_ =	strace $0x9FFFFFFF  }
0xc3: {  	(tm) =	ssettm $0x7FFFFFFF  }
tec
execute0_lowered:
.L_overlay_start_1:
0x0: {  	(tag) =	ssettag $0x1  }
0x1: {  	s1 =	rddreg [dreg:$0x0]  }
0x2: {  	s0 =	rddreg [dreg:$0x1]  }
0x3: {  	s2 =	rddreg [dreg:$0x2];
	s3 =	srdreg.scid  }
0x4: {  	s4 =	simm.s32 $0x0;
	s8 =	stileid.u32;
	s16 =	simm.s32 $0x2800  }
0x5: {  	s17 =	simm.s32 $0x5;
	s18 =	simm.s32 $0x1400;
	s19 =	simm.s32 $0x80  }
0x6: {  	s28 =	simm.s32 $0x8800;
	s29 =	simm.s32 $0x2700;
	s30 =	simm.s32 $0x2740  }
0x7: {  	s31 =	simm.s32 $0x2780;
	s3 =	sand.u32 $0x1, s3;
	s6 =	smul.u32 $0x13C00, s8  }
0x8: {  	[smem:$0x7FF] =	sst s4;
	s12 =	sadd.s32 $0x1A00, s0;
	s20 =	smul.u32 $0x4F000, s8  }
0x9: {  	s13 =	sadd.s32 $0xBA00, s0;
	s21 =	sshll.u32 s8, $0x1;
	s5 =	smul.u32 $0x13C000, s3  }
0xa: {  	_ =	strace $0x80000047;
	s22 =	ssub.s32 $0x2, s3;
	s3 =	sor.u32 s3, s21  }
0xb: {  	s21 =	simm.s32 $0x1;
	s23 =	sshrl.u32 s20, $0x2;
	s24 =	sshrl.u32 s22, $0x1  }
0xc: {  	s3 =	smul.u32 $0x2800, s3;
	s20 =	simm.s32 $0x6800;
	s5 =	sadd.s32 s6, s5  }
0xd: {  	s6 =	ssub.s32 s22, s24;
	s22 =	simm.s32 $0x40;
	s24 =	simm.s32 $0x3  }
0xe: {  	s7 =	sshrl.u32 s5, $0x3;
	s5 =	sadd.s32 s23, s2;
	s3 =	sshrl.u32 s3, $0x3  }
0xf: {  	s15 =	smax.u32 s6, $0x1;
	s23 =	simm.s32 $0x4800;
	s0 =	sadd.s32 s7, s0  }
0x10: {  	s25 =	sadd.s32 $0x4000, s5;
	s26 =	sadd.s32 $0x8000, s5;
	s8 =	sadd.s32 $0xC000, s5  }
0x11: {  	s9 =	sadd.s32 $0x10000, s5;
	s10 =	sadd.s32 s12, s3;
	[dreg:$0x4] =	wrdreg s25  }
0x12: {  	s14 =	sadd.s32 $0x280, s3;
	s11 =	sadd.s32 s13, s3;
	[dreg:$0x5] =	wrdreg s26  }
0x13: {  	s12 =	sadd.s32 s12, s14;
	s13 =	sadd.s32 s13, s14;
	s14 =	sadd.s32 $0x15A00, s0  }
0x14: {  	v0 =	vimm.f32 $0.0e+00;
	s25 =	simm.s32 $0x4;
	s26 =	simm.s32 $0x2;
	s0 =	simm.s32 $0x27C0  }
.LBB2_1:
0x15: {  	s3 =	simm.s32 $0x0;
	s6 =	simm.s32 $0x200  }
.LBB2_2:
0x16: {  	p0 =	sne.s32 s6, $0xFE00;
	[tilespmem:s3+$0x2870] =	vst v0  }
0x17: {  	[tilespmem:s3+$0x2800] =	vst v0  }
0x18: {  	[tilespmem:s3+$0x2810] =	vst v0  }
.Ltmp0:
0x19: {  	[tilespmem:s3+$0x2820] =	vst v0;
	(pc) =	sbr.rel @p0 .LBB2_2-.Ltmp0, $4  }
0x1a: {  	[tilespmem:s3+$0x2830] =	vst v0  }
0x1b: {  	[tilespmem:s3+$0x2840] =	vst v0  }
0x1c: {  	[tilespmem:s3+$0x2850] =	vst v0  }
0x1d: {  	[tilespmem:s3+$0x2860] =	vst v0;
	s3 =	sshra.s32 s6, $0x2;
	s6 =	sadd.s32 $0x200, s6  }
0x1e: {  	[tilespmem:s3+$0x2870] =	vst v0  }
0x1f: {  	[tilespmem:s3+$0x2800] =	vst v0  }
0x20: {  	[tilespmem:s3+$0x2810] =	vst v0  }
0x21: {  	[tilespmem:s3+$0x2820] =	vst v0  }
0x22: {  	[tilespmem:s3+$0x2830] =	vst v0  }
0x23: {  	[tilespmem:s3+$0x2840] =	vst v0  }
0x24: {  	[tilespmem:s3+$0x2850] =	vst v0  }
0x25: {  	[tilespmem:s3+$0x2860] =	vst v0  }
0x26: {  	[spmem:s5] =	stream.linear.scatter [tilespmem:s16], [sflag:$0x5], $0x4000, $0x38;
	[tilespmem:$0x1E400] =	vst v63  }
0x27: {  	_ =	swait.ge [sflag:s17], $0x4000  }
0x28: {  	[sflag:s17] =	ssyncset.done $0x0  }
0x29: {  	s6 =	rddreg [dreg:$0x4];
	[sflag:s17] =	ssyncadd.s32 $0xFFFFC000  }
0x2a: {  	[spmem:s6] =	stream.linear.scatter [tilespmem:s16], [sflag:$0x5], $0x4000, $0x38;
	[tilespmem:$0x1E400] =	vst v63  }
0x2b: {  	_ =	swait.ge [sflag:s17], $0x4000  }
0x2c: {  	[sflag:s17] =	ssyncset.done $0x0  }
0x2d: {  	s7 =	rddreg [dreg:$0x5];
	[sflag:s17] =	ssyncadd.s32 $0xFFFFC000  }
0x2e: {  	[spmem:s7] =	stream.linear.scatter [tilespmem:s16], [sflag:$0x5], $0x4000, $0x38;
	[tilespmem:$0x1E400] =	vst v63  }
0x2f: {  	_ =	swait.ge [sflag:s17], $0x4000  }
0x30: {  	[sflag:s17] =	ssyncset.done $0x0  }
0x31: {  	[sflag:s17] =	ssyncadd.s32 $0xFFFFC000  }
0x32: {  	[spmem:s8] =	stream.linear.scatter [tilespmem:s16], [sflag:$0x5], $0x4000, $0x38;
	[tilespmem:$0x1E400] =	vst v63  }
0x33: {  	_ =	swait.ge [sflag:s17], $0x4000  }
0x34: {  	[sflag:s17] =	ssyncset.done $0x0  }
0x35: {  	[sflag:s17] =	ssyncadd.s32 $0xFFFFC000  }
0x36: {  	[spmem:s9] =	stream.linear.scatter [tilespmem:s16], [sflag:$0x5], $0x3C00, $0x38;
	[tilespmem:$0x1E400] =	vst v63  }
0x37: {  	_ =	swait.ge [sflag:s17], $0x3C00  }
0x38: {  	[sflag:s17] =	ssyncset.done $0x0  }
0x39: {  	[sflag:s17] =	ssyncadd.s32 $0xFFFFC400  }
0x3a: {  	s6 =	simm.s32 $0x0;
	[bflag:$0x0] =	sbarrier.arrive $0xFFFF  }
0x3b: {  	[tilespmem:s6], [sflag:$0x5] =	stream.linear.gather [hbm4b:s10+s6], $0x1400, $0x38;
	[tilespmem:$0x1E400] =	vst v63  }
0x3c: {  	_ =	swait.ge [sflag:s17], $0x1400  }
0x3d: {  	[sflag:s17] =	ssyncset.done $0x0  }
0x3e: {  	[sflag:s17] =	ssyncadd.s32 $0xFFFFEC00  }
0x3f: {  	[tilespmem:s18], [sflag:$0x5] =	stream.linear.gather [hbm4b:s11+s6], $0x1400, $0x38;
	[tilespmem:$0x1E400] =	vst v63  }
0x40: {  	_ =	swait.ge [sflag:s17], $0x1400  }
0x41: {  	[sflag:s17] =	ssyncset.done $0x0  }
0x42: {  	[sflag:s17] =	ssyncadd.s32 $0xFFFFEC00  }
0x43: {  	[tilespmem:s16], [sflag:$0x1] =	stream.indirect.gather [hbm4b:s1+s19], $0x80, s6, s19, $0xb8;
	[tilespmem:$0x1E400] =	vst v63  }
0x44: {  	_ = 	snop  }
0x45: {  	[tilespmem:s20], [sflag:$0x2] =	stream.indirect.gather [hbm4b:s1+s19], $0x80, s19, s19, $0xb8;
	[tilespmem:$0x1E400] =	vst v63  }
0x46: {  	_ =	swait.ge [sflag:s21], $0x4000  }
0x47: {  	[sflag:s21] =	ssyncset.done $0x0  }
0x48: {  	s7 =	simm.s32 $0x1400;
	[sflag:s21] =	ssyncadd.s32 $0xFFFFC000  }
0x49: {  	[spmem:s2] =	stream.indirect.scatter.add.f32 [tilespmem:s16], [sflag:$0x3], $0x80, s7, s22, $0xb8;
	[tilespmem:$0x1E400] =	vst v63  }
0x4a: {  	s6 =	simm.s32 $0x1440  }
0x4b: {  	[spmem:s2] =	stream.indirect.scatter.add.f32 [tilespmem:s23], [sflag:$0x4], $0x80, s6, s22, $0xb8;
	[tilespmem:$0x1E400] =	vst v63  }
0x4c: {  	_ =	swait.ge [sflag:s24], $0x2000  }
0x4d: {  	[sflag:s24] =	ssyncset.done $0x0  }
0x4e: {  	[sflag:s24] =	ssyncadd.s32 $0xFFFFE000  }
0x4f: {  	_ =	swait.ge [sflag:s25], $0x2000  }
0x50: {  	[sflag:s25] =	ssyncset.done $0x0  }
0x51: {  	s7 =	simm.s32 $0x100;
	[sflag:s25] =	ssyncadd.s32 $0xFFFFE000  }
0x52: {  	[tilespmem:s16], [sflag:$0x1] =	stream.indirect.gather [hbm4b:s1+s19], $0x80, s7, s19, $0xb8;
	[tilespmem:$0x1E400] =	vst v63  }
0x53: {  	_ =	swait.ge [sflag:s26], $0x4000  }
0x54: {  	[sflag:s26] =	ssyncset.done $0x0  }
0x55: {  	s6 =	simm.s32 $0x1480;
	[sflag:s26] =	ssyncadd.s32 $0xFFFFC000  }
0x56: {  	[spmem:s2] =	stream.indirect.scatter.add.f32 [tilespmem:s20], [sflag:$0x3], $0x80, s6, s22, $0xb8;
	[tilespmem:$0x1E400] =	vst v63  }
0x57: {  	s7 =	simm.s32 $0x14C0  }
0x58: {  	[spmem:s2] =	stream.indirect.scatter.add.f32 [tilespmem:s28], [sflag:$0x4], $0x80, s7, s22, $0xb8;
	[tilespmem:$0x1E400] =	vst v63  }
0x59: {  	_ =	swait.ge [sflag:s24], $0x2000  }
0x5a: {  	[sflag:s24] =	ssyncset.done $0x0  }
0x5b: {  	[sflag:s24] =	ssyncadd.s32 $0xFFFFE000  }
0x5c: {  	_ =	swait.ge [sflag:s25], $0x2000  }
0x5d: {  	[sflag:s25] =	ssyncset.done $0x0  }
0x5e: {  	s3 =	simm.s32 $0x400;
	s6 =	simm.s32 $0x180;
	[sflag:s25] =	ssyncadd.s32 $0xFFFFE000  }
.LBB2_4:
0x5f: {  	[tilespmem:s20], [sflag:$0x2] =	stream.indirect.gather [hbm4b:s1+s19], $0x80, s6, s19, $0xb8;
	[tilespmem:$0x1E400] =	vst v63  }
0x60: {  	s6 =	smov.u32 s3  }
0x61: {  	p0 =	sne.s32 s3, $0x4800;
	s3 =	sadd.s32 $0x400, s3;
	_ =	swait.ge [sflag:s21], $0x4000  }
0x62: {  	s6 =	sshra.s32 s6, $0x2;
	[sflag:s21] =	ssyncset.done $0x0  }
0x63: {  	s7 =	sadd.s32 $0x1400, s6;
	[sflag:s21] =	ssyncadd.s32 $0xFFFFC000  }
0x64: {  	[spmem:s2] =	stream.indirect.scatter.add.f32 [tilespmem:s16], [sflag:$0x3], $0x80, s7, s22, $0xb8;
	[tilespmem:$0x1E400] =	vst v63  }
0x65: {  	s7 =	sadd.s32 $0x1440, s6  }
0x66: {  	[spmem:s2] =	stream.indirect.scatter.add.f32 [tilespmem:s23], [sflag:$0x4], $0x80, s7, s22, $0xb8;
	[tilespmem:$0x1E400] =	vst v63  }
0x67: {  	_ =	swait.ge [sflag:s24], $0x2000  }
0x68: {  	[sflag:s24] =	ssyncset.done $0x0  }
0x69: {  	[sflag:s24] =	ssyncadd.s32 $0xFFFFE000  }
0x6a: {  	_ =	swait.ge [sflag:s25], $0x2000  }
0x6b: {  	[sflag:s25] =	ssyncset.done $0x0  }
0x6c: {  	s7 =	sadd.s32 $0x100, s6;
	[sflag:s25] =	ssyncadd.s32 $0xFFFFE000  }
0x6d: {  	[tilespmem:s16], [sflag:$0x1] =	stream.indirect.gather [hbm4b:s1+s19], $0x80, s7, s19, $0xb8;
	[tilespmem:$0x1E400] =	vst v63  }
0x6e: {  	_ =	swait.ge [sflag:s26], $0x4000  }
0x6f: {  	[sflag:s26] =	ssyncset.done $0x0  }
0x70: {  	s7 =	sadd.s32 $0x1480, s6;
	[sflag:s26] =	ssyncadd.s32 $0xFFFFC000  }
0x71: {  	[spmem:s2] =	stream.indirect.scatter.add.f32 [tilespmem:s20], [sflag:$0x3], $0x80, s7, s22, $0xb8;
	[tilespmem:$0x1E400] =	vst v63  }
0x72: {  	s7 =	sadd.s32 $0x14C0, s6  }
0x73: {  	[spmem:s2] =	stream.indirect.scatter.add.f32 [tilespmem:s28], [sflag:$0x4], $0x80, s7, s22, $0xb8;
	[tilespmem:$0x1E400] =	vst v63  }
0x74: {  	_ =	swait.ge [sflag:s24], $0x2000  }
.Ltmp1:
0x75: {  	[sflag:s24] =	ssyncset.done $0x0;
	(pc) =	sbr.rel @p0 .LBB2_4-.Ltmp1, $4  }
0x76: {  	[sflag:s24] =	ssyncadd.s32 $0xFFFFE000  }
0x77: {  	_ =	swait.ge [sflag:s25], $0x2000  }
0x78: {  	[sflag:s25] =	ssyncset.done $0x0  }
0x79: {  	s6 =	sadd.s32 $0x180, s6;
	[sflag:s25] =	ssyncadd.s32 $0xFFFFE000  }
0x7a: {  	[tilespmem:s20], [sflag:$0x2] =	stream.indirect.gather [hbm4b:s1+s19], $0x80, s6, s19, $0xb8;
	[tilespmem:$0x1E400] =	vst v63  }
0x7b: {  	_ =	swait.ge [sflag:s21], $0x4000  }
0x7c: {  	[sflag:s21] =	ssyncset.done $0x0  }
0x7d: {  	[sflag:s21] =	ssyncadd.s32 $0xFFFFC000  }
0x7e: {  	[spmem:s2] =	stream.indirect.scatter.add.f32 [tilespmem:s16], [sflag:$0x3], $0x80, s29, s22, $0xb8;
	[tilespmem:$0x1E400] =	vst v63  }
0x7f: {  	_ = 	snop  }
0x80: {  	[spmem:s2] =	stream.indirect.scatter.add.f32 [tilespmem:s23], [sflag:$0x4], $0x80, s30, s22, $0xb8;
	[tilespmem:$0x1E400] =	vst v63  }
0x81: {  	_ =	swait.ge [sflag:s24], $0x2000  }
0x82: {  	[sflag:s24] =	ssyncset.done $0x0  }
0x83: {  	[sflag:s24] =	ssyncadd.s32 $0xFFFFE000  }
0x84: {  	_ =	swait.ge [sflag:s25], $0x2000  }
0x85: {  	[sflag:s25] =	ssyncset.done $0x0  }
0x86: {  	[sflag:s25] =	ssyncadd.s32 $0xFFFFE000  }
0x87: {  	_ =	swait.ge [sflag:s26], $0x4000  }
0x88: {  	[sflag:s26] =	ssyncset.done $0x0  }
0x89: {  	[sflag:s26] =	ssyncadd.s32 $0xFFFFC000  }
0x8a: {  	[spmem:s2] =	stream.indirect.scatter.add.f32 [tilespmem:s20], [sflag:$0x3], $0x80, s31, s22, $0xb8;
	[tilespmem:$0x1E400] =	vst v63  }
0x8b: {  	_ = 	snop  }
0x8c: {  	[spmem:s2] =	stream.indirect.scatter.add.f32 [tilespmem:s28], [sflag:$0x4], $0x80, s0, s22, $0xb8;
	[tilespmem:$0x1E400] =	vst v63  }
0x8d: {  	_ =	swait.ge [sflag:s24], $0x2000  }
0x8e: {  	[sflag:s24] =	ssyncset.done $0x0  }
0x8f: {  	[sflag:s24] =	ssyncadd.s32 $0xFFFFE000  }
0x90: {  	_ =	swait.ge [sflag:s25], $0x2000  }
0x91: {  	[sflag:s25] =	ssyncset.done $0x0  }
0x92: {  	s3 =	simm.s32 $0x0;
	[sflag:s25] =	ssyncadd.s32 $0xFFFFE000  }
0x93: {  	[tilespmem:s3], [sflag:$0x5] =	stream.linear.gather [hbm4b:s12+s3], $0x1400, $0x38;
	[tilespmem:$0x1E400] =	vst v63  }
0x94: {  	_ =	swait.ge [sflag:s17], $0x1400  }
0x95: {  	[sflag:s17] =	ssyncset.done $0x0  }
0x96: {  	[sflag:s17] =	ssyncadd.s32 $0xFFFFEC00  }
0x97: {  	[tilespmem:s18], [sflag:$0x5] =	stream.linear.gather [hbm4b:s13+s3], $0x1400, $0x38;
	[tilespmem:$0x1E400] =	vst v63  }
0x98: {  	_ =	swait.ge [sflag:s17], $0x1400  }
0x99: {  	[sflag:s17] =	ssyncset.done $0x0  }
0x9a: {  	[sflag:s17] =	ssyncadd.s32 $0xFFFFEC00  }
0x9b: {  	[tilespmem:s16], [sflag:$0x1] =	stream.indirect.gather [hbm4b:s1+s19], $0x80, s3, s19, $0xb8;
	[tilespmem:$0x1E400] =	vst v63  }
0x9c: {  	_ = 	snop  }
0x9d: {  	[tilespmem:s20], [sflag:$0x2] =	stream.indirect.gather [hbm4b:s1+s19], $0x80, s19, s19, $0xb8;
	[tilespmem:$0x1E400] =	vst v63  }
0x9e: {  	_ =	swait.ge [sflag:s21], $0x4000  }
0x9f: {  	[sflag:s21] =	ssyncset.done $0x0  }
0xa0: {  	s7 =	simm.s32 $0x1400;
	[sflag:s21] =	ssyncadd.s32 $0xFFFFC000  }
0xa1: {  	[spmem:s2] =	stream.indirect.scatter.add.f32 [tilespmem:s16], [sflag:$0x3], $0x80, s7, s22, $0xb8;
	[tilespmem:$0x1E400] =	vst v63  }
0xa2: {  	s6 =	simm.s32 $0x1440  }
0xa3: {  	[spmem:s2] =	stream.indirect.scatter.add.f32 [tilespmem:s23], [sflag:$0x4], $0x80, s6, s22, $0xb8;
	[tilespmem:$0x1E400] =	vst v63  }
0xa4: {  	_ =	swait.ge [sflag:s24], $0x2000  }
0xa5: {  	[sflag:s24] =	ssyncset.done $0x0  }
0xa6: {  	[sflag:s24] =	ssyncadd.s32 $0xFFFFE000  }
0xa7: {  	_ =	swait.ge [sflag:s25], $0x2000  }
0xa8: {  	[sflag:s25] =	ssyncset.done $0x0  }
0xa9: {  	s7 =	simm.s32 $0x100;
	[sflag:s25] =	ssyncadd.s32 $0xFFFFE000  }
0xaa: {  	[tilespmem:s16], [sflag:$0x1] =	stream.indirect.gather [hbm4b:s1+s19], $0x80, s7, s19, $0xb8;
	[tilespmem:$0x1E400] =	vst v63  }
0xab: {  	_ =	swait.ge [sflag:s26], $0x4000  }
0xac: {  	[sflag:s26] =	ssyncset.done $0x0  }
0xad: {  	s6 =	simm.s32 $0x1480;
	[sflag:s26] =	ssyncadd.s32 $0xFFFFC000  }
0xae: {  	[spmem:s2] =	stream.indirect.scatter.add.f32 [tilespmem:s20], [sflag:$0x3], $0x80, s6, s22, $0xb8;
	[tilespmem:$0x1E400] =	vst v63  }
0xaf: {  	s7 =	simm.s32 $0x14C0  }
0xb0: {  	[spmem:s2] =	stream.indirect.scatter.add.f32 [tilespmem:s28], [sflag:$0x4], $0x80, s7, s22, $0xb8;
	[tilespmem:$0x1E400] =	vst v63  }
0xb1: {  	_ =	swait.ge [sflag:s24], $0x2000  }
0xb2: {  	[sflag:s24] =	ssyncset.done $0x0  }
0xb3: {  	[sflag:s24] =	ssyncadd.s32 $0xFFFFE000  }
0xb4: {  	_ =	swait.ge [sflag:s25], $0x2000  }
0xb5: {  	[sflag:s25] =	ssyncset.done $0x0  }
0xb6: {  	s3 =	simm.s32 $0x400;
	s6 =	simm.s32 $0x180;
	[sflag:s25] =	ssyncadd.s32 $0xFFFFE000  }
.LBB2_6:
0xb7: {  	[tilespmem:s20], [sflag:$0x2] =	stream.indirect.gather [hbm4b:s1+s19], $0x80, s6, s19, $0xb8;
	[tilespmem:$0x1E400] =	vst v63  }
0xb8: {  	s6 =	smov.u32 s3  }
0xb9: {  	p0 =	sne.s32 s3, $0x4800;
	s3 =	sadd.s32 $0x400, s3;
	_ =	swait.ge [sflag:s21], $0x4000  }
0xba: {  	s6 =	sshra.s32 s6, $0x2;
	[sflag:s21] =	ssyncset.done $0x0  }
0xbb: {  	s7 =	sadd.s32 $0x1400, s6;
	[sflag:s21] =	ssyncadd.s32 $0xFFFFC000  }
0xbc: {  	[spmem:s2] =	stream.indirect.scatter.add.f32 [tilespmem:s16], [sflag:$0x3], $0x80, s7, s22, $0xb8;
	[tilespmem:$0x1E400] =	vst v63  }
0xbd: {  	s7 =	sadd.s32 $0x1440, s6  }
0xbe: {  	[spmem:s2] =	stream.indirect.scatter.add.f32 [tilespmem:s23], [sflag:$0x4], $0x80, s7, s22, $0xb8;
	[tilespmem:$0x1E400] =	vst v63  }
0xbf: {  	_ =	swait.ge [sflag:s24], $0x2000  }
0xc0: {  	[sflag:s24] =	ssyncset.done $0x0  }
0xc1: {  	[sflag:s24] =	ssyncadd.s32 $0xFFFFE000  }
0xc2: {  	_ =	swait.ge [sflag:s25], $0x2000  }
0xc3: {  	[sflag:s25] =	ssyncset.done $0x0  }
0xc4: {  	s7 =	sadd.s32 $0x100, s6;
	[sflag:s25] =	ssyncadd.s32 $0xFFFFE000  }
0xc5: {  	[tilespmem:s16], [sflag:$0x1] =	stream.indirect.gather [hbm4b:s1+s19], $0x80, s7, s19, $0xb8;
	[tilespmem:$0x1E400] =	vst v63  }
0xc6: {  	_ =	swait.ge [sflag:s26], $0x4000  }
0xc7: {  	[sflag:s26] =	ssyncset.done $0x0  }
0xc8: {  	s7 =	sadd.s32 $0x1480, s6;
	[sflag:s26] =	ssyncadd.s32 $0xFFFFC000  }
0xc9: {  	[spmem:s2] =	stream.indirect.scatter.add.f32 [tilespmem:s20], [sflag:$0x3], $0x80, s7, s22, $0xb8;
	[tilespmem:$0x1E400] =	vst v63  }
0xca: {  	s7 =	sadd.s32 $0x14C0, s6  }
0xcb: {  	[spmem:s2] =	stream.indirect.scatter.add.f32 [tilespmem:s28], [sflag:$0x4], $0x80, s7, s22, $0xb8;
	[tilespmem:$0x1E400] =	vst v63  }
0xcc: {  	_ =	swait.ge [sflag:s24], $0x2000  }
.Ltmp2:
0xcd: {  	[sflag:s24] =	ssyncset.done $0x0;
	(pc) =	sbr.rel @p0 .LBB2_6-.Ltmp2, $4  }
0xce: {  	[sflag:s24] =	ssyncadd.s32 $0xFFFFE000  }
0xcf: {  	_ =	swait.ge [sflag:s25], $0x2000  }
0xd0: {  	[sflag:s25] =	ssyncset.done $0x0  }
0xd1: {  	s6 =	sadd.s32 $0x180, s6;
	[sflag:s25] =	ssyncadd.s32 $0xFFFFE000  }
0xd2: {  	[tilespmem:s20], [sflag:$0x2] =	stream.indirect.gather [hbm4b:s1+s19], $0x80, s6, s19, $0xb8;
	[tilespmem:$0x1E400] =	vst v63  }
0xd3: {  	_ =	swait.ge [sflag:s21], $0x4000  }
0xd4: {  	[sflag:s21] =	ssyncset.done $0x0  }
0xd5: {  	[sflag:s21] =	ssyncadd.s32 $0xFFFFC000  }
0xd6: {  	[spmem:s2] =	stream.indirect.scatter.add.f32 [tilespmem:s16], [sflag:$0x3], $0x80, s29, s22, $0xb8;
	[tilespmem:$0x1E400] =	vst v63  }
0xd7: {  	_ = 	snop  }
0xd8: {  	[spmem:s2] =	stream.indirect.scatter.add.f32 [tilespmem:s23], [sflag:$0x4], $0x80, s30, s22, $0xb8;
	[tilespmem:$0x1E400] =	vst v63  }
0xd9: {  	_ =	swait.ge [sflag:s24], $0x2000  }
0xda: {  	[sflag:s24] =	ssyncset.done $0x0  }
0xdb: {  	[sflag:s24] =	ssyncadd.s32 $0xFFFFE000  }
0xdc: {  	_ =	swait.ge [sflag:s25], $0x2000  }
0xdd: {  	[sflag:s25] =	ssyncset.done $0x0  }
0xde: {  	[sflag:s25] =	ssyncadd.s32 $0xFFFFE000  }
0xdf: {  	_ =	swait.ge [sflag:s26], $0x4000  }
0xe0: {  	[sflag:s26] =	ssyncset.done $0x0  }
0xe1: {  	[sflag:s26] =	ssyncadd.s32 $0xFFFFC000  }
0xe2: {  	[spmem:s2] =	stream.indirect.scatter.add.f32 [tilespmem:s20], [sflag:$0x3], $0x80, s31, s22, $0xb8;
	[tilespmem:$0x1E400] =	vst v63  }
0xe3: {  	_ = 	snop  }
0xe4: {  	[spmem:s2] =	stream.indirect.scatter.add.f32 [tilespmem:s28], [sflag:$0x4], $0x80, s0, s22, $0xb8;
	[tilespmem:$0x1E400] =	vst v63  }
0xe5: {  	_ =	swait.ge [sflag:s24], $0x2000  }
0xe6: {  	[sflag:s24] =	ssyncset.done $0x0  }
0xe7: {  	[sflag:s24] =	ssyncadd.s32 $0xFFFFE000  }
0xe8: {  	s3 =	stileid.u32;
	_ =	swait.ge [sflag:s25], $0x2000  }
0xe9: {  	s7 =	sshrl.u32 s5, $0x3;
	s4 =	sadd.s32 $0x1, s4;
	[sflag:s25] =	ssyncset.done $0x0  }
0xea: {  	s3 =	sshll.u32 s3, $0x6;
	p0 =	sne.s32 s4, s15;
	[sflag:s25] =	ssyncadd.s32 $0xFFFFE000  }
.Ltmp3:
0xeb: {  	s3 =	sor.u32 $0x1C05, s3;
	[bflag:$0x0] =	sbarrier.arrive $0xFFFF;
	(pc) =	sbr.rel @p0 .LBB2_1-.Ltmp3, $4  }
0xec: {  	[hbm:s14], [sflag:s3] =	dma.local [spmem:s7], $0x2780  }
0xed: {  	_ =	swait.ge [sflag:s17], $0x2780  }
0xee: {  	[sflag:s17] =	ssyncset.done $0x0  }
0xef: {  	[sflag:s17] =	ssyncadd.s32 $0xFFFFD880  }
0xf0: {  	_ =	sfence.sel $0x180000  }
0xf1: {  	[bflag:$0x0] =	sbarrier.arrive $0xFFFF  }
0xf2: {  	_ =	strace $0x90000047  }
0xf3: {  	s0 =	stileid.u32;
	[bflag:$0x2] =	sbarrier.arrive $0xFFFF  }
0xf4: {  	p0 =	sne.s32 s0, $0x0;
	s0 =	rddreg [dreg:$0x3]  }
0xf5: {  	s0 =	sadd.s32 @!p0 $0x100000, s0  }
0xf6: {  	[sflag:s0] =	ssyncadd.tile.s32 @!p0 $0x1;
	_ =	shalt  }
.Lfunc_end2:
_tile_overlayer_lowered:
.L_overlay_start_2:
0xf7: {  	(tag) =	ssettag $0x2  }
0xf8: {  	s0 =	rddreg [dreg:$0x0];
	s2 =	stileid.u32  }
0xf9: {  	s1 =	rddreg [dreg:$0x1];
	p0 =	sne.s32 s2, $0x0  }
0xfa: {  	s3 =	rddreg [dreg:$0x2];
	[bflag:$0x3] =	sbarrier.arrive $0xFFFF;
	s2 =	simm.s32 @!p0 $0x1C05  }
0xfb: {  	[timem:s3], [sflag:s2] =	dma.local @!p0 [hbm:s0], s1  }
0xfc: {  	s0 =	simm.s32 @!p0 $0x5  }
0xfd: {  	_ =	swait.ge @!p0 [sflag:s0], s1  }
0xfe: {  	s1 =	ssub.s32 @!p0 $0x0, s1;
	[sflag:s0] =	ssyncset.done @!p0 $0x0  }
0xff: {  	[sflag:s0] =	ssyncadd.s32 @!p0 s1  }
0x100: {  	[bflag:$0x3] =	sbarrier.arrive $0xFFFF  }
0x101: {  	_ =	shalt  }

// kernel: kernel.9.cloned.1.call-start
scs
__scs_entry_jumppad:
0x0: {  	(pc) =	sbr.rel $0x88, $3  }
0x1: {  	(tag) =	ssettag $0x0;
	lr =	simm.s32 $0x1  }
0x2: {  	[smem:$0x3F9B] =	sst lr;
	_ =	strace $0xD0000000  }
0x3: {  	_ = 	snop  }
0x4: {  	_ = 	snop  }
0x5: {  	_ = 	snop  }
0x6: {  	_ = 	snop  }
0x7: {  	_ = 	snop  }
__scs_overlays_trampoline_lowered:
0x8: {  	[smem:$0x3FAA] =	sst s0  }
0x9: {  	[smem:$0x3FAB] =	sst s1  }
0xa: {  	[smem:$0x3FAC] =	sst s2  }
0xb: {  	[smem:$0x3FAD] =	sst s3  }
0xc: {  	[smem:$0x3FAE] =	sst s4  }
0xd: {  	[smem:$0x3FAF] =	sst s5  }
0xe: {  	[smem:$0x3FB0] =	sst s6  }
0xf: {  	[smem:$0x3FB1] =	sst s7  }
0x10: {  	[smem:$0x3FB2] =	sst s8  }
0x11: {  	[smem:$0x3FB3] =	sst s9;
	s0 =	simm.s32 @!p0 $0x0  }
0x12: {  	s1 =	sld [smem:$0x3F99];
	s0 =	simm.s32 @p0 $0x1  }
0x13: {  	[smem:$0x3FB4] =	sst s0;
	s0 =	simm.s32 @!p1 $0x0  }
0x14: {  	s2 =	sld [smem:$0x3F98];
	s0 =	simm.s32 @p1 $0x1  }
0x15: {  	[smem:$0x3FB5] =	sst s0;
	s0 =	simm.s32 @!p2 $0x0  }
0x16: {  	s3 =	sld [smem:$0x3FDB];
	s0 =	simm.s32 @p2 $0x1  }
0x17: {  	s4 =	simm.s32 $0x1BF5;
	[smem:$0x3FB7] =	sst s0  }
0x18: {  	s0 =	sld [smem:$0x3F9A];
	_ =	swait.ge [sflag:s4], $0x0  }
0x19: {  	s7 =	sld [smem:$0x3F9B]  }
0x1a: {  	s8 =	sadd.s32 $0xFFFFE003, lr  }
0x1b: {  	s9 =	sadd.s32 $0xFFFFFEF7, lr;
	s5 =	simm.s32 $0xFFFFFFFF;
	p2 =	slt.u32 s8, $0xFFFFF086  }
0x1c: {  	p1 =	slt.u32 s9, $0xF7A;
	s5 =	simm.s32 @!p2 $0x0  }
0x1d: {  	s5 =	simm.s32 @p1 $0x1;
	p0 =	seq.s32 s7, s2  }
0x1e: {  	s7 =	smul.u32 @!p0 $0xF7A, s2;
	p2 =	seq.s32 @!p0 s5, $0x0  }
0x1f: {  	s9 =	smul.u32 $0xF7A, s1;
	s8 =	simm.s32 @!p0 $0x1BF5;
	p2 =	por !p2, p0  }
0x20: {  	[sflag:s8] =	ssyncset.s32 @!p0 $0xFFFFF086;
	s6 =	sadd.s32 @!p0 s3, s7;
	s7 =	simm.s32 @!p0 $0x108  }
0x21: {  	s3 =	sadd.s32 s3, s9;
	s6 =	sadd.s32 @!p0 $0x88, s6;
	s7 =	simm.s32 @p2 $0x1082  }
0x22: {  	[simem:s7], [sflag:s8] =	dma.local @!p0 [hbm:s6], $0xF7A  }
0x23: {  	s9 =	sor.u32 $0xD0000000, s2;
	s6 =	simm.s32 $0x108;
	_ =	swait.ge @!p0 [sflag:s8], $0x0  }
0x24: {  	s3 =	sadd.s32 $0x88, s3;
	s6 =	simm.s32 @!p1 $0x1082;
	[sflag:s4] =	ssyncset.s32 $0xFFFFF086  }
0x25: {  	[simem:s6], [sflag:s4] =	dma.local [hbm:s3], $0xF7A  }
0x26: {  	[smem:$0x3F9B] =	sst s1;
	(tag) =	ssettag s2;
	_ =	strace s9  }
0x27: {  	s1 =	sld [smem:$0x3FAB]  }
0x28: {  	s2 =	sld [smem:$0x3FAC]  }
0x29: {  	s4 =	sld [smem:$0x3FAE]  }
0x2a: {  	p0 =	seq.s32 s5, $0x0;
	s5 =	sld [smem:$0x3FAF]  }
0x2b: {  	s6 =	sld [smem:$0x3FB0]  }
0x2c: {  	s7 =	sld [smem:$0x3FB1]  }
0x2d: {  	s3 =	simm.s32 $0x108;
	s8 =	sld [smem:$0x3FB2]  }
0x2e: {  	s3 =	simm.s32 @!p0 $0x1082;
	s9 =	sld [smem:$0x3FB3]  }
0x2f: {  	lr =	sadd.s32 s0, s3;
	s0 =	sld [smem:$0x3FAA]  }
0x30: {  	s3 =	sld [smem:$0x3FAD]  }
0x31: {  	[smem:$0x3FB6] =	sst s10  }
0x32: {  	s10 =	sld [smem:$0x3FB4];
	_ =	sdelay $0x3  }
0x33: {  	p0 =	seq.s32 s10, $0x1;
	s10 =	sld [smem:$0x3FB6];
	_ =	sdelay $0x3  }
0x34: {  	[smem:$0x3FB6] =	sst s10  }
0x35: {  	s10 =	sld [smem:$0x3FB5];
	_ =	sdelay $0x3  }
0x36: {  	p1 =	seq.s32 s10, $0x1;
	s10 =	sld [smem:$0x3FB6];
	_ =	sdelay $0x3  }
0x37: {  	[smem:$0x3FB6] =	sst s10  }
0x38: {  	s10 =	sld [smem:$0x3FB7]  }
0x39: {  	_ = 	snop;
	(pc) =	sbr.ind lr, $3  }
0x3a: {  	_ = 	snop  }
0x3b: {  	_ = 	snop  }
0x3c: {  	p2 =	seq.s32 s10, $0x1;
	s10 =	sld [smem:$0x3FB6]  }
0x3d: {  	_ =	shalt  }
0x3e: {  	_ =	shalt  }
0x3f: {  	_ =	shalt  }
0x40: {  	_ =	shalt  }
0x41: {  	_ =	shalt  }
0x42: {  	_ =	shalt  }
0x43: {  	_ =	shalt  }
0x44: {  	_ =	shalt  }
0x45: {  	_ =	shalt  }
0x46: {  	_ =	shalt  }
0x47: {  	_ =	shalt  }
0x48: {  	_ =	shalt  }
0x49: {  	_ =	shalt  }
0x4a: {  	_ =	shalt  }
0x4b: {  	_ =	shalt  }
0x4c: {  	_ =	shalt  }
0x4d: {  	_ =	shalt  }
0x4e: {  	_ =	shalt  }
0x4f: {  	_ =	shalt  }
0x50: {  	_ =	shalt  }
0x51: {  	_ =	shalt  }
0x52: {  	_ =	shalt  }
0x53: {  	_ =	shalt  }
0x54: {  	_ =	shalt  }
0x55: {  	_ =	shalt  }
0x56: {  	_ =	shalt  }
0x57: {  	_ =	shalt  }
0x58: {  	_ =	shalt  }
0x59: {  	_ =	shalt  }
0x5a: {  	_ =	shalt  }
0x5b: {  	_ =	shalt  }
0x5c: {  	_ =	shalt  }
0x5d: {  	_ =	shalt  }
0x5e: {  	_ =	shalt  }
0x5f: {  	_ =	shalt  }
0x60: {  	_ =	shalt  }
0x61: {  	_ =	shalt  }
0x62: {  	_ =	shalt  }
0x63: {  	_ =	shalt  }
0x64: {  	_ =	shalt  }
0x65: {  	_ =	shalt  }
0x66: {  	_ =	shalt  }
0x67: {  	_ =	shalt  }
0x68: {  	_ =	shalt  }
0x69: {  	_ =	shalt  }
0x6a: {  	_ =	shalt  }
0x6b: {  	_ =	shalt  }
0x6c: {  	_ =	shalt  }
0x6d: {  	_ =	shalt  }
0x6e: {  	_ =	shalt  }
0x6f: {  	_ =	shalt  }
0x70: {  	_ =	shalt  }
0x71: {  	_ =	shalt  }
0x72: {  	_ =	shalt  }
0x73: {  	_ =	shalt  }
0x74: {  	_ =	shalt  }
0x75: {  	_ =	shalt  }
0x76: {  	_ =	shalt  }
0x77: {  	_ =	shalt  }
0x78: {  	_ =	shalt  }
0x79: {  	_ =	shalt  }
0x7a: {  	_ =	shalt  }
0x7b: {  	_ =	shalt  }
0x7c: {  	_ =	shalt  }
0x7d: {  	_ =	shalt  }
0x7e: {  	_ =	shalt  }
0x7f: {  	_ =	shalt  }
0x80: {  	_ =	shalt  }
0x81: {  	_ =	shalt  }
0x82: {  	_ =	shalt  }
0x83: {  	_ =	shalt  }
0x84: {  	_ =	shalt  }
0x85: {  	_ =	shalt  }
0x86: {  	_ =	shalt  }
0x87: {  	_ =	shalt  }
.Lfunc_end0:
.L_simem_size_0:
called_computation.1_lowered:
.L_overlay_start_0:
0x88: {  	s2 =	sld [smem:$0x3FD9]  }
0x89: {  	s3 =	sld [smem:$0x3FFE];
	_ =	sdelay $0x1  }
0x8a: {  	s1 =	srdreg.scid  }
0x8b: {  	s0 =	sand.u32 $0x1, s1  }
0x8c: {  	s17 =	sshll.u32 s0, $0xA;
	s2 =	sadd.s32 s3, s2  }
0x8d: {  	s2 =	sadd.s32 s2, s17  }
0x8e: {  	[smem:$0x3FC2] =	sst s2  }
0x8f: {  	_ = 	snop  }
0x90: {  	s2 =	sld [smem:$0x3FD0];
	(tm) =	ssettm $0x1  }
0x91: {  	s18 =	sld [smem:$0x3FFB];
	_ =	sdelay $0x3  }
0x92: {  	_ =	strace s18  }
0x93: {  	s3 =	sld [smem:$0x3FFC];
	_ =	sdelay $0x3  }
0x94: {  	_ =	strace s3  }
0x95: {  	s3 =	sld [smem:$0x3FFD];
	_ =	sdelay $0x3  }
0x96: {  	_ =	strace s3  }
0x97: {  	_ =	strace $0x8FFFFFFF  }
0x98: {  	s19 =	sld [smem:$0x3FDB];
	_ =	sdelay $0x1  }
0x99: {  	s4 =	simm.s32 $_scs_section_size  }
0x9a: {  	s5 =	simm.s32 $_size__tile_overlayer_lowered;
	s6 =	simm.s32 $_tile_overlayer_lowered  }
0x9b: {  	s22 =	simm.s32 $0x1BFF;
	s21 =	sshll.u32 s6, $0x1;
	s3 =	sadd.s32 s4, s19  }
0x9c: {  	s7 =	simm.s32 $0x0;
	s20 =	sshll.u32 s5, $0x1;
	s5 =	sadd.s32 s21, s3  }
0x9d: {  	[timem:s7], [sflag:s22] =	dma.local [hbm:s5], s20  }
0x9e: {  	_ =	swait.ge [sflag:s22], s20  }
0x9f: {  	s4 =	ssub.s32 $0x0, s20;
	[sflag:s22] =	ssyncset.done $0x0  }
0xa0: {  	[sflag:s22] =	ssyncadd.s32 s4;
	_ =	sdelay $0x1  }
0xa1: {  	s23 =	simm.s32 $0x1B8B  }
0xa2: {  	_ =	swait.ge [sflag:s23], $0x1  }
0xa3: {  	[sflag:s23] =	ssyncset.done $0x0  }
0xa4: {  	s25 =	simm.s32 $0x1B8E;
	s24 =	sld [smem:$0x3FFE];
	[sflag:s23] =	ssyncadd.s32 $0xFFFFFFFF  }
0xa5: {  	s26 =	simm.s32 $execute0_lowered;
	[smem:$0x3FD2] =	sst s25  }
0xa6: {  	s5 =	sshll.u32 s26, $0x1;
	_ =	strace $0x80000049;
	[dreg:$0x1] =	wrdreg $0xFFFFFFFF  }
0xa7: {  	s28 =	simm.s32 $_size_execute0_lowered;
	s3 =	sadd.s32 s3, s5;
	[dreg:$0x0] =	wrdreg $0x0  }
0xa8: {  	s5 =	sshll.u32 s28, $0x1;
	[dreg:$0x2] =	wrdreg s3  }
0xa9: {  	[dreg:$0x3] =	wrdreg s5  }
0xaa: {  	[dreg:$0x4] =	wrdreg $0xC0  }
0xab: {  	_ =	task [dreg:s7], $0x5FFFF  }
0xac: {  	[dreg:$0x1] =	wrdreg $0xFFFFFFFF  }
0xad: {  	[dreg:$0x0] =	wrdreg $0x60  }
0xae: {  	[dreg:$0x2] =	wrdreg s2  }
0xaf: {  	[dreg:$0x3] =	wrdreg s24  }
0xb0: {  	[dreg:$0x4] =	wrdreg $0xA8000  }
0xb1: {  	[dreg:$0x5] =	wrdreg $0x9  }
0xb2: {  	_ =	task.clear_ibuf [dreg:s7], $0x6FFFF;
	_ =	strace $0x90000049  }
0xb3: {  	s29 =	simm.s32 $0x9;
	_ =	strace $0x8000004B  }
0xb4: {  	_ =	swait.ge [sflag:s29], $0x1  }
0xb5: {  	[sflag:s29] =	ssyncadd.s32 $0xFFFFFFFF  }
0xb6: {  	_ =	strace $0x9000004B  }
0xb7: {  	_ =	sfence  }
0xb8: {  	s30 =	sld [smem:$0x0];
	_ =	sdelay $0x2  }
0xb9: {  	s31 =	sshll.u32 s1, $0xD;
	s1 =	sshrl.u32 s1, $0x2  }
0xba: {  	s3 =	sand.u32 $0x4000, s31;
	s1 =	sadd.s32 s1, s30  }
0xbb: {  	s0 =	sor.u32 s3, s0;
	s1 =	sshll.u32 s1, $0x11  }
0xbc: {  	s0 =	sor.u32 s1, s0  }
0xbd: {  	s0 =	sadd.s32 $0x8F2B, s0  }
0xbe: {  	[sflag:s0] =	ssyncadd.remote.s32 $0x1  }
0xbf: {  	_ =	sfence.sel $0xFFFF  }
0xc0: {  	[dreg:$0x0] =	wrdreg $0xFFFFFFFF;
	(pc) =	sbr.abs _section_cstart, $3  }
0xc1: {  	[dreg:$0x1] =	wrdreg $0xFFFFFFFF  }
0xc2: {  	_ =	task.clear_ibuf [dreg:s7], $0x2FFFF;
	_ =	strace $0x9FFFFFFF  }
0xc3: {  	(tm) =	ssettm $0x7FFFFFFF  }
tec
execute0_lowered:
.L_overlay_start_1:
0x0: {  	(tag) =	ssettag $0x1  }
0x1: {  	s1 =	rddreg [dreg:$0x0]  }
0x2: {  	s0 =	rddreg [dreg:$0x1]  }
0x3: {  	s2 =	rddreg [dreg:$0x2];
	s3 =	srdreg.scid  }
0x4: {  	s4 =	simm.s32 $0x0;
	s8 =	stileid.u32;
	s16 =	simm.s32 $0x2800  }
0x5: {  	s17 =	simm.s32 $0x5;
	s18 =	simm.s32 $0x1400;
	s19 =	simm.s32 $0x80  }
0x6: {  	s28 =	simm.s32 $0x8800;
	s29 =	simm.s32 $0x2700;
	s30 =	simm.s32 $0x2740  }
0x7: {  	s31 =	simm.s32 $0x2780;
	s3 =	sand.u32 $0x1, s3;
	s6 =	smul.u32 $0x13C00, s8  }
0x8: {  	[smem:$0x7FF] =	sst s4;
	s12 =	sadd.s32 $0x1A00, s0;
	s20 =	smul.u32 $0x4F000, s8  }
0x9: {  	s13 =	sadd.s32 $0xBA00, s0;
	s21 =	sshll.u32 s8, $0x1;
	s5 =	smul.u32 $0x13C000, s3  }
0xa: {  	_ =	strace $0x8000004A;
	s22 =	ssub.s32 $0x2, s3;
	s3 =	sor.u32 s3, s21  }
0xb: {  	s21 =	simm.s32 $0x1;
	s23 =	sshrl.u32 s20, $0x2;
	s24 =	sshrl.u32 s22, $0x1  }
0xc: {  	s3 =	smul.u32 $0x2800, s3;
	s20 =	simm.s32 $0x6800;
	s5 =	sadd.s32 s6, s5  }
0xd: {  	s6 =	ssub.s32 s22, s24;
	s22 =	simm.s32 $0x40;
	s24 =	simm.s32 $0x3  }
0xe: {  	s7 =	sshrl.u32 s5, $0x3;
	s5 =	sadd.s32 s23, s2;
	s3 =	sshrl.u32 s3, $0x3  }
0xf: {  	s15 =	smax.u32 s6, $0x1;
	s23 =	simm.s32 $0x4800;
	s0 =	sadd.s32 s7, s0  }
0x10: {  	s25 =	sadd.s32 $0x4000, s5;
	s26 =	sadd.s32 $0x8000, s5;
	s8 =	sadd.s32 $0xC000, s5  }
0x11: {  	s9 =	sadd.s32 $0x10000, s5;
	s10 =	sadd.s32 s12, s3;
	[dreg:$0x4] =	wrdreg s25  }
0x12: {  	s14 =	sadd.s32 $0x280, s3;
	s11 =	sadd.s32 s13, s3;
	[dreg:$0x5] =	wrdreg s26  }
0x13: {  	s12 =	sadd.s32 s12, s14;
	s13 =	sadd.s32 s13, s14;
	s14 =	sadd.s32 $0x15A00, s0  }
0x14: {  	v0 =	vimm.f32 $0.0e+00;
	s25 =	simm.s32 $0x4;
	s26 =	simm.s32 $0x2;
	s0 =	simm.s32 $0x27C0  }
.LBB2_1:
0x15: {  	s3 =	simm.s32 $0x0;
	s6 =	simm.s32 $0x200  }
.LBB2_2:
0x16: {  	p0 =	sne.s32 s6, $0xFE00;
	[tilespmem:s3+$0x2870] =	vst v0  }
0x17: {  	[tilespmem:s3+$0x2800] =	vst v0  }
0x18: {  	[tilespmem:s3+$0x2810] =	vst v0  }
.Ltmp0:
0x19: {  	[tilespmem:s3+$0x2820] =	vst v0;
	(pc) =	sbr.rel @p0 .LBB2_2-.Ltmp0, $4  }
0x1a: {  	[tilespmem:s3+$0x2830] =	vst v0  }
0x1b: {  	[tilespmem:s3+$0x2840] =	vst v0  }
0x1c: {  	[tilespmem:s3+$0x2850] =	vst v0  }
0x1d: {  	[tilespmem:s3+$0x2860] =	vst v0;
	s3 =	sshra.s32 s6, $0x2;
	s6 =	sadd.s32 $0x200, s6  }
0x1e: {  	[tilespmem:s3+$0x2870] =	vst v0  }
0x1f: {  	[tilespmem:s3+$0x2800] =	vst v0  }
0x20: {  	[tilespmem:s3+$0x2810] =	vst v0  }
0x21: {  	[tilespmem:s3+$0x2820] =	vst v0  }
0x22: {  	[tilespmem:s3+$0x2830] =	vst v0  }
0x23: {  	[tilespmem:s3+$0x2840] =	vst v0  }
0x24: {  	[tilespmem:s3+$0x2850] =	vst v0  }
0x25: {  	[tilespmem:s3+$0x2860] =	vst v0  }
0x26: {  	[spmem:s5] =	stream.linear.scatter [tilespmem:s16], [sflag:$0x5], $0x4000, $0x38;
	[tilespmem:$0x1E400] =	vst v63  }
0x27: {  	_ =	swait.ge [sflag:s17], $0x4000  }
0x28: {  	[sflag:s17] =	ssyncset.done $0x0  }
0x29: {  	s6 =	rddreg [dreg:$0x4];
	[sflag:s17] =	ssyncadd.s32 $0xFFFFC000  }
0x2a: {  	[spmem:s6] =	stream.linear.scatter [tilespmem:s16], [sflag:$0x5], $0x4000, $0x38;
	[tilespmem:$0x1E400] =	vst v63  }
0x2b: {  	_ =	swait.ge [sflag:s17], $0x4000  }
0x2c: {  	[sflag:s17] =	ssyncset.done $0x0  }
0x2d: {  	s7 =	rddreg [dreg:$0x5];
	[sflag:s17] =	ssyncadd.s32 $0xFFFFC000  }
0x2e: {  	[spmem:s7] =	stream.linear.scatter [tilespmem:s16], [sflag:$0x5], $0x4000, $0x38;
	[tilespmem:$0x1E400] =	vst v63  }
0x2f: {  	_ =	swait.ge [sflag:s17], $0x4000  }
0x30: {  	[sflag:s17] =	ssyncset.done $0x0  }
0x31: {  	[sflag:s17] =	ssyncadd.s32 $0xFFFFC000  }
0x32: {  	[spmem:s8] =	stream.linear.scatter [tilespmem:s16], [sflag:$0x5], $0x4000, $0x38;
	[tilespmem:$0x1E400] =	vst v63  }
0x33: {  	_ =	swait.ge [sflag:s17], $0x4000  }
0x34: {  	[sflag:s17] =	ssyncset.done $0x0  }
0x35: {  	[sflag:s17] =	ssyncadd.s32 $0xFFFFC000  }
0x36: {  	[spmem:s9] =	stream.linear.scatter [tilespmem:s16], [sflag:$0x5], $0x3C00, $0x38;
	[tilespmem:$0x1E400] =	vst v63  }
0x37: {  	_ =	swait.ge [sflag:s17], $0x3C00  }
0x38: {  	[sflag:s17] =	ssyncset.done $0x0  }
0x39: {  	[sflag:s17] =	ssyncadd.s32 $0xFFFFC400  }
0x3a: {  	s6 =	simm.s32 $0x0;
	[bflag:$0x0] =	sbarrier.arrive $0xFFFF  }
0x3b: {  	[tilespmem:s6], [sflag:$0x5] =	stream.linear.gather [hbm4b:s10+s6], $0x1400, $0x38;
	[tilespmem:$0x1E400] =	vst v63  }
0x3c: {  	_ =	swait.ge [sflag:s17], $0x1400  }
0x3d: {  	[sflag:s17] =	ssyncset.done $0x0  }
0x3e: {  	[sflag:s17] =	ssyncadd.s32 $0xFFFFEC00  }
0x3f: {  	[tilespmem:s18], [sflag:$0x5] =	stream.linear.gather [hbm4b:s11+s6], $0x1400, $0x38;
	[tilespmem:$0x1E400] =	vst v63  }
0x40: {  	_ =	swait.ge [sflag:s17], $0x1400  }
0x41: {  	[sflag:s17] =	ssyncset.done $0x0  }
0x42: {  	[sflag:s17] =	ssyncadd.s32 $0xFFFFEC00  }
0x43: {  	[tilespmem:s16], [sflag:$0x1] =	stream.indirect.gather [hbm4b:s1+s19], $0x80, s6, s19, $0xb8;
	[tilespmem:$0x1E400] =	vst v63  }
0x44: {  	_ = 	snop  }
0x45: {  	[tilespmem:s20], [sflag:$0x2] =	stream.indirect.gather [hbm4b:s1+s19], $0x80, s19, s19, $0xb8;
	[tilespmem:$0x1E400] =	vst v63  }
0x46: {  	_ =	swait.ge [sflag:s21], $0x4000  }
0x47: {  	[sflag:s21] =	ssyncset.done $0x0  }
0x48: {  	s7 =	simm.s32 $0x1400;
	[sflag:s21] =	ssyncadd.s32 $0xFFFFC000  }
0x49: {  	[spmem:s2] =	stream.indirect.scatter.add.f32 [tilespmem:s16], [sflag:$0x3], $0x80, s7, s22, $0xb8;
	[tilespmem:$0x1E400] =	vst v63  }
0x4a: {  	s6 =	simm.s32 $0x1440  }
0x4b: {  	[spmem:s2] =	stream.indirect.scatter.add.f32 [tilespmem:s23], [sflag:$0x4], $0x80, s6, s22, $0xb8;
	[tilespmem:$0x1E400] =	vst v63  }
0x4c: {  	_ =	swait.ge [sflag:s24], $0x2000  }
0x4d: {  	[sflag:s24] =	ssyncset.done $0x0  }
0x4e: {  	[sflag:s24] =	ssyncadd.s32 $0xFFFFE000  }
0x4f: {  	_ =	swait.ge [sflag:s25], $0x2000  }
0x50: {  	[sflag:s25] =	ssyncset.done $0x0  }
0x51: {  	s7 =	simm.s32 $0x100;
	[sflag:s25] =	ssyncadd.s32 $0xFFFFE000  }
0x52: {  	[tilespmem:s16], [sflag:$0x1] =	stream.indirect.gather [hbm4b:s1+s19], $0x80, s7, s19, $0xb8;
	[tilespmem:$0x1E400] =	vst v63  }
0x53: {  	_ =	swait.ge [sflag:s26], $0x4000  }
0x54: {  	[sflag:s26] =	ssyncset.done $0x0  }
0x55: {  	s6 =	simm.s32 $0x1480;
	[sflag:s26] =	ssyncadd.s32 $0xFFFFC000  }
0x56: {  	[spmem:s2] =	stream.indirect.scatter.add.f32 [tilespmem:s20], [sflag:$0x3], $0x80, s6, s22, $0xb8;
	[tilespmem:$0x1E400] =	vst v63  }
0x57: {  	s7 =	simm.s32 $0x14C0  }
0x58: {  	[spmem:s2] =	stream.indirect.scatter.add.f32 [tilespmem:s28], [sflag:$0x4], $0x80, s7, s22, $0xb8;
	[tilespmem:$0x1E400] =	vst v63  }
0x59: {  	_ =	swait.ge [sflag:s24], $0x2000  }
0x5a: {  	[sflag:s24] =	ssyncset.done $0x0  }
0x5b: {  	[sflag:s24] =	ssyncadd.s32 $0xFFFFE000  }
0x5c: {  	_ =	swait.ge [sflag:s25], $0x2000  }
0x5d: {  	[sflag:s25] =	ssyncset.done $0x0  }
0x5e: {  	s3 =	simm.s32 $0x400;
	s6 =	simm.s32 $0x180;
	[sflag:s25] =	ssyncadd.s32 $0xFFFFE000  }
.LBB2_4:
0x5f: {  	[tilespmem:s20], [sflag:$0x2] =	stream.indirect.gather [hbm4b:s1+s19], $0x80, s6, s19, $0xb8;
	[tilespmem:$0x1E400] =	vst v63  }
0x60: {  	s6 =	smov.u32 s3  }
0x61: {  	p0 =	sne.s32 s3, $0x4800;
	s3 =	sadd.s32 $0x400, s3;
	_ =	swait.ge [sflag:s21], $0x4000  }
0x62: {  	s6 =	sshra.s32 s6, $0x2;
	[sflag:s21] =	ssyncset.done $0x0  }
0x63: {  	s7 =	sadd.s32 $0x1400, s6;
	[sflag:s21] =	ssyncadd.s32 $0xFFFFC000  }
0x64: {  	[spmem:s2] =	stream.indirect.scatter.add.f32 [tilespmem:s16], [sflag:$0x3], $0x80, s7, s22, $0xb8;
	[tilespmem:$0x1E400] =	vst v63  }
0x65: {  	s7 =	sadd.s32 $0x1440, s6  }
0x66: {  	[spmem:s2] =	stream.indirect.scatter.add.f32 [tilespmem:s23], [sflag:$0x4], $0x80, s7, s22, $0xb8;
	[tilespmem:$0x1E400] =	vst v63  }
0x67: {  	_ =	swait.ge [sflag:s24], $0x2000  }
0x68: {  	[sflag:s24] =	ssyncset.done $0x0  }
0x69: {  	[sflag:s24] =	ssyncadd.s32 $0xFFFFE000  }
0x6a: {  	_ =	swait.ge [sflag:s25], $0x2000  }
0x6b: {  	[sflag:s25] =	ssyncset.done $0x0  }
0x6c: {  	s7 =	sadd.s32 $0x100, s6;
	[sflag:s25] =	ssyncadd.s32 $0xFFFFE000  }
0x6d: {  	[tilespmem:s16], [sflag:$0x1] =	stream.indirect.gather [hbm4b:s1+s19], $0x80, s7, s19, $0xb8;
	[tilespmem:$0x1E400] =	vst v63  }
0x6e: {  	_ =	swait.ge [sflag:s26], $0x4000  }
0x6f: {  	[sflag:s26] =	ssyncset.done $0x0  }
0x70: {  	s7 =	sadd.s32 $0x1480, s6;
	[sflag:s26] =	ssyncadd.s32 $0xFFFFC000  }
0x71: {  	[spmem:s2] =	stream.indirect.scatter.add.f32 [tilespmem:s20], [sflag:$0x3], $0x80, s7, s22, $0xb8;
	[tilespmem:$0x1E400] =	vst v63  }
0x72: {  	s7 =	sadd.s32 $0x14C0, s6  }
0x73: {  	[spmem:s2] =	stream.indirect.scatter.add.f32 [tilespmem:s28], [sflag:$0x4], $0x80, s7, s22, $0xb8;
	[tilespmem:$0x1E400] =	vst v63  }
0x74: {  	_ =	swait.ge [sflag:s24], $0x2000  }
.Ltmp1:
0x75: {  	[sflag:s24] =	ssyncset.done $0x0;
	(pc) =	sbr.rel @p0 .LBB2_4-.Ltmp1, $4  }
0x76: {  	[sflag:s24] =	ssyncadd.s32 $0xFFFFE000  }
0x77: {  	_ =	swait.ge [sflag:s25], $0x2000  }
0x78: {  	[sflag:s25] =	ssyncset.done $0x0  }
0x79: {  	s6 =	sadd.s32 $0x180, s6;
	[sflag:s25] =	ssyncadd.s32 $0xFFFFE000  }
0x7a: {  	[tilespmem:s20], [sflag:$0x2] =	stream.indirect.gather [hbm4b:s1+s19], $0x80, s6, s19, $0xb8;
	[tilespmem:$0x1E400] =	vst v63  }
0x7b: {  	_ =	swait.ge [sflag:s21], $0x4000  }
0x7c: {  	[sflag:s21] =	ssyncset.done $0x0  }
0x7d: {  	[sflag:s21] =	ssyncadd.s32 $0xFFFFC000  }
0x7e: {  	[spmem:s2] =	stream.indirect.scatter.add.f32 [tilespmem:s16], [sflag:$0x3], $0x80, s29, s22, $0xb8;
	[tilespmem:$0x1E400] =	vst v63  }
0x7f: {  	_ = 	snop  }
0x80: {  	[spmem:s2] =	stream.indirect.scatter.add.f32 [tilespmem:s23], [sflag:$0x4], $0x80, s30, s22, $0xb8;
	[tilespmem:$0x1E400] =	vst v63  }
0x81: {  	_ =	swait.ge [sflag:s24], $0x2000  }
0x82: {  	[sflag:s24] =	ssyncset.done $0x0  }
0x83: {  	[sflag:s24] =	ssyncadd.s32 $0xFFFFE000  }
0x84: {  	_ =	swait.ge [sflag:s25], $0x2000  }
0x85: {  	[sflag:s25] =	ssyncset.done $0x0  }
0x86: {  	[sflag:s25] =	ssyncadd.s32 $0xFFFFE000  }
0x87: {  	_ =	swait.ge [sflag:s26], $0x4000  }
0x88: {  	[sflag:s26] =	ssyncset.done $0x0  }
0x89: {  	[sflag:s26] =	ssyncadd.s32 $0xFFFFC000  }
0x8a: {  	[spmem:s2] =	stream.indirect.scatter.add.f32 [tilespmem:s20], [sflag:$0x3], $0x80, s31, s22, $0xb8;
	[tilespmem:$0x1E400] =	vst v63  }
0x8b: {  	_ = 	snop  }
0x8c: {  	[spmem:s2] =	stream.indirect.scatter.add.f32 [tilespmem:s28], [sflag:$0x4], $0x80, s0, s22, $0xb8;
	[tilespmem:$0x1E400] =	vst v63  }
0x8d: {  	_ =	swait.ge [sflag:s24], $0x2000  }
0x8e: {  	[sflag:s24] =	ssyncset.done $0x0  }
0x8f: {  	[sflag:s24] =	ssyncadd.s32 $0xFFFFE000  }
0x90: {  	_ =	swait.ge [sflag:s25], $0x2000  }
0x91: {  	[sflag:s25] =	ssyncset.done $0x0  }
0x92: {  	s3 =	simm.s32 $0x0;
	[sflag:s25] =	ssyncadd.s32 $0xFFFFE000  }
0x93: {  	[tilespmem:s3], [sflag:$0x5] =	stream.linear.gather [hbm4b:s12+s3], $0x1400, $0x38;
	[tilespmem:$0x1E400] =	vst v63  }
0x94: {  	_ =	swait.ge [sflag:s17], $0x1400  }
0x95: {  	[sflag:s17] =	ssyncset.done $0x0  }
0x96: {  	[sflag:s17] =	ssyncadd.s32 $0xFFFFEC00  }
0x97: {  	[tilespmem:s18], [sflag:$0x5] =	stream.linear.gather [hbm4b:s13+s3], $0x1400, $0x38;
	[tilespmem:$0x1E400] =	vst v63  }
0x98: {  	_ =	swait.ge [sflag:s17], $0x1400  }
0x99: {  	[sflag:s17] =	ssyncset.done $0x0  }
0x9a: {  	[sflag:s17] =	ssyncadd.s32 $0xFFFFEC00  }
0x9b: {  	[tilespmem:s16], [sflag:$0x1] =	stream.indirect.gather [hbm4b:s1+s19], $0x80, s3, s19, $0xb8;
	[tilespmem:$0x1E400] =	vst v63  }
0x9c: {  	_ = 	snop  }
0x9d: {  	[tilespmem:s20], [sflag:$0x2] =	stream.indirect.gather [hbm4b:s1+s19], $0x80, s19, s19, $0xb8;
	[tilespmem:$0x1E400] =	vst v63  }
0x9e: {  	_ =	swait.ge [sflag:s21], $0x4000  }
0x9f: {  	[sflag:s21] =	ssyncset.done $0x0  }
0xa0: {  	s7 =	simm.s32 $0x1400;
	[sflag:s21] =	ssyncadd.s32 $0xFFFFC000  }
0xa1: {  	[spmem:s2] =	stream.indirect.scatter.add.f32 [tilespmem:s16], [sflag:$0x3], $0x80, s7, s22, $0xb8;
	[tilespmem:$0x1E400] =	vst v63  }
0xa2: {  	s6 =	simm.s32 $0x1440  }
0xa3: {  	[spmem:s2] =	stream.indirect.scatter.add.f32 [tilespmem:s23], [sflag:$0x4], $0x80, s6, s22, $0xb8;
	[tilespmem:$0x1E400] =	vst v63  }
0xa4: {  	_ =	swait.ge [sflag:s24], $0x2000  }
0xa5: {  	[sflag:s24] =	ssyncset.done $0x0  }
0xa6: {  	[sflag:s24] =	ssyncadd.s32 $0xFFFFE000  }
0xa7: {  	_ =	swait.ge [sflag:s25], $0x2000  }
0xa8: {  	[sflag:s25] =	ssyncset.done $0x0  }
0xa9: {  	s7 =	simm.s32 $0x100;
	[sflag:s25] =	ssyncadd.s32 $0xFFFFE000  }
0xaa: {  	[tilespmem:s16], [sflag:$0x1] =	stream.indirect.gather [hbm4b:s1+s19], $0x80, s7, s19, $0xb8;
	[tilespmem:$0x1E400] =	vst v63  }
0xab: {  	_ =	swait.ge [sflag:s26], $0x4000  }
0xac: {  	[sflag:s26] =	ssyncset.done $0x0  }
0xad: {  	s6 =	simm.s32 $0x1480;
	[sflag:s26] =	ssyncadd.s32 $0xFFFFC000  }
0xae: {  	[spmem:s2] =	stream.indirect.scatter.add.f32 [tilespmem:s20], [sflag:$0x3], $0x80, s6, s22, $0xb8;
	[tilespmem:$0x1E400] =	vst v63  }
0xaf: {  	s7 =	simm.s32 $0x14C0  }
0xb0: {  	[spmem:s2] =	stream.indirect.scatter.add.f32 [tilespmem:s28], [sflag:$0x4], $0x80, s7, s22, $0xb8;
	[tilespmem:$0x1E400] =	vst v63  }
0xb1: {  	_ =	swait.ge [sflag:s24], $0x2000  }
0xb2: {  	[sflag:s24] =	ssyncset.done $0x0  }
0xb3: {  	[sflag:s24] =	ssyncadd.s32 $0xFFFFE000  }
0xb4: {  	_ =	swait.ge [sflag:s25], $0x2000  }
0xb5: {  	[sflag:s25] =	ssyncset.done $0x0  }
0xb6: {  	s3 =	simm.s32 $0x400;
	s6 =	simm.s32 $0x180;
	[sflag:s25] =	ssyncadd.s32 $0xFFFFE000  }
.LBB2_6:
0xb7: {  	[tilespmem:s20], [sflag:$0x2] =	stream.indirect.gather [hbm4b:s1+s19], $0x80, s6, s19, $0xb8;
	[tilespmem:$0x1E400] =	vst v63  }
0xb8: {  	s6 =	smov.u32 s3  }
0xb9: {  	p0 =	sne.s32 s3, $0x4800;
	s3 =	sadd.s32 $0x400, s3;
	_ =	swait.ge [sflag:s21], $0x4000  }
0xba: {  	s6 =	sshra.s32 s6, $0x2;
	[sflag:s21] =	ssyncset.done $0x0  }
0xbb: {  	s7 =	sadd.s32 $0x1400, s6;
	[sflag:s21] =	ssyncadd.s32 $0xFFFFC000  }
0xbc: {  	[spmem:s2] =	stream.indirect.scatter.add.f32 [tilespmem:s16], [sflag:$0x3], $0x80, s7, s22, $0xb8;
	[tilespmem:$0x1E400] =	vst v63  }
0xbd: {  	s7 =	sadd.s32 $0x1440, s6  }
0xbe: {  	[spmem:s2] =	stream.indirect.scatter.add.f32 [tilespmem:s23], [sflag:$0x4], $0x80, s7, s22, $0xb8;
	[tilespmem:$0x1E400] =	vst v63  }
0xbf: {  	_ =	swait.ge [sflag:s24], $0x2000  }
0xc0: {  	[sflag:s24] =	ssyncset.done $0x0  }
0xc1: {  	[sflag:s24] =	ssyncadd.s32 $0xFFFFE000  }
0xc2: {  	_ =	swait.ge [sflag:s25], $0x2000  }
0xc3: {  	[sflag:s25] =	ssyncset.done $0x0  }
0xc4: {  	s7 =	sadd.s32 $0x100, s6;
	[sflag:s25] =	ssyncadd.s32 $0xFFFFE000  }
0xc5: {  	[tilespmem:s16], [sflag:$0x1] =	stream.indirect.gather [hbm4b:s1+s19], $0x80, s7, s19, $0xb8;
	[tilespmem:$0x1E400] =	vst v63  }
0xc6: {  	_ =	swait.ge [sflag:s26], $0x4000  }
0xc7: {  	[sflag:s26] =	ssyncset.done $0x0  }
0xc8: {  	s7 =	sadd.s32 $0x1480, s6;
	[sflag:s26] =	ssyncadd.s32 $0xFFFFC000  }
0xc9: {  	[spmem:s2] =	stream.indirect.scatter.add.f32 [tilespmem:s20], [sflag:$0x3], $0x80, s7, s22, $0xb8;
	[tilespmem:$0x1E400] =	vst v63  }
0xca: {  	s7 =	sadd.s32 $0x14C0, s6  }
0xcb: {  	[spmem:s2] =	stream.indirect.scatter.add.f32 [tilespmem:s28], [sflag:$0x4], $0x80, s7, s22, $0xb8;
	[tilespmem:$0x1E400] =	vst v63  }
0xcc: {  	_ =	swait.ge [sflag:s24], $0x2000  }
.Ltmp2:
0xcd: {  	[sflag:s24] =	ssyncset.done $0x0;
	(pc) =	sbr.rel @p0 .LBB2_6-.Ltmp2, $4  }
0xce: {  	[sflag:s24] =	ssyncadd.s32 $0xFFFFE000  }
0xcf: {  	_ =	swait.ge [sflag:s25], $0x2000  }
0xd0: {  	[sflag:s25] =	ssyncset.done $0x0  }
0xd1: {  	s6 =	sadd.s32 $0x180, s6;
	[sflag:s25] =	ssyncadd.s32 $0xFFFFE000  }
0xd2: {  	[tilespmem:s20], [sflag:$0x2] =	stream.indirect.gather [hbm4b:s1+s19], $0x80, s6, s19, $0xb8;
	[tilespmem:$0x1E400] =	vst v63  }
0xd3: {  	_ =	swait.ge [sflag:s21], $0x4000  }
0xd4: {  	[sflag:s21] =	ssyncset.done $0x0  }
0xd5: {  	[sflag:s21] =	ssyncadd.s32 $0xFFFFC000  }
0xd6: {  	[spmem:s2] =	stream.indirect.scatter.add.f32 [tilespmem:s16], [sflag:$0x3], $0x80, s29, s22, $0xb8;
	[tilespmem:$0x1E400] =	vst v63  }
0xd7: {  	_ = 	snop  }
0xd8: {  	[spmem:s2] =	stream.indirect.scatter.add.f32 [tilespmem:s23], [sflag:$0x4], $0x80, s30, s22, $0xb8;
	[tilespmem:$0x1E400] =	vst v63  }
0xd9: {  	_ =	swait.ge [sflag:s24], $0x2000  }
0xda: {  	[sflag:s24] =	ssyncset.done $0x0  }
0xdb: {  	[sflag:s24] =	ssyncadd.s32 $0xFFFFE000  }
0xdc: {  	_ =	swait.ge [sflag:s25], $0x2000  }
0xdd: {  	[sflag:s25] =	ssyncset.done $0x0  }
0xde: {  	[sflag:s25] =	ssyncadd.s32 $0xFFFFE000  }
0xdf: {  	_ =	swait.ge [sflag:s26], $0x4000  }
0xe0: {  	[sflag:s26] =	ssyncset.done $0x0  }
0xe1: {  	[sflag:s26] =	ssyncadd.s32 $0xFFFFC000  }
0xe2: {  	[spmem:s2] =	stream.indirect.scatter.add.f32 [tilespmem:s20], [sflag:$0x3], $0x80, s31, s22, $0xb8;
	[tilespmem:$0x1E400] =	vst v63  }
0xe3: {  	_ = 	snop  }
0xe4: {  	[spmem:s2] =	stream.indirect.scatter.add.f32 [tilespmem:s28], [sflag:$0x4], $0x80, s0, s22, $0xb8;
	[tilespmem:$0x1E400] =	vst v63  }
0xe5: {  	_ =	swait.ge [sflag:s24], $0x2000  }
0xe6: {  	[sflag:s24] =	ssyncset.done $0x0  }
0xe7: {  	[sflag:s24] =	ssyncadd.s32 $0xFFFFE000  }
0xe8: {  	s3 =	stileid.u32;
	_ =	swait.ge [sflag:s25], $0x2000  }
0xe9: {  	s7 =	sshrl.u32 s5, $0x3;
	s4 =	sadd.s32 $0x1, s4;
	[sflag:s25] =	ssyncset.done $0x0  }
0xea: {  	s3 =	sshll.u32 s3, $0x6;
	p0 =	sne.s32 s4, s15;
	[sflag:s25] =	ssyncadd.s32 $0xFFFFE000  }
.Ltmp3:
0xeb: {  	s3 =	sor.u32 $0x1C05, s3;
	[bflag:$0x0] =	sbarrier.arrive $0xFFFF;
	(pc) =	sbr.rel @p0 .LBB2_1-.Ltmp3, $4  }
0xec: {  	[hbm:s14], [sflag:s3] =	dma.local [spmem:s7], $0x2780  }
0xed: {  	_ =	swait.ge [sflag:s17], $0x2780  }
0xee: {  	[sflag:s17] =	ssyncset.done $0x0  }
0xef: {  	[sflag:s17] =	ssyncadd.s32 $0xFFFFD880  }
0xf0: {  	_ =	sfence.sel $0x180000  }
0xf1: {  	[bflag:$0x0] =	sbarrier.arrive $0xFFFF  }
0xf2: {  	_ =	strace $0x9000004A  }
0xf3: {  	s0 =	stileid.u32;
	[bflag:$0x2] =	sbarrier.arrive $0xFFFF  }
0xf4: {  	p0 =	sne.s32 s0, $0x0;
	s0 =	rddreg [dreg:$0x3]  }
0xf5: {  	s0 =	sadd.s32 @!p0 $0x100000, s0  }
0xf6: {  	[sflag:s0] =	ssyncadd.tile.s32 @!p0 $0x1;
	_ =	shalt  }
.Lfunc_end2:
_tile_overlayer_lowered:
.L_overlay_start_2:
0xf7: {  	(tag) =	ssettag $0x2  }
0xf8: {  	s0 =	rddreg [dreg:$0x0];
	s2 =	stileid.u32  }
0xf9: {  	s1 =	rddreg [dreg:$0x1];
	p0 =	sne.s32 s2, $0x0  }
0xfa: {  	s3 =	rddreg [dreg:$0x2];
	[bflag:$0x3] =	sbarrier.arrive $0xFFFF;
	s2 =	simm.s32 @!p0 $0x1C05  }
0xfb: {  	[timem:s3], [sflag:s2] =	dma.local @!p0 [hbm:s0], s1  }
0xfc: {  	s0 =	simm.s32 @!p0 $0x5  }
0xfd: {  	_ =	swait.ge @!p0 [sflag:s0], s1  }
0xfe: {  	s1 =	ssub.s32 @!p0 $0x0, s1;
	[sflag:s0] =	ssyncset.done @!p0 $0x0  }
0xff: {  	[sflag:s0] =	ssyncadd.s32 @!p0 s1  }
0x100: {  	[bflag:$0x3] =	sbarrier.arrive $0xFFFF  }
0x101: {  	_ =	shalt  }

</sc_bundles>
